<compile_context>
chip_gen: v7x
topology: tpu7x:2x2x1
jax: 0.10.2.dev20260603
libtpu: 0.0.44.dev20260713+nightly
codegen_flags: <defaults>
</compile_context>

<pallas_src>
import jax
import jax.numpy as jnp
import numpy as np
from jax import lax
from jax.experimental import pallas as pl
from jax.experimental.pallas import tpu as pltpu
from jax.experimental.pallas import tpu_sc as plsc

_NC = 2
_NS = 16
_NW = _NC * _NS
_L = 16
_BINS = 256
_INV_W = 256.0 / 255.0
_INV_W_DN = float(np.nextafter(np.float32(_INV_W), np.float32(0.0)))

_ROWS = 8192
_COLS = 4096
_ROWS_PER_W = _ROWS // _NW
_CROWS = 8
_NBUF = 2
_NCHUNK = _ROWS_PER_W // _CROWS
_UNROLL = 8


def _sc_body(x_hbm, out_hbm, buf, hist2d, histv, sem0, sem1):
    sems = (sem0, sem1)
    wid = lax.axis_index("s") * _NC + lax.axis_index("c")
    base = wid * _ROWS_PER_W

    lanes = lax.iota(jnp.int32, _L)
    lanes16 = lanes * _L
    ones = jnp.full((_L,), 1.0, jnp.float32)
    zeros = jnp.zeros((_L,), jnp.float32)

    for r in range(_BINS):
        hist2d[pl.ds(r * _L, _L)] = zeros

    for b in range(_NBUF):
        pltpu.async_copy(
            x_hbm.at[pl.ds(base + b * _CROWS, _CROWS)], buf.at[b], sems[b])

    def chunk_pair(j, carry):
        for b in range(_NBUF):
            c = j * _NBUF + b
            src = x_hbm.at[pl.ds(base + c * _CROWS, _CROWS)]
            pltpu.make_async_copy(src, buf.at[b], sems[b]).wait()

            @plsc.parallel_loop(0, _CROWS * _COLS, _L, unroll=_UNROLL)
            def vec_body(off):
                row = lax.shift_right_logical(off, 12)
                col = lax.bitwise_and(off, _COLS - 1)
                x = buf[b, row, pl.ds(col, _L)]
                idx = (x * _INV_W_DN).astype(jnp.int32)
                flat = lax.shift_left(idx, 4) + lanes
                plsc.addupdate_scatter(hist2d, [flat], ones)

            nxt = c + _NBUF

            @pl.when(nxt < _NCHUNK)
            def _():
                pltpu.async_copy(
                    x_hbm.at[pl.ds(base + nxt * _CROWS, _CROWS)],
                    buf.at[b], sems[b])
        return carry

    lax.fori_loop(0, _NCHUNK // _NBUF, chunk_pair, 0)

    for g in range(_BINS // _L):
        acc = zeros
        for r in range(_L):
            addr = lanes16 + (g * _L * _L + r)
            acc = acc + plsc.load_gather(hist2d, [addr])
        histv[pl.ds(g * _L, _L)] = acc

    pltpu.sync_copy(histv, out_hbm.at[pl.ds(wid * _BINS, _BINS)])


_sc_hist = pl.kernel(
    _sc_body,
    out_type=jax.ShapeDtypeStruct((_NW * _BINS,), jnp.float32),
    mesh=plsc.VectorSubcoreMesh(core_axis_name="c", subcore_axis_name="s"),
    compiler_params=pltpu.CompilerParams(needs_layout_passes=False),
    scratch_types=[
        pltpu.VMEM((_NBUF, _CROWS, _COLS), jnp.float32),
        pltpu.VMEM((_BINS * _L,), jnp.float32),
        pltpu.VMEM((_BINS,), jnp.float32),
        pltpu.SemaphoreType.DMA,
        pltpu.SemaphoreType.DMA,
    ],
)


def _tc_reduce(parts_ref, bs_ref, hist_ref, count_ref):
    p = parts_ref[...]
    h = jnp.sum(p, axis=0, keepdims=True)
    hist_ref[...] = h
    col = lax.broadcasted_iota(jnp.int32, (1, _BINS), 1)
    h0 = jnp.sum(jnp.where(col == 0, h, 0.0))
    count_ref[...] = jnp.zeros((1, _BINS), jnp.float32) + bs_ref[0, 0] * h0


def kernel(batchsize, input):
    parts = _sc_hist(input).reshape(_NW, _BINS)
    bs = jnp.asarray(batchsize, jnp.float32).reshape(1, 1)
    hist, count = pl.pallas_call(
        _tc_reduce,
        out_shape=(
            jax.ShapeDtypeStruct((1, _BINS), jnp.float32),
            jax.ShapeDtypeStruct((1, _BINS), jnp.float32),
        ),
    )(parts, bs)
    return hist.reshape(_BINS), count.reshape(_BINS)

# --- scband reference (transcript-rebuilt; emitter-appended) ---
"""Pipeline reference for scband-get-intensity-histogram-10995116278400 (READ-ONLY COPY).

The authoritative reference and input builder live on the scoring server;
editing this copy changes nothing except your own understanding.
"""

import jax, jax.numpy as jnp
import numpy as np


def _histc(x, bins=256, vmin=0.0, vmax=255.0):
    # Faithful reimplementation of torch.histc(x, bins=256, min=0, max=255):
    # uniform bin edges on [vmin, vmax], values outside the range are ignored,
    # and the last bin is inclusive of vmax.
    width = (vmax - vmin) / bins
    idx = jnp.floor((x - vmin) / width).astype(jnp.int32)
    idx = jnp.clip(idx, 0, bins - 1)
    valid = (x >= vmin) & (x <= vmax)
    w = jnp.where(valid, jnp.float32(1.0), jnp.float32(0.0)).ravel()
    hist = jnp.zeros((bins,), dtype=jnp.float32).at[idx.ravel()].add(w)
    return hist


def setup_inputs(seed: int = 0):
    key = jax.random.key(seed)
    inp = jax.random.uniform(key, (8192, 4096), dtype=jnp.float32, minval=0.0, maxval=255.0)
    return {"batchsize": 8, "input": inp}


def reference(batchsize, input):
    # Original torch loop recomputes the identical histogram `batchsize` times
    # and accumulates the scalar hist[0] into every element of `count`.
    # Mathematically: count = batchsize * hist[0] broadcast over 256 entries.
    hist = _histc(input, bins=256, vmin=0.0, vmax=255.0)
    count = jnp.zeros((256,), dtype=jnp.float32)
    count = count + jnp.float32(batchsize) * hist[0]
    return (hist, count)

if __name__ == "__main__":
    import jax
    _d = setup_inputs()
    print(jax.jit(kernel)(*tuple(_d.values())))

</pallas_src>

<mosaic_0001>
#map = affine_map<(d0, d1) -> (0, 0)>
#map1 = affine_map<(d0, d1) -> (0)>
module attributes {stable_mosaic.version = 14 : i64} {
  func.func @_sc_body(%arg0: i32, %arg1: i32, %arg2: memref<8192x4096xf32, #tpu.memory_space<hbm>>, %arg3: memref<8192xf32, #tpu.memory_space<hbm>>, %arg4: memref<2x8x4096xf32, #tpu.memory_space<vmem>>, %arg5: memref<4096xf32, #tpu.memory_space<vmem>>, %arg6: memref<256xf32, #tpu.memory_space<vmem>>, %arg7: memref<!tpu.dma_semaphore, #tpu.memory_space<semaphore_mem>>, %arg8: memref<!tpu.dma_semaphore, #tpu.memory_space<semaphore_mem>>) attributes {dimension_semantics = [#tpu.dimension_semantics<core_parallel>, #tpu.dimension_semantics<subcore_parallel>], iteration_bounds = array<i64: 2, 16>, scalar_prefetch = 0 : i64, scratch_operands = 5 : i64, tpu.core_type = #tpu.core_type<sc_vector_subcore>, window_params = [{transform_indices = #map}, {transform_indices = #map1}]} {
    %mul3A = arith.constant 2 : i32
    %mul3A_0 = arith.muli %arg1, %mul3A : i32
    %add3A = arith.addi %mul3A_0, %arg0 : i32
    %mul3A_1 = arith.constant 256 : i32
    %mul3A_2 = arith.muli %add3A, %mul3A_1 : i32
    %iota3A = tpu.iota {dimensions = array<i32: 0>} : vector<16xi32>
    %mul3A_3 = arith.constant 16 : i32
    %mul3A_4 = vector.broadcast %mul3A_3 : i32 to vector<16xi32>
    %mul3A_5 = arith.muli %iota3A, %mul3A_4 : vector<16xi32>
    %broadcast_in_dim3A = arith.constant 1.000000e+00 : f32
    %broadcast_in_dim3A_6 = vector.broadcast %broadcast_in_dim3A : f32 to vector<16xf32>
    %broadcast_in_dim3A_7 = arith.constant 0.000000e+00 : f32
    %broadcast_in_dim3A_8 = vector.broadcast %broadcast_in_dim3A_7 : f32 to vector<16xf32>
    %swap3A = arith.constant 0 : index
    %swap3A_9 = tpu.vector_load %arg5[%swap3A] {strides = array<i32>} : memref<4096xf32, #tpu.memory_space<vmem>>, vector<16xf32>,
    tpu.vector_store %arg5[%swap3A], %broadcast_in_dim3A_8 {strides = array<i32>} : memref<4096xf32, #tpu.memory_space<vmem>>, vector<16xf32>,
    %swap3A_10 = arith.constant 16 : index
    %swap3A_11 = tpu.vector_load %arg5[%swap3A_10] {strides = array<i32>} : memref<4096xf32, #tpu.memory_space<vmem>>, vector<16xf32>,
    tpu.vector_store %arg5[%swap3A_10], %broadcast_in_dim3A_8 {strides = array<i32>} : memref<4096xf32, #tpu.memory_space<vmem>>, vector<16xf32>,
    %swap3A_12 = arith.constant 32 : index
    %swap3A_13 = tpu.vector_load %arg5[%swap3A_12] {strides = array<i32>} : memref<4096xf32, #tpu.memory_space<vmem>>, vector<16xf32>,
    tpu.vector_store %arg5[%swap3A_12], %broadcast_in_dim3A_8 {strides = array<i32>} : memref<4096xf32, #tpu.memory_space<vmem>>, vector<16xf32>,
    %swap3A_14 = arith.constant 48 : index
    %swap3A_15 = tpu.vector_load %arg5[%swap3A_14] {strides = array<i32>} : memref<4096xf32, #tpu.memory_space<vmem>>, vector<16xf32>,
    tpu.vector_store %arg5[%swap3A_14], %broadcast_in_dim3A_8 {strides = array<i32>} : memref<4096xf32, #tpu.memory_space<vmem>>, vector<16xf32>,
    %swap3A_16 = arith.constant 64 : index
    %swap3A_17 = tpu.vector_load %arg5[%swap3A_16] {strides = array<i32>} : memref<4096xf32, #tpu.memory_space<vmem>>, vector<16xf32>,
    tpu.vector_store %arg5[%swap3A_16], %broadcast_in_dim3A_8 {strides = array<i32>} : memref<4096xf32, #tpu.memory_space<vmem>>, vector<16xf32>,
    %swap3A_18 = arith.constant 80 : index
    %swap3A_19 = tpu.vector_load %arg5[%swap3A_18] {strides = array<i32>} : memref<4096xf32, #tpu.memory_space<vmem>>, vector<16xf32>,
    tpu.vector_store %arg5[%swap3A_18], %broadcast_in_dim3A_8 {strides = array<i32>} : memref<4096xf32, #tpu.memory_space<vmem>>, vector<16xf32>,
    %swap3A_20 = arith.constant 96 : index
    %swap3A_21 = tpu.vector_load %arg5[%swap3A_20] {strides = array<i32>} : memref<4096xf32, #tpu.memory_space<vmem>>, vector<16xf32>,
    tpu.vector_store %arg5[%swap3A_20], %broadcast_in_dim3A_8 {strides = array<i32>} : memref<4096xf32, #tpu.memory_space<vmem>>, vector<16xf32>,
    %swap3A_22 = arith.constant 112 : index
    %swap3A_23 = tpu.vector_load %arg5[%swap3A_22] {strides = array<i32>} : memref<4096xf32, #tpu.memory_space<vmem>>, vector<16xf32>,
    tpu.vector_store %arg5[%swap3A_22], %broadcast_in_dim3A_8 {strides = array<i32>} : memref<4096xf32, #tpu.memory_space<vmem>>, vector<16xf32>,
    %swap3A_24 = arith.constant 128 : index
    %swap3A_25 = tpu.vector_load %arg5[%swap3A_24] {strides = array<i32>} : memref<4096xf32, #tpu.memory_space<vmem>>, vector<16xf32>,
    tpu.vector_store %arg5[%swap3A_24], %broadcast_in_dim3A_8 {strides = array<i32>} : memref<4096xf32, #tpu.memory_space<vmem>>, vector<16xf32>,
    %swap3A_26 = arith.constant 144 : index
    %swap3A_27 = tpu.vector_load %arg5[%swap3A_26] {strides = array<i32>} : memref<4096xf32, #tpu.memory_space<vmem>>, vector<16xf32>,
    tpu.vector_store %arg5[%swap3A_26], %broadcast_in_dim3A_8 {strides = array<i32>} : memref<4096xf32, #tpu.memory_space<vmem>>, vector<16xf32>,
    %swap3A_28 = arith.constant 160 : index
    %swap3A_29 = tpu.vector_load %arg5[%swap3A_28] {strides = array<i32>} : memref<4096xf32, #tpu.memory_space<vmem>>, vector<16xf32>,
    tpu.vector_store %arg5[%swap3A_28], %broadcast_in_dim3A_8 {strides = array<i32>} : memref<4096xf32, #tpu.memory_space<vmem>>, vector<16xf32>,
    %swap3A_30 = arith.constant 176 : index
    %swap3A_31 = tpu.vector_load %arg5[%swap3A_30] {strides = array<i32>} : memref<4096xf32, #tpu.memory_space<vmem>>, vector<16xf32>,
    tpu.vector_store %arg5[%swap3A_30], %broadcast_in_dim3A_8 {strides = array<i32>} : memref<4096xf32, #tpu.memory_space<vmem>>, vector<16xf32>,
    %swap3A_32 = arith.constant 192 : index
    %swap3A_33 = tpu.vector_load %arg5[%swap3A_32] {strides = array<i32>} : memref<4096xf32, #tpu.memory_space<vmem>>, vector<16xf32>,
    tpu.vector_store %arg5[%swap3A_32], %broadcast_in_dim3A_8 {strides = array<i32>} : memref<4096xf32, #tpu.memory_space<vmem>>, vector<16xf32>,
    %swap3A_34 = arith.constant 208 : index
    %swap3A_35 = tpu.vector_load %arg5[%swap3A_34] {strides = array<i32>} : memref<4096xf32, #tpu.memory_space<vmem>>, vector<16xf32>,
    tpu.vector_store %arg5[%swap3A_34], %broadcast_in_dim3A_8 {strides = array<i32>} : memref<4096xf32, #tpu.memory_space<vmem>>, vector<16xf32>,
    %swap3A_36 = arith.constant 224 : index
    %swap3A_37 = tpu.vector_load %arg5[%swap3A_36] {strides = array<i32>} : memref<4096xf32, #tpu.memory_space<vmem>>, vector<16xf32>,
    tpu.vector_store %arg5[%swap3A_36], %broadcast_in_dim3A_8 {strides = array<i32>} : memref<4096xf32, #tpu.memory_space<vmem>>, vector<16xf32>,
    %swap3A_38 = arith.constant 240 : index
    %swap3A_39 = tpu.vector_load %arg5[%swap3A_38] {strides = array<i32>} : memref<4096xf32, #tpu.memory_space<vmem>>, vector<16xf32>,
    tpu.vector_store %arg5[%swap3A_38], %broadcast_in_dim3A_8 {strides = array<i32>} : memref<4096xf32, #tpu.memory_space<vmem>>, vector<16xf32>,
    %swap3A_40 = arith.constant 256 : index
    %swap3A_41 = tpu.vector_load %arg5[%swap3A_40] {strides = array<i32>} : memref<4096xf32, #tpu.memory_space<vmem>>, vector<16xf32>,
    tpu.vector_store %arg5[%swap3A_40], %broadcast_in_dim3A_8 {strides = array<i32>} : memref<4096xf32, #tpu.memory_space<vmem>>, vector<16xf32>,
    %swap3A_42 = arith.constant 272 : index
    %swap3A_43 = tpu.vector_load %arg5[%swap3A_42] {strides = array<i32>} : memref<4096xf32, #tpu.memory_space<vmem>>, vector<16xf32>,
    tpu.vector_store %arg5[%swap3A_42], %broadcast_in_dim3A_8 {strides = array<i32>} : memref<4096xf32, #tpu.memory_space<vmem>>, vector<16xf32>,
    %swap3A_44 = arith.constant 288 : index
    %swap3A_45 = tpu.vector_load %arg5[%swap3A_44] {strides = array<i32>} : memref<4096xf32, #tpu.memory_space<vmem>>, vector<16xf32>,
    tpu.vector_store %arg5[%swap3A_44], %broadcast_in_dim3A_8 {strides = array<i32>} : memref<4096xf32, #tpu.memory_space<vmem>>, vector<16xf32>,
    %swap3A_46 = arith.constant 304 : index
    %swap3A_47 = tpu.vector_load %arg5[%swap3A_46] {strides = array<i32>} : memref<4096xf32, #tpu.memory_space<vmem>>, vector<16xf32>,
    tpu.vector_store %arg5[%swap3A_46], %broadcast_in_dim3A_8 {strides = array<i32>} : memref<4096xf32, #tpu.memory_space<vmem>>, vector<16xf32>,
    %swap3A_48 = arith.constant 320 : index
    %swap3A_49 = tpu.vector_load %arg5[%swap3A_48] {strides = array<i32>} : memref<4096xf32, #tpu.memory_space<vmem>>, vector<16xf32>,
    tpu.vector_store %arg5[%swap3A_48], %broadcast_in_dim3A_8 {strides = array<i32>} : memref<4096xf32, #tpu.memory_space<vmem>>, vector<16xf32>,
    %swap3A_50 = arith.constant 336 : index
    %swap3A_51 = tpu.vector_load %arg5[%swap3A_50] {strides = array<i32>} : memref<4096xf32, #tpu.memory_space<vmem>>, vector<16xf32>,
    tpu.vector_store %arg5[%swap3A_50], %broadcast_in_dim3A_8 {strides = array<i32>} : memref<4096xf32, #tpu.memory_space<vmem>>, vector<16xf32>,
    %swap3A_52 = arith.constant 352 : index
    %swap3A_53 = tpu.vector_load %arg5[%swap3A_52] {strides = array<i32>} : memref<4096xf32, #tpu.memory_space<vmem>>, vector<16xf32>,
    tpu.vector_store %arg5[%swap3A_52], %broadcast_in_dim3A_8 {strides = array<i32>} : memref<4096xf32, #tpu.memory_space<vmem>>, vector<16xf32>,
    %swap3A_54 = arith.constant 368 : index
    %swap3A_55 = tpu.vector_load %arg5[%swap3A_54] {strides = array<i32>} : memref<4096xf32, #tpu.memory_space<vmem>>, vector<16xf32>,
    tpu.vector_store %arg5[%swap3A_54], %broadcast_in_dim3A_8 {strides = array<i32>} : memref<4096xf32, #tpu.memory_space<vmem>>, vector<16xf32>,
    %swap3A_56 = arith.constant 384 : index
    %swap3A_57 = tpu.vector_load %arg5[%swap3A_56] {strides = array<i32>} : memref<4096xf32, #tpu.memory_space<vmem>>, vector<16xf32>,
    tpu.vector_store %arg5[%swap3A_56], %broadcast_in_dim3A_8 {strides = array<i32>} : memref<4096xf32, #tpu.memory_space<vmem>>, vector<16xf32>,
    %swap3A_58 = arith.constant 400 : index
    %swap3A_59 = tpu.vector_load %arg5[%swap3A_58] {strides = array<i32>} : memref<4096xf32, #tpu.memory_space<vmem>>, vector<16xf32>,
    tpu.vector_store %arg5[%swap3A_58], %broadcast_in_dim3A_8 {strides = array<i32>} : memref<4096xf32, #tpu.memory_space<vmem>>, vector<16xf32>,
    %swap3A_60 = arith.constant 416 : index
    %swap3A_61 = tpu.vector_load %arg5[%swap3A_60] {strides = array<i32>} : memref<4096xf32, #tpu.memory_space<vmem>>, vector<16xf32>,
    tpu.vector_store %arg5[%swap3A_60], %broadcast_in_dim3A_8 {strides = array<i32>} : memref<4096xf32, #tpu.memory_space<vmem>>, vector<16xf32>,
    %swap3A_62 = arith.constant 432 : index
    %swap3A_63 = tpu.vector_load %arg5[%swap3A_62] {strides = array<i32>} : memref<4096xf32, #tpu.memory_space<vmem>>, vector<16xf32>,
    tpu.vector_store %arg5[%swap3A_62], %broadcast_in_dim3A_8 {strides = array<i32>} : memref<4096xf32, #tpu.memory_space<vmem>>, vector<16xf32>,
    %swap3A_64 = arith.constant 448 : index
    %swap3A_65 = tpu.vector_load %arg5[%swap3A_64] {strides = array<i32>} : memref<4096xf32, #tpu.memory_space<vmem>>, vector<16xf32>,
    tpu.vector_store %arg5[%swap3A_64], %broadcast_in_dim3A_8 {strides = array<i32>} : memref<4096xf32, #tpu.memory_space<vmem>>, vector<16xf32>,
    %swap3A_66 = arith.constant 464 : index
    %swap3A_67 = tpu.vector_load %arg5[%swap3A_66] {strides = array<i32>} : memref<4096xf32, #tpu.memory_space<vmem>>, vector<16xf32>,
    tpu.vector_store %arg5[%swap3A_66], %broadcast_in_dim3A_8 {strides = array<i32>} : memref<4096xf32, #tpu.memory_space<vmem>>, vector<16xf32>,
    %swap3A_68 = arith.constant 480 : index
    %swap3A_69 = tpu.vector_load %arg5[%swap3A_68] {strides = array<i32>} : memref<4096xf32, #tpu.memory_space<vmem>>, vector<16xf32>,
    tpu.vector_store %arg5[%swap3A_68], %broadcast_in_dim3A_8 {strides = array<i32>} : memref<4096xf32, #tpu.memory_space<vmem>>, vector<16xf32>,
    %swap3A_70 = arith.constant 496 : index
    %swap3A_71 = tpu.vector_load %arg5[%swap3A_70] {strides = array<i32>} : memref<4096xf32, #tpu.memory_space<vmem>>, vector<16xf32>,
    tpu.vector_store %arg5[%swap3A_70], %broadcast_in_dim3A_8 {strides = array<i32>} : memref<4096xf32, #tpu.memory_space<vmem>>, vector<16xf32>,
    %swap3A_72 = arith.constant 512 : index
    %swap3A_73 = tpu.vector_load %arg5[%swap3A_72] {strides = array<i32>} : memref<4096xf32, #tpu.memory_space<vmem>>, vector<16xf32>,
    tpu.vector_store %arg5[%swap3A_72], %broadcast_in_dim3A_8 {strides = array<i32>} : memref<4096xf32, #tpu.memory_space<vmem>>, vector<16xf32>,
    %swap3A_74 = arith.constant 528 : index
    %swap3A_75 = tpu.vector_load %arg5[%swap3A_74] {strides = array<i32>} : memref<4096xf32, #tpu.memory_space<vmem>>, vector<16xf32>,
    tpu.vector_store %arg5[%swap3A_74], %broadcast_in_dim3A_8 {strides = array<i32>} : memref<4096xf32, #tpu.memory_space<vmem>>, vector<16xf32>,
    %swap3A_76 = arith.constant 544 : index
    %swap3A_77 = tpu.vector_load %arg5[%swap3A_76] {strides = array<i32>} : memref<4096xf32, #tpu.memory_space<vmem>>, vector<16xf32>,
    tpu.vector_store %arg5[%swap3A_76], %broadcast_in_dim3A_8 {strides = array<i32>} : memref<4096xf32, #tpu.memory_space<vmem>>, vector<16xf32>,
    %swap3A_78 = arith.constant 560 : index
    %swap3A_79 = tpu.vector_load %arg5[%swap3A_78] {strides = array<i32>} : memref<4096xf32, #tpu.memory_space<vmem>>, vector<16xf32>,
    tpu.vector_store %arg5[%swap3A_78], %broadcast_in_dim3A_8 {strides = array<i32>} : memref<4096xf32, #tpu.memory_space<vmem>>, vector<16xf32>,
    %swap3A_80 = arith.constant 576 : index
    %swap3A_81 = tpu.vector_load %arg5[%swap3A_80] {strides = array<i32>} : memref<4096xf32, #tpu.memory_space<vmem>>, vector<16xf32>,
    tpu.vector_store %arg5[%swap3A_80], %broadcast_in_dim3A_8 {strides = array<i32>} : memref<4096xf32, #tpu.memory_space<vmem>>, vector<16xf32>,
    %swap3A_82 = arith.constant 592 : index
    %swap3A_83 = tpu.vector_load %arg5[%swap3A_82] {strides = array<i32>} : memref<4096xf32, #tpu.memory_space<vmem>>, vector<16xf32>,
    tpu.vector_store %arg5[%swap3A_82], %broadcast_in_dim3A_8 {strides = array<i32>} : memref<4096xf32, #tpu.memory_space<vmem>>, vector<16xf32>,
    %swap3A_84 = arith.constant 608 : index
    %swap3A_85 = tpu.vector_load %arg5[%swap3A_84] {strides = array<i32>} : memref<4096xf32, #tpu.memory_space<vmem>>, vector<16xf32>,
    tpu.vector_store %arg5[%swap3A_84], %broadcast_in_dim3A_8 {strides = array<i32>} : memref<4096xf32, #tpu.memory_space<vmem>>, vector<16xf32>,
    %swap3A_86 = arith.constant 624 : index
    %swap3A_87 = tpu.vector_load %arg5[%swap3A_86] {strides = array<i32>} : memref<4096xf32, #tpu.memory_space<vmem>>, vector<16xf32>,
    tpu.vector_store %arg5[%swap3A_86], %broadcast_in_dim3A_8 {strides = array<i32>} : memref<4096xf32, #tpu.memory_space<vmem>>, vector<16xf32>,
    %swap3A_88 = arith.constant 640 : index
    %swap3A_89 = tpu.vector_load %arg5[%swap3A_88] {strides = array<i32>} : memref<4096xf32, #tpu.memory_space<vmem>>, vector<16xf32>,
    tpu.vector_store %arg5[%swap3A_88], %broadcast_in_dim3A_8 {strides = array<i32>} : memref<4096xf32, #tpu.memory_space<vmem>>, vector<16xf32>,
    %swap3A_90 = arith.constant 656 : index
    %swap3A_91 = tpu.vector_load %arg5[%swap3A_90] {strides = array<i32>} : memref<4096xf32, #tpu.memory_space<vmem>>, vector<16xf32>,
    tpu.vector_store %arg5[%swap3A_90], %broadcast_in_dim3A_8 {strides = array<i32>} : memref<4096xf32, #tpu.memory_space<vmem>>, vector<16xf32>,
    %swap3A_92 = arith.constant 672 : index
    %swap3A_93 = tpu.vector_load %arg5[%swap3A_92] {strides = array<i32>} : memref<4096xf32, #tpu.memory_space<vmem>>, vector<16xf32>,
    tpu.vector_store %arg5[%swap3A_92], %broadcast_in_dim3A_8 {strides = array<i32>} : memref<4096xf32, #tpu.memory_space<vmem>>, vector<16xf32>,
    %swap3A_94 = arith.constant 688 : index
    %swap3A_95 = tpu.vector_load %arg5[%swap3A_94] {strides = array<i32>} : memref<4096xf32, #tpu.memory_space<vmem>>, vector<16xf32>,
    tpu.vector_store %arg5[%swap3A_94], %broadcast_in_dim3A_8 {strides = array<i32>} : memref<4096xf32, #tpu.memory_space<vmem>>, vector<16xf32>,
    %swap3A_96 = arith.constant 704 : index
    %swap3A_97 = tpu.vector_load %arg5[%swap3A_96] {strides = array<i32>} : memref<4096xf32, #tpu.memory_space<vmem>>, vector<16xf32>,
    tpu.vector_store %arg5[%swap3A_96], %broadcast_in_dim3A_8 {strides = array<i32>} : memref<4096xf32, #tpu.memory_space<vmem>>, vector<16xf32>,
    %swap3A_98 = arith.constant 720 : index
    %swap3A_99 = tpu.vector_load %arg5[%swap3A_98] {strides = array<i32>} : memref<4096xf32, #tpu.memory_space<vmem>>, vector<16xf32>,
    tpu.vector_store %arg5[%swap3A_98], %broadcast_in_dim3A_8 {strides = array<i32>} : memref<4096xf32, #tpu.memory_space<vmem>>, vector<16xf32>,
    %swap3A_100 = arith.constant 736 : index
    %swap3A_101 = tpu.vector_load %arg5[%swap3A_100] {strides = array<i32>} : memref<4096xf32, #tpu.memory_space<vmem>>, vector<16xf32>,
    tpu.vector_store %arg5[%swap3A_100], %broadcast_in_dim3A_8 {strides = array<i32>} : memref<4096xf32, #tpu.memory_space<vmem>>, vector<16xf32>,
    %swap3A_102 = arith.constant 752 : index
    %swap3A_103 = tpu.vector_load %arg5[%swap3A_102] {strides = array<i32>} : memref<4096xf32, #tpu.memory_space<vmem>>, vector<16xf32>,
    tpu.vector_store %arg5[%swap3A_102], %broadcast_in_dim3A_8 {strides = array<i32>} : memref<4096xf32, #tpu.memory_space<vmem>>, vector<16xf32>,
    %swap3A_104 = arith.constant 768 : index
    %swap3A_105 = tpu.vector_load %arg5[%swap3A_104] {strides = array<i32>} : memref<4096xf32, #tpu.memory_space<vmem>>, vector<16xf32>,
    tpu.vector_store %arg5[%swap3A_104], %broadcast_in_dim3A_8 {strides = array<i32>} : memref<4096xf32, #tpu.memory_space<vmem>>, vector<16xf32>,
    %swap3A_106 = arith.constant 784 : index
    %swap3A_107 = tpu.vector_load %arg5[%swap3A_106] {strides = array<i32>} : memref<4096xf32, #tpu.memory_space<vmem>>, vector<16xf32>,
    tpu.vector_store %arg5[%swap3A_106], %broadcast_in_dim3A_8 {strides = array<i32>} : memref<4096xf32, #tpu.memory_space<vmem>>, vector<16xf32>,
    %swap3A_108 = arith.constant 800 : index
    %swap3A_109 = tpu.vector_load %arg5[%swap3A_108] {strides = array<i32>} : memref<4096xf32, #tpu.memory_space<vmem>>, vector<16xf32>,
    tpu.vector_store %arg5[%swap3A_108], %broadcast_in_dim3A_8 {strides = array<i32>} : memref<4096xf32, #tpu.memory_space<vmem>>, vector<16xf32>,
    %swap3A_110 = arith.constant 816 : index
    %swap3A_111 = tpu.vector_load %arg5[%swap3A_110] {strides = array<i32>} : memref<4096xf32, #tpu.memory_space<vmem>>, vector<16xf32>,
    tpu.vector_store %arg5[%swap3A_110], %broadcast_in_dim3A_8 {strides = array<i32>} : memref<4096xf32, #tpu.memory_space<vmem>>, vector<16xf32>,
    %swap3A_112 = arith.constant 832 : index
    %swap3A_113 = tpu.vector_load %arg5[%swap3A_112] {strides = array<i32>} : memref<4096xf32, #tpu.memory_space<vmem>>, vector<16xf32>,
    tpu.vector_store %arg5[%swap3A_112], %broadcast_in_dim3A_8 {strides = array<i32>} : memref<4096xf32, #tpu.memory_space<vmem>>, vector<16xf32>,
    %swap3A_114 = arith.constant 848 : index
    %swap3A_115 = tpu.vector_load %arg5[%swap3A_114] {strides = array<i32>} : memref<4096xf32, #tpu.memory_space<vmem>>, vector<16xf32>,
    tpu.vector_store %arg5[%swap3A_114], %broadcast_in_dim3A_8 {strides = array<i32>} : memref<4096xf32, #tpu.memory_space<vmem>>, vector<16xf32>,
    %swap3A_116 = arith.constant 864 : index
    %swap3A_117 = tpu.vector_load %arg5[%swap3A_116] {strides = array<i32>} : memref<4096xf32, #tpu.memory_space<vmem>>, vector<16xf32>,
    tpu.vector_store %arg5[%swap3A_116], %broadcast_in_dim3A_8 {strides = array<i32>} : memref<4096xf32, #tpu.memory_space<vmem>>, vector<16xf32>,
    %swap3A_118 = arith.constant 880 : index
    %swap3A_119 = tpu.vector_load %arg5[%swap3A_118] {strides = array<i32>} : memref<4096xf32, #tpu.memory_space<vmem>>, vector<16xf32>,
    tpu.vector_store %arg5[%swap3A_118], %broadcast_in_dim3A_8 {strides = array<i32>} : memref<4096xf32, #tpu.memory_space<vmem>>, vector<16xf32>,
    %swap3A_120 = arith.constant 896 : index
    %swap3A_121 = tpu.vector_load %arg5[%swap3A_120] {strides = array<i32>} : memref<4096xf32, #tpu.memory_space<vmem>>, vector<16xf32>,
    tpu.vector_store %arg5[%swap3A_120], %broadcast_in_dim3A_8 {strides = array<i32>} : memref<4096xf32, #tpu.memory_space<vmem>>, vector<16xf32>,
    %swap3A_122 = arith.constant 912 : index
    %swap3A_123 = tpu.vector_load %arg5[%swap3A_122] {strides = array<i32>} : memref<4096xf32, #tpu.memory_space<vmem>>, vector<16xf32>,
    tpu.vector_store %arg5[%swap3A_122], %broadcast_in_dim3A_8 {strides = array<i32>} : memref<4096xf32, #tpu.memory_space<vmem>>, vector<16xf32>,
    %swap3A_124 = arith.constant 928 : index
    %swap3A_125 = tpu.vector_load %arg5[%swap3A_124] {strides = array<i32>} : memref<4096xf32, #tpu.memory_space<vmem>>, vector<16xf32>,
    tpu.vector_store %arg5[%swap3A_124], %broadcast_in_dim3A_8 {strides = array<i32>} : memref<4096xf32, #tpu.memory_space<vmem>>, vector<16xf32>,
    %swap3A_126 = arith.constant 944 : index
    %swap3A_127 = tpu.vector_load %arg5[%swap3A_126] {strides = array<i32>} : memref<4096xf32, #tpu.memory_space<vmem>>, vector<16xf32>,
    tpu.vector_store %arg5[%swap3A_126], %broadcast_in_dim3A_8 {strides = array<i32>} : memref<4096xf32, #tpu.memory_space<vmem>>, vector<16xf32>,
    %swap3A_128 = arith.constant 960 : index
    %swap3A_129 = tpu.vector_load %arg5[%swap3A_128] {strides = array<i32>} : memref<4096xf32, #tpu.memory_space<vmem>>, vector<16xf32>,
    tpu.vector_store %arg5[%swap3A_128], %broadcast_in_dim3A_8 {strides = array<i32>} : memref<4096xf32, #tpu.memory_space<vmem>>, vector<16xf32>,
    %swap3A_130 = arith.constant 976 : index
    %swap3A_131 = tpu.vector_load %arg5[%swap3A_130] {strides = array<i32>} : memref<4096xf32, #tpu.memory_space<vmem>>, vector<16xf32>,
    tpu.vector_store %arg5[%swap3A_130], %broadcast_in_dim3A_8 {strides = array<i32>} : memref<4096xf32, #tpu.memory_space<vmem>>, vector<16xf32>,
    %swap3A_132 = arith.constant 992 : index
    %swap3A_133 = tpu.vector_load %arg5[%swap3A_132] {strides = array<i32>} : memref<4096xf32, #tpu.memory_space<vmem>>, vector<16xf32>,
    tpu.vector_store %arg5[%swap3A_132], %broadcast_in_dim3A_8 {strides = array<i32>} : memref<4096xf32, #tpu.memory_space<vmem>>, vector<16xf32>,
    %swap3A_134 = arith.constant 1008 : index
    %swap3A_135 = tpu.vector_load %arg5[%swap3A_134] {strides = array<i32>} : memref<4096xf32, #tpu.memory_space<vmem>>, vector<16xf32>,
    tpu.vector_store %arg5[%swap3A_134], %broadcast_in_dim3A_8 {strides = array<i32>} : memref<4096xf32, #tpu.memory_space<vmem>>, vector<16xf32>,
    %swap3A_136 = arith.constant 1024 : index
    %swap3A_137 = tpu.vector_load %arg5[%swap3A_136] {strides = array<i32>} : memref<4096xf32, #tpu.memory_space<vmem>>, vector<16xf32>,
    tpu.vector_store %arg5[%swap3A_136], %broadcast_in_dim3A_8 {strides = array<i32>} : memref<4096xf32, #tpu.memory_space<vmem>>, vector<16xf32>,
    %swap3A_138 = arith.constant 1040 : index
    %swap3A_139 = tpu.vector_load %arg5[%swap3A_138] {strides = array<i32>} : memref<4096xf32, #tpu.memory_space<vmem>>, vector<16xf32>,
    tpu.vector_store %arg5[%swap3A_138], %broadcast_in_dim3A_8 {strides = array<i32>} : memref<4096xf32, #tpu.memory_space<vmem>>, vector<16xf32>,
    %swap3A_140 = arith.constant 1056 : index
    %swap3A_141 = tpu.vector_load %arg5[%swap3A_140] {strides = array<i32>} : memref<4096xf32, #tpu.memory_space<vmem>>, vector<16xf32>,
    tpu.vector_store %arg5[%swap3A_140], %broadcast_in_dim3A_8 {strides = array<i32>} : memref<4096xf32, #tpu.memory_space<vmem>>, vector<16xf32>,
    %swap3A_142 = arith.constant 1072 : index
    %swap3A_143 = tpu.vector_load %arg5[%swap3A_142] {strides = array<i32>} : memref<4096xf32, #tpu.memory_space<vmem>>, vector<16xf32>,
    tpu.vector_store %arg5[%swap3A_142], %broadcast_in_dim3A_8 {strides = array<i32>} : memref<4096xf32, #tpu.memory_space<vmem>>, vector<16xf32>,
    %swap3A_144 = arith.constant 1088 : index
    %swap3A_145 = tpu.vector_load %arg5[%swap3A_144] {strides = array<i32>} : memref<4096xf32, #tpu.memory_space<vmem>>, vector<16xf32>,
    tpu.vector_store %arg5[%swap3A_144], %broadcast_in_dim3A_8 {strides = array<i32>} : memref<4096xf32, #tpu.memory_space<vmem>>, vector<16xf32>,
    %swap3A_146 = arith.constant 1104 : index
    %swap3A_147 = tpu.vector_load %arg5[%swap3A_146] {strides = array<i32>} : memref<4096xf32, #tpu.memory_space<vmem>>, vector<16xf32>,
    tpu.vector_store %arg5[%swap3A_146], %broadcast_in_dim3A_8 {strides = array<i32>} : memref<4096xf32, #tpu.memory_space<vmem>>, vector<16xf32>,
    %swap3A_148 = arith.constant 1120 : index
    %swap3A_149 = tpu.vector_load %arg5[%swap3A_148] {strides = array<i32>} : memref<4096xf32, #tpu.memory_space<vmem>>, vector<16xf32>,
    tpu.vector_store %arg5[%swap3A_148], %broadcast_in_dim3A_8 {strides = array<i32>} : memref<4096xf32, #tpu.memory_space<vmem>>, vector<16xf32>,
    %swap3A_150 = arith.constant 1136 : index
    %swap3A_151 = tpu.vector_load %arg5[%swap3A_150] {strides = array<i32>} : memref<4096xf32, #tpu.memory_space<vmem>>, vector<16xf32>,
    tpu.vector_store %arg5[%swap3A_150], %broadcast_in_dim3A_8 {strides = array<i32>} : memref<4096xf32, #tpu.memory_space<vmem>>, vector<16xf32>,
    %swap3A_152 = arith.constant 1152 : index
    %swap3A_153 = tpu.vector_load %arg5[%swap3A_152] {strides = array<i32>} : memref<4096xf32, #tpu.memory_space<vmem>>, vector<16xf32>,
    tpu.vector_store %arg5[%swap3A_152], %broadcast_in_dim3A_8 {strides = array<i32>} : memref<4096xf32, #tpu.memory_space<vmem>>, vector<16xf32>,
    %swap3A_154 = arith.constant 1168 : index
    %swap3A_155 = tpu.vector_load %arg5[%swap3A_154] {strides = array<i32>} : memref<4096xf32, #tpu.memory_space<vmem>>, vector<16xf32>,
    tpu.vector_store %arg5[%swap3A_154], %broadcast_in_dim3A_8 {strides = array<i32>} : memref<4096xf32, #tpu.memory_space<vmem>>, vector<16xf32>,
    %swap3A_156 = arith.constant 1184 : index
    %swap3A_157 = tpu.vector_load %arg5[%swap3A_156] {strides = array<i32>} : memref<4096xf32, #tpu.memory_space<vmem>>, vector<16xf32>,
    tpu.vector_store %arg5[%swap3A_156], %broadcast_in_dim3A_8 {strides = array<i32>} : memref<4096xf32, #tpu.memory_space<vmem>>, vector<16xf32>,
    %swap3A_158 = arith.constant 1200 : index
    %swap3A_159 = tpu.vector_load %arg5[%swap3A_158] {strides = array<i32>} : memref<4096xf32, #tpu.memory_space<vmem>>, vector<16xf32>,
    tpu.vector_store %arg5[%swap3A_158], %broadcast_in_dim3A_8 {strides = array<i32>} : memref<4096xf32, #tpu.memory_space<vmem>>, vector<16xf32>,
    %swap3A_160 = arith.constant 1216 : index
    %swap3A_161 = tpu.vector_load %arg5[%swap3A_160] {strides = array<i32>} : memref<4096xf32, #tpu.memory_space<vmem>>, vector<16xf32>,
    tpu.vector_store %arg5[%swap3A_160], %broadcast_in_dim3A_8 {strides = array<i32>} : memref<4096xf32, #tpu.memory_space<vmem>>, vector<16xf32>,
    %swap3A_162 = arith.constant 1232 : index
    %swap3A_163 = tpu.vector_load %arg5[%swap3A_162] {strides = array<i32>} : memref<4096xf32, #tpu.memory_space<vmem>>, vector<16xf32>,
    tpu.vector_store %arg5[%swap3A_162], %broadcast_in_dim3A_8 {strides = array<i32>} : memref<4096xf32, #tpu.memory_space<vmem>>, vector<16xf32>,
    %swap3A_164 = arith.constant 1248 : index
    %swap3A_165 = tpu.vector_load %arg5[%swap3A_164] {strides = array<i32>} : memref<4096xf32, #tpu.memory_space<vmem>>, vector<16xf32>,
    tpu.vector_store %arg5[%swap3A_164], %broadcast_in_dim3A_8 {strides = array<i32>} : memref<4096xf32, #tpu.memory_space<vmem>>, vector<16xf32>,
    %swap3A_166 = arith.constant 1264 : index
    %swap3A_167 = tpu.vector_load %arg5[%swap3A_166] {strides = array<i32>} : memref<4096xf32, #tpu.memory_space<vmem>>, vector<16xf32>,
    tpu.vector_store %arg5[%swap3A_166], %broadcast_in_dim3A_8 {strides = array<i32>} : memref<4096xf32, #tpu.memory_space<vmem>>, vector<16xf32>,
    %swap3A_168 = arith.constant 1280 : index
    %swap3A_169 = tpu.vector_load %arg5[%swap3A_168] {strides = array<i32>} : memref<4096xf32, #tpu.memory_space<vmem>>, vector<16xf32>,
    tpu.vector_store %arg5[%swap3A_168], %broadcast_in_dim3A_8 {strides = array<i32>} : memref<4096xf32, #tpu.memory_space<vmem>>, vector<16xf32>,
    %swap3A_170 = arith.constant 1296 : index
    %swap3A_171 = tpu.vector_load %arg5[%swap3A_170] {strides = array<i32>} : memref<4096xf32, #tpu.memory_space<vmem>>, vector<16xf32>,
    tpu.vector_store %arg5[%swap3A_170], %broadcast_in_dim3A_8 {strides = array<i32>} : memref<4096xf32, #tpu.memory_space<vmem>>, vector<16xf32>,
    %swap3A_172 = arith.constant 1312 : index
    %swap3A_173 = tpu.vector_load %arg5[%swap3A_172] {strides = array<i32>} : memref<4096xf32, #tpu.memory_space<vmem>>, vector<16xf32>,
    tpu.vector_store %arg5[%swap3A_172], %broadcast_in_dim3A_8 {strides = array<i32>} : memref<4096xf32, #tpu.memory_space<vmem>>, vector<16xf32>,
    %swap3A_174 = arith.constant 1328 : index
    %swap3A_175 = tpu.vector_load %arg5[%swap3A_174] {strides = array<i32>} : memref<4096xf32, #tpu.memory_space<vmem>>, vector<16xf32>,
    tpu.vector_store %arg5[%swap3A_174], %broadcast_in_dim3A_8 {strides = array<i32>} : memref<4096xf32, #tpu.memory_space<vmem>>, vector<16xf32>,
    %swap3A_176 = arith.constant 1344 : index
    %swap3A_177 = tpu.vector_load %arg5[%swap3A_176] {strides = array<i32>} : memref<4096xf32, #tpu.memory_space<vmem>>, vector<16xf32>,
    tpu.vector_store %arg5[%swap3A_176], %broadcast_in_dim3A_8 {strides = array<i32>} : memref<4096xf32, #tpu.memory_space<vmem>>, vector<16xf32>,
    %swap3A_178 = arith.constant 1360 : index
    %swap3A_179 = tpu.vector_load %arg5[%swap3A_178] {strides = array<i32>} : memref<4096xf32, #tpu.memory_space<vmem>>, vector<16xf32>,
    tpu.vector_store %arg5[%swap3A_178], %broadcast_in_dim3A_8 {strides = array<i32>} : memref<4096xf32, #tpu.memory_space<vmem>>, vector<16xf32>,
    %swap3A_180 = arith.constant 1376 : index
    %swap3A_181 = tpu.vector_load %arg5[%swap3A_180] {strides = array<i32>} : memref<4096xf32, #tpu.memory_space<vmem>>, vector<16xf32>,
    tpu.vector_store %arg5[%swap3A_180], %broadcast_in_dim3A_8 {strides = array<i32>} : memref<4096xf32, #tpu.memory_space<vmem>>, vector<16xf32>,
    %swap3A_182 = arith.constant 1392 : index
    %swap3A_183 = tpu.vector_load %arg5[%swap3A_182] {strides = array<i32>} : memref<4096xf32, #tpu.memory_space<vmem>>, vector<16xf32>,
    tpu.vector_store %arg5[%swap3A_182], %broadcast_in_dim3A_8 {strides = array<i32>} : memref<4096xf32, #tpu.memory_space<vmem>>, vector<16xf32>,
    %swap3A_184 = arith.constant 1408 : index
    %swap3A_185 = tpu.vector_load %arg5[%swap3A_184] {strides = array<i32>} : memref<4096xf32, #tpu.memory_space<vmem>>, vector<16xf32>,
    tpu.vector_store %arg5[%swap3A_184], %broadcast_in_dim3A_8 {strides = array<i32>} : memref<4096xf32, #tpu.memory_space<vmem>>, vector<16xf32>,
    %swap3A_186 = arith.constant 1424 : index
    %swap3A_187 = tpu.vector_load %arg5[%swap3A_186] {strides = array<i32>} : memref<4096xf32, #tpu.memory_space<vmem>>, vector<16xf32>,
    tpu.vector_store %arg5[%swap3A_186], %broadcast_in_dim3A_8 {strides = array<i32>} : memref<4096xf32, #tpu.memory_space<vmem>>, vector<16xf32>,
    %swap3A_188 = arith.constant 1440 : index
    %swap3A_189 = tpu.vector_load %arg5[%swap3A_188] {strides = array<i32>} : memref<4096xf32, #tpu.memory_space<vmem>>, vector<16xf32>,
    tpu.vector_store %arg5[%swap3A_188], %broadcast_in_dim3A_8 {strides = array<i32>} : memref<4096xf32, #tpu.memory_space<vmem>>, vector<16xf32>,
    %swap3A_190 = arith.constant 1456 : index
    %swap3A_191 = tpu.vector_load %arg5[%swap3A_190] {strides = array<i32>} : memref<4096xf32, #tpu.memory_space<vmem>>, vector<16xf32>,
    tpu.vector_store %arg5[%swap3A_190], %broadcast_in_dim3A_8 {strides = array<i32>} : memref<4096xf32, #tpu.memory_space<vmem>>, vector<16xf32>,
    %swap3A_192 = arith.constant 1472 : index
    %swap3A_193 = tpu.vector_load %arg5[%swap3A_192] {strides = array<i32>} : memref<4096xf32, #tpu.memory_space<vmem>>, vector<16xf32>,
    tpu.vector_store %arg5[%swap3A_192], %broadcast_in_dim3A_8 {strides = array<i32>} : memref<4096xf32, #tpu.memory_space<vmem>>, vector<16xf32>,
    %swap3A_194 = arith.constant 1488 : index
    %swap3A_195 = tpu.vector_load %arg5[%swap3A_194] {strides = array<i32>} : memref<4096xf32, #tpu.memory_space<vmem>>, vector<16xf32>,
    tpu.vector_store %arg5[%swap3A_194], %broadcast_in_dim3A_8 {strides = array<i32>} : memref<4096xf32, #tpu.memory_space<vmem>>, vector<16xf32>,
    %swap3A_196 = arith.constant 1504 : index
    %swap3A_197 = tpu.vector_load %arg5[%swap3A_196] {strides = array<i32>} : memref<4096xf32, #tpu.memory_space<vmem>>, vector<16xf32>,
    tpu.vector_store %arg5[%swap3A_196], %broadcast_in_dim3A_8 {strides = array<i32>} : memref<4096xf32, #tpu.memory_space<vmem>>, vector<16xf32>,
    %swap3A_198 = arith.constant 1520 : index
    %swap3A_199 = tpu.vector_load %arg5[%swap3A_198] {strides = array<i32>} : memref<4096xf32, #tpu.memory_space<vmem>>, vector<16xf32>,
    tpu.vector_store %arg5[%swap3A_198], %broadcast_in_dim3A_8 {strides = array<i32>} : memref<4096xf32, #tpu.memory_space<vmem>>, vector<16xf32>,
    %swap3A_200 = arith.constant 1536 : index
    %swap3A_201 = tpu.vector_load %arg5[%swap3A_200] {strides = array<i32>} : memref<4096xf32, #tpu.memory_space<vmem>>, vector<16xf32>,
    tpu.vector_store %arg5[%swap3A_200], %broadcast_in_dim3A_8 {strides = array<i32>} : memref<4096xf32, #tpu.memory_space<vmem>>, vector<16xf32>,
    %swap3A_202 = arith.constant 1552 : index
    %swap3A_203 = tpu.vector_load %arg5[%swap3A_202] {strides = array<i32>} : memref<4096xf32, #tpu.memory_space<vmem>>, vector<16xf32>,
    tpu.vector_store %arg5[%swap3A_202], %broadcast_in_dim3A_8 {strides = array<i32>} : memref<4096xf32, #tpu.memory_space<vmem>>, vector<16xf32>,
    %swap3A_204 = arith.constant 1568 : index
    %swap3A_205 = tpu.vector_load %arg5[%swap3A_204] {strides = array<i32>} : memref<4096xf32, #tpu.memory_space<vmem>>, vector<16xf32>,
    tpu.vector_store %arg5[%swap3A_204], %broadcast_in_dim3A_8 {strides = array<i32>} : memref<4096xf32, #tpu.memory_space<vmem>>, vector<16xf32>,
    %swap3A_206 = arith.constant 1584 : index
    %swap3A_207 = tpu.vector_load %arg5[%swap3A_206] {strides = array<i32>} : memref<4096xf32, #tpu.memory_space<vmem>>, vector<16xf32>,
    tpu.vector_store %arg5[%swap3A_206], %broadcast_in_dim3A_8 {strides = array<i32>} : memref<4096xf32, #tpu.memory_space<vmem>>, vector<16xf32>,
    %swap3A_208 = arith.constant 1600 : index
    %swap3A_209 = tpu.vector_load %arg5[%swap3A_208] {strides = array<i32>} : memref<4096xf32, #tpu.memory_space<vmem>>, vector<16xf32>,
    tpu.vector_store %arg5[%swap3A_208], %broadcast_in_dim3A_8 {strides = array<i32>} : memref<4096xf32, #tpu.memory_space<vmem>>, vector<16xf32>,
    %swap3A_210 = arith.constant 1616 : index
    %swap3A_211 = tpu.vector_load %arg5[%swap3A_210] {strides = array<i32>} : memref<4096xf32, #tpu.memory_space<vmem>>, vector<16xf32>,
    tpu.vector_store %arg5[%swap3A_210], %broadcast_in_dim3A_8 {strides = array<i32>} : memref<4096xf32, #tpu.memory_space<vmem>>, vector<16xf32>,
    %swap3A_212 = arith.constant 1632 : index
    %swap3A_213 = tpu.vector_load %arg5[%swap3A_212] {strides = array<i32>} : memref<4096xf32, #tpu.memory_space<vmem>>, vector<16xf32>,
    tpu.vector_store %arg5[%swap3A_212], %broadcast_in_dim3A_8 {strides = array<i32>} : memref<4096xf32, #tpu.memory_space<vmem>>, vector<16xf32>,
    %swap3A_214 = arith.constant 1648 : index
    %swap3A_215 = tpu.vector_load %arg5[%swap3A_214] {strides = array<i32>} : memref<4096xf32, #tpu.memory_space<vmem>>, vector<16xf32>,
    tpu.vector_store %arg5[%swap3A_214], %broadcast_in_dim3A_8 {strides = array<i32>} : memref<4096xf32, #tpu.memory_space<vmem>>, vector<16xf32>,
    %swap3A_216 = arith.constant 1664 : index
    %swap3A_217 = tpu.vector_load %arg5[%swap3A_216] {strides = array<i32>} : memref<4096xf32, #tpu.memory_space<vmem>>, vector<16xf32>,
    tpu.vector_store %arg5[%swap3A_216], %broadcast_in_dim3A_8 {strides = array<i32>} : memref<4096xf32, #tpu.memory_space<vmem>>, vector<16xf32>,
    %swap3A_218 = arith.constant 1680 : index
    %swap3A_219 = tpu.vector_load %arg5[%swap3A_218] {strides = array<i32>} : memref<4096xf32, #tpu.memory_space<vmem>>, vector<16xf32>,
    tpu.vector_store %arg5[%swap3A_218], %broadcast_in_dim3A_8 {strides = array<i32>} : memref<4096xf32, #tpu.memory_space<vmem>>, vector<16xf32>,
    %swap3A_220 = arith.constant 1696 : index
    %swap3A_221 = tpu.vector_load %arg5[%swap3A_220] {strides = array<i32>} : memref<4096xf32, #tpu.memory_space<vmem>>, vector<16xf32>,
    tpu.vector_store %arg5[%swap3A_220], %broadcast_in_dim3A_8 {strides = array<i32>} : memref<4096xf32, #tpu.memory_space<vmem>>, vector<16xf32>,
    %swap3A_222 = arith.constant 1712 : index
    %swap3A_223 = tpu.vector_load %arg5[%swap3A_222] {strides = array<i32>} : memref<4096xf32, #tpu.memory_space<vmem>>, vector<16xf32>,
    tpu.vector_store %arg5[%swap3A_222], %broadcast_in_dim3A_8 {strides = array<i32>} : memref<4096xf32, #tpu.memory_space<vmem>>, vector<16xf32>,
    %swap3A_224 = arith.constant 1728 : index
    %swap3A_225 = tpu.vector_load %arg5[%swap3A_224] {strides = array<i32>} : memref<4096xf32, #tpu.memory_space<vmem>>, vector<16xf32>,
    tpu.vector_store %arg5[%swap3A_224], %broadcast_in_dim3A_8 {strides = array<i32>} : memref<4096xf32, #tpu.memory_space<vmem>>, vector<16xf32>,
    %swap3A_226 = arith.constant 1744 : index
    %swap3A_227 = tpu.vector_load %arg5[%swap3A_226] {strides = array<i32>} : memref<4096xf32, #tpu.memory_space<vmem>>, vector<16xf32>,
    tpu.vector_store %arg5[%swap3A_226], %broadcast_in_dim3A_8 {strides = array<i32>} : memref<4096xf32, #tpu.memory_space<vmem>>, vector<16xf32>,
    %swap3A_228 = arith.constant 1760 : index
    %swap3A_229 = tpu.vector_load %arg5[%swap3A_228] {strides = array<i32>} : memref<4096xf32, #tpu.memory_space<vmem>>, vector<16xf32>,
    tpu.vector_store %arg5[%swap3A_228], %broadcast_in_dim3A_8 {strides = array<i32>} : memref<4096xf32, #tpu.memory_space<vmem>>, vector<16xf32>,
    %swap3A_230 = arith.constant 1776 : index
    %swap3A_231 = tpu.vector_load %arg5[%swap3A_230] {strides = array<i32>} : memref<4096xf32, #tpu.memory_space<vmem>>, vector<16xf32>,
    tpu.vector_store %arg5[%swap3A_230], %broadcast_in_dim3A_8 {strides = array<i32>} : memref<4096xf32, #tpu.memory_space<vmem>>, vector<16xf32>,
    %swap3A_232 = arith.constant 1792 : index
    %swap3A_233 = tpu.vector_load %arg5[%swap3A_232] {strides = array<i32>} : memref<4096xf32, #tpu.memory_space<vmem>>, vector<16xf32>,
    tpu.vector_store %arg5[%swap3A_232], %broadcast_in_dim3A_8 {strides = array<i32>} : memref<4096xf32, #tpu.memory_space<vmem>>, vector<16xf32>,
    %swap3A_234 = arith.constant 1808 : index
    %swap3A_235 = tpu.vector_load %arg5[%swap3A_234] {strides = array<i32>} : memref<4096xf32, #tpu.memory_space<vmem>>, vector<16xf32>,
    tpu.vector_store %arg5[%swap3A_234], %broadcast_in_dim3A_8 {strides = array<i32>} : memref<4096xf32, #tpu.memory_space<vmem>>, vector<16xf32>,
    %swap3A_236 = arith.constant 1824 : index
    %swap3A_237 = tpu.vector_load %arg5[%swap3A_236] {strides = array<i32>} : memref<4096xf32, #tpu.memory_space<vmem>>, vector<16xf32>,
    tpu.vector_store %arg5[%swap3A_236], %broadcast_in_dim3A_8 {strides = array<i32>} : memref<4096xf32, #tpu.memory_space<vmem>>, vector<16xf32>,
    %swap3A_238 = arith.constant 1840 : index
    %swap3A_239 = tpu.vector_load %arg5[%swap3A_238] {strides = array<i32>} : memref<4096xf32, #tpu.memory_space<vmem>>, vector<16xf32>,
    tpu.vector_store %arg5[%swap3A_238], %broadcast_in_dim3A_8 {strides = array<i32>} : memref<4096xf32, #tpu.memory_space<vmem>>, vector<16xf32>,
    %swap3A_240 = arith.constant 1856 : index
    %swap3A_241 = tpu.vector_load %arg5[%swap3A_240] {strides = array<i32>} : memref<4096xf32, #tpu.memory_space<vmem>>, vector<16xf32>,
    tpu.vector_store %arg5[%swap3A_240], %broadcast_in_dim3A_8 {strides = array<i32>} : memref<4096xf32, #tpu.memory_space<vmem>>, vector<16xf32>,
    %swap3A_242 = arith.constant 1872 : index
    %swap3A_243 = tpu.vector_load %arg5[%swap3A_242] {strides = array<i32>} : memref<4096xf32, #tpu.memory_space<vmem>>, vector<16xf32>,
    tpu.vector_store %arg5[%swap3A_242], %broadcast_in_dim3A_8 {strides = array<i32>} : memref<4096xf32, #tpu.memory_space<vmem>>, vector<16xf32>,
    %swap3A_244 = arith.constant 1888 : index
    %swap3A_245 = tpu.vector_load %arg5[%swap3A_244] {strides = array<i32>} : memref<4096xf32, #tpu.memory_space<vmem>>, vector<16xf32>,
    tpu.vector_store %arg5[%swap3A_244], %broadcast_in_dim3A_8 {strides = array<i32>} : memref<4096xf32, #tpu.memory_space<vmem>>, vector<16xf32>,
    %swap3A_246 = arith.constant 1904 : index
    %swap3A_247 = tpu.vector_load %arg5[%swap3A_246] {strides = array<i32>} : memref<4096xf32, #tpu.memory_space<vmem>>, vector<16xf32>,
    tpu.vector_store %arg5[%swap3A_246], %broadcast_in_dim3A_8 {strides = array<i32>} : memref<4096xf32, #tpu.memory_space<vmem>>, vector<16xf32>,
    %swap3A_248 = arith.constant 1920 : index
    %swap3A_249 = tpu.vector_load %arg5[%swap3A_248] {strides = array<i32>} : memref<4096xf32, #tpu.memory_space<vmem>>, vector<16xf32>,
    tpu.vector_store %arg5[%swap3A_248], %broadcast_in_dim3A_8 {strides = array<i32>} : memref<4096xf32, #tpu.memory_space<vmem>>, vector<16xf32>,
    %swap3A_250 = arith.constant 1936 : index
    %swap3A_251 = tpu.vector_load %arg5[%swap3A_250] {strides = array<i32>} : memref<4096xf32, #tpu.memory_space<vmem>>, vector<16xf32>,
    tpu.vector_store %arg5[%swap3A_250], %broadcast_in_dim3A_8 {strides = array<i32>} : memref<4096xf32, #tpu.memory_space<vmem>>, vector<16xf32>,
    %swap3A_252 = arith.constant 1952 : index
    %swap3A_253 = tpu.vector_load %arg5[%swap3A_252] {strides = array<i32>} : memref<4096xf32, #tpu.memory_space<vmem>>, vector<16xf32>,
    tpu.vector_store %arg5[%swap3A_252], %broadcast_in_dim3A_8 {strides = array<i32>} : memref<4096xf32, #tpu.memory_space<vmem>>, vector<16xf32>,
    %swap3A_254 = arith.constant 1968 : index
    %swap3A_255 = tpu.vector_load %arg5[%swap3A_254] {strides = array<i32>} : memref<4096xf32, #tpu.memory_space<vmem>>, vector<16xf32>,
    tpu.vector_store %arg5[%swap3A_254], %broadcast_in_dim3A_8 {strides = array<i32>} : memref<4096xf32, #tpu.memory_space<vmem>>, vector<16xf32>,
    %swap3A_256 = arith.constant 1984 : index
    %swap3A_257 = tpu.vector_load %arg5[%swap3A_256] {strides = array<i32>} : memref<4096xf32, #tpu.memory_space<vmem>>, vector<16xf32>,
    tpu.vector_store %arg5[%swap3A_256], %broadcast_in_dim3A_8 {strides = array<i32>} : memref<4096xf32, #tpu.memory_space<vmem>>, vector<16xf32>,
    %swap3A_258 = arith.constant 2000 : index
    %swap3A_259 = tpu.vector_load %arg5[%swap3A_258] {strides = array<i32>} : memref<4096xf32, #tpu.memory_space<vmem>>, vector<16xf32>,
    tpu.vector_store %arg5[%swap3A_258], %broadcast_in_dim3A_8 {strides = array<i32>} : memref<4096xf32, #tpu.memory_space<vmem>>, vector<16xf32>,
    %swap3A_260 = arith.constant 2016 : index
    %swap3A_261 = tpu.vector_load %arg5[%swap3A_260] {strides = array<i32>} : memref<4096xf32, #tpu.memory_space<vmem>>, vector<16xf32>,
    tpu.vector_store %arg5[%swap3A_260], %broadcast_in_dim3A_8 {strides = array<i32>} : memref<4096xf32, #tpu.memory_space<vmem>>, vector<16xf32>,
    %swap3A_262 = arith.constant 2032 : index
    %swap3A_263 = tpu.vector_load %arg5[%swap3A_262] {strides = array<i32>} : memref<4096xf32, #tpu.memory_space<vmem>>, vector<16xf32>,
    tpu.vector_store %arg5[%swap3A_262], %broadcast_in_dim3A_8 {strides = array<i32>} : memref<4096xf32, #tpu.memory_space<vmem>>, vector<16xf32>,
    %swap3A_264 = arith.constant 2048 : index
    %swap3A_265 = tpu.vector_load %arg5[%swap3A_264] {strides = array<i32>} : memref<4096xf32, #tpu.memory_space<vmem>>, vector<16xf32>,
    tpu.vector_store %arg5[%swap3A_264], %broadcast_in_dim3A_8 {strides = array<i32>} : memref<4096xf32, #tpu.memory_space<vmem>>, vector<16xf32>,
    %swap3A_266 = arith.constant 2064 : index
    %swap3A_267 = tpu.vector_load %arg5[%swap3A_266] {strides = array<i32>} : memref<4096xf32, #tpu.memory_space<vmem>>, vector<16xf32>,
    tpu.vector_store %arg5[%swap3A_266], %broadcast_in_dim3A_8 {strides = array<i32>} : memref<4096xf32, #tpu.memory_space<vmem>>, vector<16xf32>,
    %swap3A_268 = arith.constant 2080 : index
    %swap3A_269 = tpu.vector_load %arg5[%swap3A_268] {strides = array<i32>} : memref<4096xf32, #tpu.memory_space<vmem>>, vector<16xf32>,
    tpu.vector_store %arg5[%swap3A_268], %broadcast_in_dim3A_8 {strides = array<i32>} : memref<4096xf32, #tpu.memory_space<vmem>>, vector<16xf32>,
    %swap3A_270 = arith.constant 2096 : index
    %swap3A_271 = tpu.vector_load %arg5[%swap3A_270] {strides = array<i32>} : memref<4096xf32, #tpu.memory_space<vmem>>, vector<16xf32>,
    tpu.vector_store %arg5[%swap3A_270], %broadcast_in_dim3A_8 {strides = array<i32>} : memref<4096xf32, #tpu.memory_space<vmem>>, vector<16xf32>,
    %swap3A_272 = arith.constant 2112 : index
    %swap3A_273 = tpu.vector_load %arg5[%swap3A_272] {strides = array<i32>} : memref<4096xf32, #tpu.memory_space<vmem>>, vector<16xf32>,
    tpu.vector_store %arg5[%swap3A_272], %broadcast_in_dim3A_8 {strides = array<i32>} : memref<4096xf32, #tpu.memory_space<vmem>>, vector<16xf32>,
    %swap3A_274 = arith.constant 2128 : index
    %swap3A_275 = tpu.vector_load %arg5[%swap3A_274] {strides = array<i32>} : memref<4096xf32, #tpu.memory_space<vmem>>, vector<16xf32>,
    tpu.vector_store %arg5[%swap3A_274], %broadcast_in_dim3A_8 {strides = array<i32>} : memref<4096xf32, #tpu.memory_space<vmem>>, vector<16xf32>,
    %swap3A_276 = arith.constant 2144 : index
    %swap3A_277 = tpu.vector_load %arg5[%swap3A_276] {strides = array<i32>} : memref<4096xf32, #tpu.memory_space<vmem>>, vector<16xf32>,
    tpu.vector_store %arg5[%swap3A_276], %broadcast_in_dim3A_8 {strides = array<i32>} : memref<4096xf32, #tpu.memory_space<vmem>>, vector<16xf32>,
    %swap3A_278 = arith.constant 2160 : index
    %swap3A_279 = tpu.vector_load %arg5[%swap3A_278] {strides = array<i32>} : memref<4096xf32, #tpu.memory_space<vmem>>, vector<16xf32>,
    tpu.vector_store %arg5[%swap3A_278], %broadcast_in_dim3A_8 {strides = array<i32>} : memref<4096xf32, #tpu.memory_space<vmem>>, vector<16xf32>,
    %swap3A_280 = arith.constant 2176 : index
    %swap3A_281 = tpu.vector_load %arg5[%swap3A_280] {strides = array<i32>} : memref<4096xf32, #tpu.memory_space<vmem>>, vector<16xf32>,
    tpu.vector_store %arg5[%swap3A_280], %broadcast_in_dim3A_8 {strides = array<i32>} : memref<4096xf32, #tpu.memory_space<vmem>>, vector<16xf32>,
    %swap3A_282 = arith.constant 2192 : index
    %swap3A_283 = tpu.vector_load %arg5[%swap3A_282] {strides = array<i32>} : memref<4096xf32, #tpu.memory_space<vmem>>, vector<16xf32>,
    tpu.vector_store %arg5[%swap3A_282], %broadcast_in_dim3A_8 {strides = array<i32>} : memref<4096xf32, #tpu.memory_space<vmem>>, vector<16xf32>,
    %swap3A_284 = arith.constant 2208 : index
    %swap3A_285 = tpu.vector_load %arg5[%swap3A_284] {strides = array<i32>} : memref<4096xf32, #tpu.memory_space<vmem>>, vector<16xf32>,
    tpu.vector_store %arg5[%swap3A_284], %broadcast_in_dim3A_8 {strides = array<i32>} : memref<4096xf32, #tpu.memory_space<vmem>>, vector<16xf32>,
    %swap3A_286 = arith.constant 2224 : index
    %swap3A_287 = tpu.vector_load %arg5[%swap3A_286] {strides = array<i32>} : memref<4096xf32, #tpu.memory_space<vmem>>, vector<16xf32>,
    tpu.vector_store %arg5[%swap3A_286], %broadcast_in_dim3A_8 {strides = array<i32>} : memref<4096xf32, #tpu.memory_space<vmem>>, vector<16xf32>,
    %swap3A_288 = arith.constant 2240 : index
    %swap3A_289 = tpu.vector_load %arg5[%swap3A_288] {strides = array<i32>} : memref<4096xf32, #tpu.memory_space<vmem>>, vector<16xf32>,
    tpu.vector_store %arg5[%swap3A_288], %broadcast_in_dim3A_8 {strides = array<i32>} : memref<4096xf32, #tpu.memory_space<vmem>>, vector<16xf32>,
    %swap3A_290 = arith.constant 2256 : index
    %swap3A_291 = tpu.vector_load %arg5[%swap3A_290] {strides = array<i32>} : memref<4096xf32, #tpu.memory_space<vmem>>, vector<16xf32>,
    tpu.vector_store %arg5[%swap3A_290], %broadcast_in_dim3A_8 {strides = array<i32>} : memref<4096xf32, #tpu.memory_space<vmem>>, vector<16xf32>,
    %swap3A_292 = arith.constant 2272 : index
    %swap3A_293 = tpu.vector_load %arg5[%swap3A_292] {strides = array<i32>} : memref<4096xf32, #tpu.memory_space<vmem>>, vector<16xf32>,
    tpu.vector_store %arg5[%swap3A_292], %broadcast_in_dim3A_8 {strides = array<i32>} : memref<4096xf32, #tpu.memory_space<vmem>>, vector<16xf32>,
    %swap3A_294 = arith.constant 2288 : index
    %swap3A_295 = tpu.vector_load %arg5[%swap3A_294] {strides = array<i32>} : memref<4096xf32, #tpu.memory_space<vmem>>, vector<16xf32>,
    tpu.vector_store %arg5[%swap3A_294], %broadcast_in_dim3A_8 {strides = array<i32>} : memref<4096xf32, #tpu.memory_space<vmem>>, vector<16xf32>,
    %swap3A_296 = arith.constant 2304 : index
    %swap3A_297 = tpu.vector_load %arg5[%swap3A_296] {strides = array<i32>} : memref<4096xf32, #tpu.memory_space<vmem>>, vector<16xf32>,
    tpu.vector_store %arg5[%swap3A_296], %broadcast_in_dim3A_8 {strides = array<i32>} : memref<4096xf32, #tpu.memory_space<vmem>>, vector<16xf32>,
    %swap3A_298 = arith.constant 2320 : index
    %swap3A_299 = tpu.vector_load %arg5[%swap3A_298] {strides = array<i32>} : memref<4096xf32, #tpu.memory_space<vmem>>, vector<16xf32>,
    tpu.vector_store %arg5[%swap3A_298], %broadcast_in_dim3A_8 {strides = array<i32>} : memref<4096xf32, #tpu.memory_space<vmem>>, vector<16xf32>,
    %swap3A_300 = arith.constant 2336 : index
    %swap3A_301 = tpu.vector_load %arg5[%swap3A_300] {strides = array<i32>} : memref<4096xf32, #tpu.memory_space<vmem>>, vector<16xf32>,
    tpu.vector_store %arg5[%swap3A_300], %broadcast_in_dim3A_8 {strides = array<i32>} : memref<4096xf32, #tpu.memory_space<vmem>>, vector<16xf32>,
    %swap3A_302 = arith.constant 2352 : index
    %swap3A_303 = tpu.vector_load %arg5[%swap3A_302] {strides = array<i32>} : memref<4096xf32, #tpu.memory_space<vmem>>, vector<16xf32>,
    tpu.vector_store %arg5[%swap3A_302], %broadcast_in_dim3A_8 {strides = array<i32>} : memref<4096xf32, #tpu.memory_space<vmem>>, vector<16xf32>,
    %swap3A_304 = arith.constant 2368 : index
    %swap3A_305 = tpu.vector_load %arg5[%swap3A_304] {strides = array<i32>} : memref<4096xf32, #tpu.memory_space<vmem>>, vector<16xf32>,
    tpu.vector_store %arg5[%swap3A_304], %broadcast_in_dim3A_8 {strides = array<i32>} : memref<4096xf32, #tpu.memory_space<vmem>>, vector<16xf32>,
    %swap3A_306 = arith.constant 2384 : index
    %swap3A_307 = tpu.vector_load %arg5[%swap3A_306] {strides = array<i32>} : memref<4096xf32, #tpu.memory_space<vmem>>, vector<16xf32>,
    tpu.vector_store %arg5[%swap3A_306], %broadcast_in_dim3A_8 {strides = array<i32>} : memref<4096xf32, #tpu.memory_space<vmem>>, vector<16xf32>,
    %swap3A_308 = arith.constant 2400 : index
    %swap3A_309 = tpu.vector_load %arg5[%swap3A_308] {strides = array<i32>} : memref<4096xf32, #tpu.memory_space<vmem>>, vector<16xf32>,
    tpu.vector_store %arg5[%swap3A_308], %broadcast_in_dim3A_8 {strides = array<i32>} : memref<4096xf32, #tpu.memory_space<vmem>>, vector<16xf32>,
    %swap3A_310 = arith.constant 2416 : index
    %swap3A_311 = tpu.vector_load %arg5[%swap3A_310] {strides = array<i32>} : memref<4096xf32, #tpu.memory_space<vmem>>, vector<16xf32>,
    tpu.vector_store %arg5[%swap3A_310], %broadcast_in_dim3A_8 {strides = array<i32>} : memref<4096xf32, #tpu.memory_space<vmem>>, vector<16xf32>,
    %swap3A_312 = arith.constant 2432 : index
    %swap3A_313 = tpu.vector_load %arg5[%swap3A_312] {strides = array<i32>} : memref<4096xf32, #tpu.memory_space<vmem>>, vector<16xf32>,
    tpu.vector_store %arg5[%swap3A_312], %broadcast_in_dim3A_8 {strides = array<i32>} : memref<4096xf32, #tpu.memory_space<vmem>>, vector<16xf32>,
    %swap3A_314 = arith.constant 2448 : index
    %swap3A_315 = tpu.vector_load %arg5[%swap3A_314] {strides = array<i32>} : memref<4096xf32, #tpu.memory_space<vmem>>, vector<16xf32>,
    tpu.vector_store %arg5[%swap3A_314], %broadcast_in_dim3A_8 {strides = array<i32>} : memref<4096xf32, #tpu.memory_space<vmem>>, vector<16xf32>,
    %swap3A_316 = arith.constant 2464 : index
    %swap3A_317 = tpu.vector_load %arg5[%swap3A_316] {strides = array<i32>} : memref<4096xf32, #tpu.memory_space<vmem>>, vector<16xf32>,
    tpu.vector_store %arg5[%swap3A_316], %broadcast_in_dim3A_8 {strides = array<i32>} : memref<4096xf32, #tpu.memory_space<vmem>>, vector<16xf32>,
    %swap3A_318 = arith.constant 2480 : index
    %swap3A_319 = tpu.vector_load %arg5[%swap3A_318] {strides = array<i32>} : memref<4096xf32, #tpu.memory_space<vmem>>, vector<16xf32>,
    tpu.vector_store %arg5[%swap3A_318], %broadcast_in_dim3A_8 {strides = array<i32>} : memref<4096xf32, #tpu.memory_space<vmem>>, vector<16xf32>,
    %swap3A_320 = arith.constant 2496 : index
    %swap3A_321 = tpu.vector_load %arg5[%swap3A_320] {strides = array<i32>} : memref<4096xf32, #tpu.memory_space<vmem>>, vector<16xf32>,
    tpu.vector_store %arg5[%swap3A_320], %broadcast_in_dim3A_8 {strides = array<i32>} : memref<4096xf32, #tpu.memory_space<vmem>>, vector<16xf32>,
    %swap3A_322 = arith.constant 2512 : index
    %swap3A_323 = tpu.vector_load %arg5[%swap3A_322] {strides = array<i32>} : memref<4096xf32, #tpu.memory_space<vmem>>, vector<16xf32>,
    tpu.vector_store %arg5[%swap3A_322], %broadcast_in_dim3A_8 {strides = array<i32>} : memref<4096xf32, #tpu.memory_space<vmem>>, vector<16xf32>,
    %swap3A_324 = arith.constant 2528 : index
    %swap3A_325 = tpu.vector_load %arg5[%swap3A_324] {strides = array<i32>} : memref<4096xf32, #tpu.memory_space<vmem>>, vector<16xf32>,
    tpu.vector_store %arg5[%swap3A_324], %broadcast_in_dim3A_8 {strides = array<i32>} : memref<4096xf32, #tpu.memory_space<vmem>>, vector<16xf32>,
    %swap3A_326 = arith.constant 2544 : index
    %swap3A_327 = tpu.vector_load %arg5[%swap3A_326] {strides = array<i32>} : memref<4096xf32, #tpu.memory_space<vmem>>, vector<16xf32>,
    tpu.vector_store %arg5[%swap3A_326], %broadcast_in_dim3A_8 {strides = array<i32>} : memref<4096xf32, #tpu.memory_space<vmem>>, vector<16xf32>,
    %swap3A_328 = arith.constant 2560 : index
    %swap3A_329 = tpu.vector_load %arg5[%swap3A_328] {strides = array<i32>} : memref<4096xf32, #tpu.memory_space<vmem>>, vector<16xf32>,
    tpu.vector_store %arg5[%swap3A_328], %broadcast_in_dim3A_8 {strides = array<i32>} : memref<4096xf32, #tpu.memory_space<vmem>>, vector<16xf32>,
    %swap3A_330 = arith.constant 2576 : index
    %swap3A_331 = tpu.vector_load %arg5[%swap3A_330] {strides = array<i32>} : memref<4096xf32, #tpu.memory_space<vmem>>, vector<16xf32>,
    tpu.vector_store %arg5[%swap3A_330], %broadcast_in_dim3A_8 {strides = array<i32>} : memref<4096xf32, #tpu.memory_space<vmem>>, vector<16xf32>,
    %swap3A_332 = arith.constant 2592 : index
    %swap3A_333 = tpu.vector_load %arg5[%swap3A_332] {strides = array<i32>} : memref<4096xf32, #tpu.memory_space<vmem>>, vector<16xf32>,
    tpu.vector_store %arg5[%swap3A_332], %broadcast_in_dim3A_8 {strides = array<i32>} : memref<4096xf32, #tpu.memory_space<vmem>>, vector<16xf32>,
    %swap3A_334 = arith.constant 2608 : index
    %swap3A_335 = tpu.vector_load %arg5[%swap3A_334] {strides = array<i32>} : memref<4096xf32, #tpu.memory_space<vmem>>, vector<16xf32>,
    tpu.vector_store %arg5[%swap3A_334], %broadcast_in_dim3A_8 {strides = array<i32>} : memref<4096xf32, #tpu.memory_space<vmem>>, vector<16xf32>,
    %swap3A_336 = arith.constant 2624 : index
    %swap3A_337 = tpu.vector_load %arg5[%swap3A_336] {strides = array<i32>} : memref<4096xf32, #tpu.memory_space<vmem>>, vector<16xf32>,
    tpu.vector_store %arg5[%swap3A_336], %broadcast_in_dim3A_8 {strides = array<i32>} : memref<4096xf32, #tpu.memory_space<vmem>>, vector<16xf32>,
    %swap3A_338 = arith.constant 2640 : index
    %swap3A_339 = tpu.vector_load %arg5[%swap3A_338] {strides = array<i32>} : memref<4096xf32, #tpu.memory_space<vmem>>, vector<16xf32>,
    tpu.vector_store %arg5[%swap3A_338], %broadcast_in_dim3A_8 {strides = array<i32>} : memref<4096xf32, #tpu.memory_space<vmem>>, vector<16xf32>,
    %swap3A_340 = arith.constant 2656 : index
    %swap3A_341 = tpu.vector_load %arg5[%swap3A_340] {strides = array<i32>} : memref<4096xf32, #tpu.memory_space<vmem>>, vector<16xf32>,
    tpu.vector_store %arg5[%swap3A_340], %broadcast_in_dim3A_8 {strides = array<i32>} : memref<4096xf32, #tpu.memory_space<vmem>>, vector<16xf32>,
    %swap3A_342 = arith.constant 2672 : index
    %swap3A_343 = tpu.vector_load %arg5[%swap3A_342] {strides = array<i32>} : memref<4096xf32, #tpu.memory_space<vmem>>, vector<16xf32>,
    tpu.vector_store %arg5[%swap3A_342], %broadcast_in_dim3A_8 {strides = array<i32>} : memref<4096xf32, #tpu.memory_space<vmem>>, vector<16xf32>,
    %swap3A_344 = arith.constant 2688 : index
    %swap3A_345 = tpu.vector_load %arg5[%swap3A_344] {strides = array<i32>} : memref<4096xf32, #tpu.memory_space<vmem>>, vector<16xf32>,
    tpu.vector_store %arg5[%swap3A_344], %broadcast_in_dim3A_8 {strides = array<i32>} : memref<4096xf32, #tpu.memory_space<vmem>>, vector<16xf32>,
    %swap3A_346 = arith.constant 2704 : index
    %swap3A_347 = tpu.vector_load %arg5[%swap3A_346] {strides = array<i32>} : memref<4096xf32, #tpu.memory_space<vmem>>, vector<16xf32>,
    tpu.vector_store %arg5[%swap3A_346], %broadcast_in_dim3A_8 {strides = array<i32>} : memref<4096xf32, #tpu.memory_space<vmem>>, vector<16xf32>,
    %swap3A_348 = arith.constant 2720 : index
    %swap3A_349 = tpu.vector_load %arg5[%swap3A_348] {strides = array<i32>} : memref<4096xf32, #tpu.memory_space<vmem>>, vector<16xf32>,
    tpu.vector_store %arg5[%swap3A_348], %broadcast_in_dim3A_8 {strides = array<i32>} : memref<4096xf32, #tpu.memory_space<vmem>>, vector<16xf32>,
    %swap3A_350 = arith.constant 2736 : index
    %swap3A_351 = tpu.vector_load %arg5[%swap3A_350] {strides = array<i32>} : memref<4096xf32, #tpu.memory_space<vmem>>, vector<16xf32>,
    tpu.vector_store %arg5[%swap3A_350], %broadcast_in_dim3A_8 {strides = array<i32>} : memref<4096xf32, #tpu.memory_space<vmem>>, vector<16xf32>,
    %swap3A_352 = arith.constant 2752 : index
    %swap3A_353 = tpu.vector_load %arg5[%swap3A_352] {strides = array<i32>} : memref<4096xf32, #tpu.memory_space<vmem>>, vector<16xf32>,
    tpu.vector_store %arg5[%swap3A_352], %broadcast_in_dim3A_8 {strides = array<i32>} : memref<4096xf32, #tpu.memory_space<vmem>>, vector<16xf32>,
    %swap3A_354 = arith.constant 2768 : index
    %swap3A_355 = tpu.vector_load %arg5[%swap3A_354] {strides = array<i32>} : memref<4096xf32, #tpu.memory_space<vmem>>, vector<16xf32>,
    tpu.vector_store %arg5[%swap3A_354], %broadcast_in_dim3A_8 {strides = array<i32>} : memref<4096xf32, #tpu.memory_space<vmem>>, vector<16xf32>,
    %swap3A_356 = arith.constant 2784 : index
    %swap3A_357 = tpu.vector_load %arg5[%swap3A_356] {strides = array<i32>} : memref<4096xf32, #tpu.memory_space<vmem>>, vector<16xf32>,
    tpu.vector_store %arg5[%swap3A_356], %broadcast_in_dim3A_8 {strides = array<i32>} : memref<4096xf32, #tpu.memory_space<vmem>>, vector<16xf32>,
    %swap3A_358 = arith.constant 2800 : index
    %swap3A_359 = tpu.vector_load %arg5[%swap3A_358] {strides = array<i32>} : memref<4096xf32, #tpu.memory_space<vmem>>, vector<16xf32>,
    tpu.vector_store %arg5[%swap3A_358], %broadcast_in_dim3A_8 {strides = array<i32>} : memref<4096xf32, #tpu.memory_space<vmem>>, vector<16xf32>,
    %swap3A_360 = arith.constant 2816 : index
    %swap3A_361 = tpu.vector_load %arg5[%swap3A_360] {strides = array<i32>} : memref<4096xf32, #tpu.memory_space<vmem>>, vector<16xf32>,
    tpu.vector_store %arg5[%swap3A_360], %broadcast_in_dim3A_8 {strides = array<i32>} : memref<4096xf32, #tpu.memory_space<vmem>>, vector<16xf32>,
    %swap3A_362 = arith.constant 2832 : index
    %swap3A_363 = tpu.vector_load %arg5[%swap3A_362] {strides = array<i32>} : memref<4096xf32, #tpu.memory_space<vmem>>, vector<16xf32>,
    tpu.vector_store %arg5[%swap3A_362], %broadcast_in_dim3A_8 {strides = array<i32>} : memref<4096xf32, #tpu.memory_space<vmem>>, vector<16xf32>,
    %swap3A_364 = arith.constant 2848 : index
    %swap3A_365 = tpu.vector_load %arg5[%swap3A_364] {strides = array<i32>} : memref<4096xf32, #tpu.memory_space<vmem>>, vector<16xf32>,
    tpu.vector_store %arg5[%swap3A_364], %broadcast_in_dim3A_8 {strides = array<i32>} : memref<4096xf32, #tpu.memory_space<vmem>>, vector<16xf32>,
    %swap3A_366 = arith.constant 2864 : index
    %swap3A_367 = tpu.vector_load %arg5[%swap3A_366] {strides = array<i32>} : memref<4096xf32, #tpu.memory_space<vmem>>, vector<16xf32>,
    tpu.vector_store %arg5[%swap3A_366], %broadcast_in_dim3A_8 {strides = array<i32>} : memref<4096xf32, #tpu.memory_space<vmem>>, vector<16xf32>,
    %swap3A_368 = arith.constant 2880 : index
    %swap3A_369 = tpu.vector_load %arg5[%swap3A_368] {strides = array<i32>} : memref<4096xf32, #tpu.memory_space<vmem>>, vector<16xf32>,
    tpu.vector_store %arg5[%swap3A_368], %broadcast_in_dim3A_8 {strides = array<i32>} : memref<4096xf32, #tpu.memory_space<vmem>>, vector<16xf32>,
    %swap3A_370 = arith.constant 2896 : index
    %swap3A_371 = tpu.vector_load %arg5[%swap3A_370] {strides = array<i32>} : memref<4096xf32, #tpu.memory_space<vmem>>, vector<16xf32>,
    tpu.vector_store %arg5[%swap3A_370], %broadcast_in_dim3A_8 {strides = array<i32>} : memref<4096xf32, #tpu.memory_space<vmem>>, vector<16xf32>,
    %swap3A_372 = arith.constant 2912 : index
    %swap3A_373 = tpu.vector_load %arg5[%swap3A_372] {strides = array<i32>} : memref<4096xf32, #tpu.memory_space<vmem>>, vector<16xf32>,
    tpu.vector_store %arg5[%swap3A_372], %broadcast_in_dim3A_8 {strides = array<i32>} : memref<4096xf32, #tpu.memory_space<vmem>>, vector<16xf32>,
    %swap3A_374 = arith.constant 2928 : index
    %swap3A_375 = tpu.vector_load %arg5[%swap3A_374] {strides = array<i32>} : memref<4096xf32, #tpu.memory_space<vmem>>, vector<16xf32>,
    tpu.vector_store %arg5[%swap3A_374], %broadcast_in_dim3A_8 {strides = array<i32>} : memref<4096xf32, #tpu.memory_space<vmem>>, vector<16xf32>,
    %swap3A_376 = arith.constant 2944 : index
    %swap3A_377 = tpu.vector_load %arg5[%swap3A_376] {strides = array<i32>} : memref<4096xf32, #tpu.memory_space<vmem>>, vector<16xf32>,
    tpu.vector_store %arg5[%swap3A_376], %broadcast_in_dim3A_8 {strides = array<i32>} : memref<4096xf32, #tpu.memory_space<vmem>>, vector<16xf32>,
    %swap3A_378 = arith.constant 2960 : index
    %swap3A_379 = tpu.vector_load %arg5[%swap3A_378] {strides = array<i32>} : memref<4096xf32, #tpu.memory_space<vmem>>, vector<16xf32>,
    tpu.vector_store %arg5[%swap3A_378], %broadcast_in_dim3A_8 {strides = array<i32>} : memref<4096xf32, #tpu.memory_space<vmem>>, vector<16xf32>,
    %swap3A_380 = arith.constant 2976 : index
    %swap3A_381 = tpu.vector_load %arg5[%swap3A_380] {strides = array<i32>} : memref<4096xf32, #tpu.memory_space<vmem>>, vector<16xf32>,
    tpu.vector_store %arg5[%swap3A_380], %broadcast_in_dim3A_8 {strides = array<i32>} : memref<4096xf32, #tpu.memory_space<vmem>>, vector<16xf32>,
    %swap3A_382 = arith.constant 2992 : index
    %swap3A_383 = tpu.vector_load %arg5[%swap3A_382] {strides = array<i32>} : memref<4096xf32, #tpu.memory_space<vmem>>, vector<16xf32>,
    tpu.vector_store %arg5[%swap3A_382], %broadcast_in_dim3A_8 {strides = array<i32>} : memref<4096xf32, #tpu.memory_space<vmem>>, vector<16xf32>,
    %swap3A_384 = arith.constant 3008 : index
    %swap3A_385 = tpu.vector_load %arg5[%swap3A_384] {strides = array<i32>} : memref<4096xf32, #tpu.memory_space<vmem>>, vector<16xf32>,
    tpu.vector_store %arg5[%swap3A_384], %broadcast_in_dim3A_8 {strides = array<i32>} : memref<4096xf32, #tpu.memory_space<vmem>>, vector<16xf32>,
    %swap3A_386 = arith.constant 3024 : index
    %swap3A_387 = tpu.vector_load %arg5[%swap3A_386] {strides = array<i32>} : memref<4096xf32, #tpu.memory_space<vmem>>, vector<16xf32>,
    tpu.vector_store %arg5[%swap3A_386], %broadcast_in_dim3A_8 {strides = array<i32>} : memref<4096xf32, #tpu.memory_space<vmem>>, vector<16xf32>,
    %swap3A_388 = arith.constant 3040 : index
    %swap3A_389 = tpu.vector_load %arg5[%swap3A_388] {strides = array<i32>} : memref<4096xf32, #tpu.memory_space<vmem>>, vector<16xf32>,
    tpu.vector_store %arg5[%swap3A_388], %broadcast_in_dim3A_8 {strides = array<i32>} : memref<4096xf32, #tpu.memory_space<vmem>>, vector<16xf32>,
    %swap3A_390 = arith.constant 3056 : index
    %swap3A_391 = tpu.vector_load %arg5[%swap3A_390] {strides = array<i32>} : memref<4096xf32, #tpu.memory_space<vmem>>, vector<16xf32>,
    tpu.vector_store %arg5[%swap3A_390], %broadcast_in_dim3A_8 {strides = array<i32>} : memref<4096xf32, #tpu.memory_space<vmem>>, vector<16xf32>,
    %swap3A_392 = arith.constant 3072 : index
    %swap3A_393 = tpu.vector_load %arg5[%swap3A_392] {strides = array<i32>} : memref<4096xf32, #tpu.memory_space<vmem>>, vector<16xf32>,
    tpu.vector_store %arg5[%swap3A_392], %broadcast_in_dim3A_8 {strides = array<i32>} : memref<4096xf32, #tpu.memory_space<vmem>>, vector<16xf32>,
    %swap3A_394 = arith.constant 3088 : index
    %swap3A_395 = tpu.vector_load %arg5[%swap3A_394] {strides = array<i32>} : memref<4096xf32, #tpu.memory_space<vmem>>, vector<16xf32>,
    tpu.vector_store %arg5[%swap3A_394], %broadcast_in_dim3A_8 {strides = array<i32>} : memref<4096xf32, #tpu.memory_space<vmem>>, vector<16xf32>,
    %swap3A_396 = arith.constant 3104 : index
    %swap3A_397 = tpu.vector_load %arg5[%swap3A_396] {strides = array<i32>} : memref<4096xf32, #tpu.memory_space<vmem>>, vector<16xf32>,
    tpu.vector_store %arg5[%swap3A_396], %broadcast_in_dim3A_8 {strides = array<i32>} : memref<4096xf32, #tpu.memory_space<vmem>>, vector<16xf32>,
    %swap3A_398 = arith.constant 3120 : index
    %swap3A_399 = tpu.vector_load %arg5[%swap3A_398] {strides = array<i32>} : memref<4096xf32, #tpu.memory_space<vmem>>, vector<16xf32>,
    tpu.vector_store %arg5[%swap3A_398], %broadcast_in_dim3A_8 {strides = array<i32>} : memref<4096xf32, #tpu.memory_space<vmem>>, vector<16xf32>,
    %swap3A_400 = arith.constant 3136 : index
    %swap3A_401 = tpu.vector_load %arg5[%swap3A_400] {strides = array<i32>} : memref<4096xf32, #tpu.memory_space<vmem>>, vector<16xf32>,
    tpu.vector_store %arg5[%swap3A_400], %broadcast_in_dim3A_8 {strides = array<i32>} : memref<4096xf32, #tpu.memory_space<vmem>>, vector<16xf32>,
    %swap3A_402 = arith.constant 3152 : index
    %swap3A_403 = tpu.vector_load %arg5[%swap3A_402] {strides = array<i32>} : memref<4096xf32, #tpu.memory_space<vmem>>, vector<16xf32>,
    tpu.vector_store %arg5[%swap3A_402], %broadcast_in_dim3A_8 {strides = array<i32>} : memref<4096xf32, #tpu.memory_space<vmem>>, vector<16xf32>,
    %swap3A_404 = arith.constant 3168 : index
    %swap3A_405 = tpu.vector_load %arg5[%swap3A_404] {strides = array<i32>} : memref<4096xf32, #tpu.memory_space<vmem>>, vector<16xf32>,
    tpu.vector_store %arg5[%swap3A_404], %broadcast_in_dim3A_8 {strides = array<i32>} : memref<4096xf32, #tpu.memory_space<vmem>>, vector<16xf32>,
    %swap3A_406 = arith.constant 3184 : index
    %swap3A_407 = tpu.vector_load %arg5[%swap3A_406] {strides = array<i32>} : memref<4096xf32, #tpu.memory_space<vmem>>, vector<16xf32>,
    tpu.vector_store %arg5[%swap3A_406], %broadcast_in_dim3A_8 {strides = array<i32>} : memref<4096xf32, #tpu.memory_space<vmem>>, vector<16xf32>,
    %swap3A_408 = arith.constant 3200 : index
    %swap3A_409 = tpu.vector_load %arg5[%swap3A_408] {strides = array<i32>} : memref<4096xf32, #tpu.memory_space<vmem>>, vector<16xf32>,
    tpu.vector_store %arg5[%swap3A_408], %broadcast_in_dim3A_8 {strides = array<i32>} : memref<4096xf32, #tpu.memory_space<vmem>>, vector<16xf32>,
    %swap3A_410 = arith.constant 3216 : index
    %swap3A_411 = tpu.vector_load %arg5[%swap3A_410] {strides = array<i32>} : memref<4096xf32, #tpu.memory_space<vmem>>, vector<16xf32>,
    tpu.vector_store %arg5[%swap3A_410], %broadcast_in_dim3A_8 {strides = array<i32>} : memref<4096xf32, #tpu.memory_space<vmem>>, vector<16xf32>,
    %swap3A_412 = arith.constant 3232 : index
    %swap3A_413 = tpu.vector_load %arg5[%swap3A_412] {strides = array<i32>} : memref<4096xf32, #tpu.memory_space<vmem>>, vector<16xf32>,
    tpu.vector_store %arg5[%swap3A_412], %broadcast_in_dim3A_8 {strides = array<i32>} : memref<4096xf32, #tpu.memory_space<vmem>>, vector<16xf32>,
    %swap3A_414 = arith.constant 3248 : index
    %swap3A_415 = tpu.vector_load %arg5[%swap3A_414] {strides = array<i32>} : memref<4096xf32, #tpu.memory_space<vmem>>, vector<16xf32>,
    tpu.vector_store %arg5[%swap3A_414], %broadcast_in_dim3A_8 {strides = array<i32>} : memref<4096xf32, #tpu.memory_space<vmem>>, vector<16xf32>,
    %swap3A_416 = arith.constant 3264 : index
    %swap3A_417 = tpu.vector_load %arg5[%swap3A_416] {strides = array<i32>} : memref<4096xf32, #tpu.memory_space<vmem>>, vector<16xf32>,
    tpu.vector_store %arg5[%swap3A_416], %broadcast_in_dim3A_8 {strides = array<i32>} : memref<4096xf32, #tpu.memory_space<vmem>>, vector<16xf32>,
    %swap3A_418 = arith.constant 3280 : index
    %swap3A_419 = tpu.vector_load %arg5[%swap3A_418] {strides = array<i32>} : memref<4096xf32, #tpu.memory_space<vmem>>, vector<16xf32>,
    tpu.vector_store %arg5[%swap3A_418], %broadcast_in_dim3A_8 {strides = array<i32>} : memref<4096xf32, #tpu.memory_space<vmem>>, vector<16xf32>,
    %swap3A_420 = arith.constant 3296 : index
    %swap3A_421 = tpu.vector_load %arg5[%swap3A_420] {strides = array<i32>} : memref<4096xf32, #tpu.memory_space<vmem>>, vector<16xf32>,
    tpu.vector_store %arg5[%swap3A_420], %broadcast_in_dim3A_8 {strides = array<i32>} : memref<4096xf32, #tpu.memory_space<vmem>>, vector<16xf32>,
    %swap3A_422 = arith.constant 3312 : index
    %swap3A_423 = tpu.vector_load %arg5[%swap3A_422] {strides = array<i32>} : memref<4096xf32, #tpu.memory_space<vmem>>, vector<16xf32>,
    tpu.vector_store %arg5[%swap3A_422], %broadcast_in_dim3A_8 {strides = array<i32>} : memref<4096xf32, #tpu.memory_space<vmem>>, vector<16xf32>,
    %swap3A_424 = arith.constant 3328 : index
    %swap3A_425 = tpu.vector_load %arg5[%swap3A_424] {strides = array<i32>} : memref<4096xf32, #tpu.memory_space<vmem>>, vector<16xf32>,
    tpu.vector_store %arg5[%swap3A_424], %broadcast_in_dim3A_8 {strides = array<i32>} : memref<4096xf32, #tpu.memory_space<vmem>>, vector<16xf32>,
    %swap3A_426 = arith.constant 3344 : index
    %swap3A_427 = tpu.vector_load %arg5[%swap3A_426] {strides = array<i32>} : memref<4096xf32, #tpu.memory_space<vmem>>, vector<16xf32>,
    tpu.vector_store %arg5[%swap3A_426], %broadcast_in_dim3A_8 {strides = array<i32>} : memref<4096xf32, #tpu.memory_space<vmem>>, vector<16xf32>,
    %swap3A_428 = arith.constant 3360 : index
    %swap3A_429 = tpu.vector_load %arg5[%swap3A_428] {strides = array<i32>} : memref<4096xf32, #tpu.memory_space<vmem>>, vector<16xf32>,
    tpu.vector_store %arg5[%swap3A_428], %broadcast_in_dim3A_8 {strides = array<i32>} : memref<4096xf32, #tpu.memory_space<vmem>>, vector<16xf32>,
    %swap3A_430 = arith.constant 3376 : index
    %swap3A_431 = tpu.vector_load %arg5[%swap3A_430] {strides = array<i32>} : memref<4096xf32, #tpu.memory_space<vmem>>, vector<16xf32>,
    tpu.vector_store %arg5[%swap3A_430], %broadcast_in_dim3A_8 {strides = array<i32>} : memref<4096xf32, #tpu.memory_space<vmem>>, vector<16xf32>,
    %swap3A_432 = arith.constant 3392 : index
    %swap3A_433 = tpu.vector_load %arg5[%swap3A_432] {strides = array<i32>} : memref<4096xf32, #tpu.memory_space<vmem>>, vector<16xf32>,
    tpu.vector_store %arg5[%swap3A_432], %broadcast_in_dim3A_8 {strides = array<i32>} : memref<4096xf32, #tpu.memory_space<vmem>>, vector<16xf32>,
    %swap3A_434 = arith.constant 3408 : index
    %swap3A_435 = tpu.vector_load %arg5[%swap3A_434] {strides = array<i32>} : memref<4096xf32, #tpu.memory_space<vmem>>, vector<16xf32>,
    tpu.vector_store %arg5[%swap3A_434], %broadcast_in_dim3A_8 {strides = array<i32>} : memref<4096xf32, #tpu.memory_space<vmem>>, vector<16xf32>,
    %swap3A_436 = arith.constant 3424 : index
    %swap3A_437 = tpu.vector_load %arg5[%swap3A_436] {strides = array<i32>} : memref<4096xf32, #tpu.memory_space<vmem>>, vector<16xf32>,
    tpu.vector_store %arg5[%swap3A_436], %broadcast_in_dim3A_8 {strides = array<i32>} : memref<4096xf32, #tpu.memory_space<vmem>>, vector<16xf32>,
    %swap3A_438 = arith.constant 3440 : index
    %swap3A_439 = tpu.vector_load %arg5[%swap3A_438] {strides = array<i32>} : memref<4096xf32, #tpu.memory_space<vmem>>, vector<16xf32>,
    tpu.vector_store %arg5[%swap3A_438], %broadcast_in_dim3A_8 {strides = array<i32>} : memref<4096xf32, #tpu.memory_space<vmem>>, vector<16xf32>,
    %swap3A_440 = arith.constant 3456 : index
    %swap3A_441 = tpu.vector_load %arg5[%swap3A_440] {strides = array<i32>} : memref<4096xf32, #tpu.memory_space<vmem>>, vector<16xf32>,
    tpu.vector_store %arg5[%swap3A_440], %broadcast_in_dim3A_8 {strides = array<i32>} : memref<4096xf32, #tpu.memory_space<vmem>>, vector<16xf32>,
    %swap3A_442 = arith.constant 3472 : index
    %swap3A_443 = tpu.vector_load %arg5[%swap3A_442] {strides = array<i32>} : memref<4096xf32, #tpu.memory_space<vmem>>, vector<16xf32>,
    tpu.vector_store %arg5[%swap3A_442], %broadcast_in_dim3A_8 {strides = array<i32>} : memref<4096xf32, #tpu.memory_space<vmem>>, vector<16xf32>,
    %swap3A_444 = arith.constant 3488 : index
    %swap3A_445 = tpu.vector_load %arg5[%swap3A_444] {strides = array<i32>} : memref<4096xf32, #tpu.memory_space<vmem>>, vector<16xf32>,
    tpu.vector_store %arg5[%swap3A_444], %broadcast_in_dim3A_8 {strides = array<i32>} : memref<4096xf32, #tpu.memory_space<vmem>>, vector<16xf32>,
    %swap3A_446 = arith.constant 3504 : index
    %swap3A_447 = tpu.vector_load %arg5[%swap3A_446] {strides = array<i32>} : memref<4096xf32, #tpu.memory_space<vmem>>, vector<16xf32>,
    tpu.vector_store %arg5[%swap3A_446], %broadcast_in_dim3A_8 {strides = array<i32>} : memref<4096xf32, #tpu.memory_space<vmem>>, vector<16xf32>,
    %swap3A_448 = arith.constant 3520 : index
    %swap3A_449 = tpu.vector_load %arg5[%swap3A_448] {strides = array<i32>} : memref<4096xf32, #tpu.memory_space<vmem>>, vector<16xf32>,
    tpu.vector_store %arg5[%swap3A_448], %broadcast_in_dim3A_8 {strides = array<i32>} : memref<4096xf32, #tpu.memory_space<vmem>>, vector<16xf32>,
    %swap3A_450 = arith.constant 3536 : index
    %swap3A_451 = tpu.vector_load %arg5[%swap3A_450] {strides = array<i32>} : memref<4096xf32, #tpu.memory_space<vmem>>, vector<16xf32>,
    tpu.vector_store %arg5[%swap3A_450], %broadcast_in_dim3A_8 {strides = array<i32>} : memref<4096xf32, #tpu.memory_space<vmem>>, vector<16xf32>,
    %swap3A_452 = arith.constant 3552 : index
    %swap3A_453 = tpu.vector_load %arg5[%swap3A_452] {strides = array<i32>} : memref<4096xf32, #tpu.memory_space<vmem>>, vector<16xf32>,
    tpu.vector_store %arg5[%swap3A_452], %broadcast_in_dim3A_8 {strides = array<i32>} : memref<4096xf32, #tpu.memory_space<vmem>>, vector<16xf32>,
    %swap3A_454 = arith.constant 3568 : index
    %swap3A_455 = tpu.vector_load %arg5[%swap3A_454] {strides = array<i32>} : memref<4096xf32, #tpu.memory_space<vmem>>, vector<16xf32>,
    tpu.vector_store %arg5[%swap3A_454], %broadcast_in_dim3A_8 {strides = array<i32>} : memref<4096xf32, #tpu.memory_space<vmem>>, vector<16xf32>,
    %swap3A_456 = arith.constant 3584 : index
    %swap3A_457 = tpu.vector_load %arg5[%swap3A_456] {strides = array<i32>} : memref<4096xf32, #tpu.memory_space<vmem>>, vector<16xf32>,
    tpu.vector_store %arg5[%swap3A_456], %broadcast_in_dim3A_8 {strides = array<i32>} : memref<4096xf32, #tpu.memory_space<vmem>>, vector<16xf32>,
    %swap3A_458 = arith.constant 3600 : index
    %swap3A_459 = tpu.vector_load %arg5[%swap3A_458] {strides = array<i32>} : memref<4096xf32, #tpu.memory_space<vmem>>, vector<16xf32>,
    tpu.vector_store %arg5[%swap3A_458], %broadcast_in_dim3A_8 {strides = array<i32>} : memref<4096xf32, #tpu.memory_space<vmem>>, vector<16xf32>,
    %swap3A_460 = arith.constant 3616 : index
    %swap3A_461 = tpu.vector_load %arg5[%swap3A_460] {strides = array<i32>} : memref<4096xf32, #tpu.memory_space<vmem>>, vector<16xf32>,
    tpu.vector_store %arg5[%swap3A_460], %broadcast_in_dim3A_8 {strides = array<i32>} : memref<4096xf32, #tpu.memory_space<vmem>>, vector<16xf32>,
    %swap3A_462 = arith.constant 3632 : index
    %swap3A_463 = tpu.vector_load %arg5[%swap3A_462] {strides = array<i32>} : memref<4096xf32, #tpu.memory_space<vmem>>, vector<16xf32>,
    tpu.vector_store %arg5[%swap3A_462], %broadcast_in_dim3A_8 {strides = array<i32>} : memref<4096xf32, #tpu.memory_space<vmem>>, vector<16xf32>,
    %swap3A_464 = arith.constant 3648 : index
    %swap3A_465 = tpu.vector_load %arg5[%swap3A_464] {strides = array<i32>} : memref<4096xf32, #tpu.memory_space<vmem>>, vector<16xf32>,
    tpu.vector_store %arg5[%swap3A_464], %broadcast_in_dim3A_8 {strides = array<i32>} : memref<4096xf32, #tpu.memory_space<vmem>>, vector<16xf32>,
    %swap3A_466 = arith.constant 3664 : index
    %swap3A_467 = tpu.vector_load %arg5[%swap3A_466] {strides = array<i32>} : memref<4096xf32, #tpu.memory_space<vmem>>, vector<16xf32>,
    tpu.vector_store %arg5[%swap3A_466], %broadcast_in_dim3A_8 {strides = array<i32>} : memref<4096xf32, #tpu.memory_space<vmem>>, vector<16xf32>,
    %swap3A_468 = arith.constant 3680 : index
    %swap3A_469 = tpu.vector_load %arg5[%swap3A_468] {strides = array<i32>} : memref<4096xf32, #tpu.memory_space<vmem>>, vector<16xf32>,
    tpu.vector_store %arg5[%swap3A_468], %broadcast_in_dim3A_8 {strides = array<i32>} : memref<4096xf32, #tpu.memory_space<vmem>>, vector<16xf32>,
    %swap3A_470 = arith.constant 3696 : index
    %swap3A_471 = tpu.vector_load %arg5[%swap3A_470] {strides = array<i32>} : memref<4096xf32, #tpu.memory_space<vmem>>, vector<16xf32>,
    tpu.vector_store %arg5[%swap3A_470], %broadcast_in_dim3A_8 {strides = array<i32>} : memref<4096xf32, #tpu.memory_space<vmem>>, vector<16xf32>,
    %swap3A_472 = arith.constant 3712 : index
    %swap3A_473 = tpu.vector_load %arg5[%swap3A_472] {strides = array<i32>} : memref<4096xf32, #tpu.memory_space<vmem>>, vector<16xf32>,
    tpu.vector_store %arg5[%swap3A_472], %broadcast_in_dim3A_8 {strides = array<i32>} : memref<4096xf32, #tpu.memory_space<vmem>>, vector<16xf32>,
    %swap3A_474 = arith.constant 3728 : index
    %swap3A_475 = tpu.vector_load %arg5[%swap3A_474] {strides = array<i32>} : memref<4096xf32, #tpu.memory_space<vmem>>, vector<16xf32>,
    tpu.vector_store %arg5[%swap3A_474], %broadcast_in_dim3A_8 {strides = array<i32>} : memref<4096xf32, #tpu.memory_space<vmem>>, vector<16xf32>,
    %swap3A_476 = arith.constant 3744 : index
    %swap3A_477 = tpu.vector_load %arg5[%swap3A_476] {strides = array<i32>} : memref<4096xf32, #tpu.memory_space<vmem>>, vector<16xf32>,
    tpu.vector_store %arg5[%swap3A_476], %broadcast_in_dim3A_8 {strides = array<i32>} : memref<4096xf32, #tpu.memory_space<vmem>>, vector<16xf32>,
    %swap3A_478 = arith.constant 3760 : index
    %swap3A_479 = tpu.vector_load %arg5[%swap3A_478] {strides = array<i32>} : memref<4096xf32, #tpu.memory_space<vmem>>, vector<16xf32>,
    tpu.vector_store %arg5[%swap3A_478], %broadcast_in_dim3A_8 {strides = array<i32>} : memref<4096xf32, #tpu.memory_space<vmem>>, vector<16xf32>,
    %swap3A_480 = arith.constant 3776 : index
    %swap3A_481 = tpu.vector_load %arg5[%swap3A_480] {strides = array<i32>} : memref<4096xf32, #tpu.memory_space<vmem>>, vector<16xf32>,
    tpu.vector_store %arg5[%swap3A_480], %broadcast_in_dim3A_8 {strides = array<i32>} : memref<4096xf32, #tpu.memory_space<vmem>>, vector<16xf32>,
    %swap3A_482 = arith.constant 3792 : index
    %swap3A_483 = tpu.vector_load %arg5[%swap3A_482] {strides = array<i32>} : memref<4096xf32, #tpu.memory_space<vmem>>, vector<16xf32>,
    tpu.vector_store %arg5[%swap3A_482], %broadcast_in_dim3A_8 {strides = array<i32>} : memref<4096xf32, #tpu.memory_space<vmem>>, vector<16xf32>,
    %swap3A_484 = arith.constant 3808 : index
    %swap3A_485 = tpu.vector_load %arg5[%swap3A_484] {strides = array<i32>} : memref<4096xf32, #tpu.memory_space<vmem>>, vector<16xf32>,
    tpu.vector_store %arg5[%swap3A_484], %broadcast_in_dim3A_8 {strides = array<i32>} : memref<4096xf32, #tpu.memory_space<vmem>>, vector<16xf32>,
    %swap3A_486 = arith.constant 3824 : index
    %swap3A_487 = tpu.vector_load %arg5[%swap3A_486] {strides = array<i32>} : memref<4096xf32, #tpu.memory_space<vmem>>, vector<16xf32>,
    tpu.vector_store %arg5[%swap3A_486], %broadcast_in_dim3A_8 {strides = array<i32>} : memref<4096xf32, #tpu.memory_space<vmem>>, vector<16xf32>,
    %swap3A_488 = arith.constant 3840 : index
    %swap3A_489 = tpu.vector_load %arg5[%swap3A_488] {strides = array<i32>} : memref<4096xf32, #tpu.memory_space<vmem>>, vector<16xf32>,
    tpu.vector_store %arg5[%swap3A_488], %broadcast_in_dim3A_8 {strides = array<i32>} : memref<4096xf32, #tpu.memory_space<vmem>>, vector<16xf32>,
    %swap3A_490 = arith.constant 3856 : index
    %swap3A_491 = tpu.vector_load %arg5[%swap3A_490] {strides = array<i32>} : memref<4096xf32, #tpu.memory_space<vmem>>, vector<16xf32>,
    tpu.vector_store %arg5[%swap3A_490], %broadcast_in_dim3A_8 {strides = array<i32>} : memref<4096xf32, #tpu.memory_space<vmem>>, vector<16xf32>,
    %swap3A_492 = arith.constant 3872 : index
    %swap3A_493 = tpu.vector_load %arg5[%swap3A_492] {strides = array<i32>} : memref<4096xf32, #tpu.memory_space<vmem>>, vector<16xf32>,
    tpu.vector_store %arg5[%swap3A_492], %broadcast_in_dim3A_8 {strides = array<i32>} : memref<4096xf32, #tpu.memory_space<vmem>>, vector<16xf32>,
    %swap3A_494 = arith.constant 3888 : index
    %swap3A_495 = tpu.vector_load %arg5[%swap3A_494] {strides = array<i32>} : memref<4096xf32, #tpu.memory_space<vmem>>, vector<16xf32>,
    tpu.vector_store %arg5[%swap3A_494], %broadcast_in_dim3A_8 {strides = array<i32>} : memref<4096xf32, #tpu.memory_space<vmem>>, vector<16xf32>,
    %swap3A_496 = arith.constant 3904 : index
    %swap3A_497 = tpu.vector_load %arg5[%swap3A_496] {strides = array<i32>} : memref<4096xf32, #tpu.memory_space<vmem>>, vector<16xf32>,
    tpu.vector_store %arg5[%swap3A_496], %broadcast_in_dim3A_8 {strides = array<i32>} : memref<4096xf32, #tpu.memory_space<vmem>>, vector<16xf32>,
    %swap3A_498 = arith.constant 3920 : index
    %swap3A_499 = tpu.vector_load %arg5[%swap3A_498] {strides = array<i32>} : memref<4096xf32, #tpu.memory_space<vmem>>, vector<16xf32>,
    tpu.vector_store %arg5[%swap3A_498], %broadcast_in_dim3A_8 {strides = array<i32>} : memref<4096xf32, #tpu.memory_space<vmem>>, vector<16xf32>,
    %swap3A_500 = arith.constant 3936 : index
    %swap3A_501 = tpu.vector_load %arg5[%swap3A_500] {strides = array<i32>} : memref<4096xf32, #tpu.memory_space<vmem>>, vector<16xf32>,
    tpu.vector_store %arg5[%swap3A_500], %broadcast_in_dim3A_8 {strides = array<i32>} : memref<4096xf32, #tpu.memory_space<vmem>>, vector<16xf32>,
    %swap3A_502 = arith.constant 3952 : index
    %swap3A_503 = tpu.vector_load %arg5[%swap3A_502] {strides = array<i32>} : memref<4096xf32, #tpu.memory_space<vmem>>, vector<16xf32>,
    tpu.vector_store %arg5[%swap3A_502], %broadcast_in_dim3A_8 {strides = array<i32>} : memref<4096xf32, #tpu.memory_space<vmem>>, vector<16xf32>,
    %swap3A_504 = arith.constant 3968 : index
    %swap3A_505 = tpu.vector_load %arg5[%swap3A_504] {strides = array<i32>} : memref<4096xf32, #tpu.memory_space<vmem>>, vector<16xf32>,
    tpu.vector_store %arg5[%swap3A_504], %broadcast_in_dim3A_8 {strides = array<i32>} : memref<4096xf32, #tpu.memory_space<vmem>>, vector<16xf32>,
    %swap3A_506 = arith.constant 3984 : index
    %swap3A_507 = tpu.vector_load %arg5[%swap3A_506] {strides = array<i32>} : memref<4096xf32, #tpu.memory_space<vmem>>, vector<16xf32>,
    tpu.vector_store %arg5[%swap3A_506], %broadcast_in_dim3A_8 {strides = array<i32>} : memref<4096xf32, #tpu.memory_space<vmem>>, vector<16xf32>,
    %swap3A_508 = arith.constant 4000 : index
    %swap3A_509 = tpu.vector_load %arg5[%swap3A_508] {strides = array<i32>} : memref<4096xf32, #tpu.memory_space<vmem>>, vector<16xf32>,
    tpu.vector_store %arg5[%swap3A_508], %broadcast_in_dim3A_8 {strides = array<i32>} : memref<4096xf32, #tpu.memory_space<vmem>>, vector<16xf32>,
    %swap3A_510 = arith.constant 4016 : index
    %swap3A_511 = tpu.vector_load %arg5[%swap3A_510] {strides = array<i32>} : memref<4096xf32, #tpu.memory_space<vmem>>, vector<16xf32>,
    tpu.vector_store %arg5[%swap3A_510], %broadcast_in_dim3A_8 {strides = array<i32>} : memref<4096xf32, #tpu.memory_space<vmem>>, vector<16xf32>,
    %swap3A_512 = arith.constant 4032 : index
    %swap3A_513 = tpu.vector_load %arg5[%swap3A_512] {strides = array<i32>} : memref<4096xf32, #tpu.memory_space<vmem>>, vector<16xf32>,
    tpu.vector_store %arg5[%swap3A_512], %broadcast_in_dim3A_8 {strides = array<i32>} : memref<4096xf32, #tpu.memory_space<vmem>>, vector<16xf32>,
    %swap3A_514 = arith.constant 4048 : index
    %swap3A_515 = tpu.vector_load %arg5[%swap3A_514] {strides = array<i32>} : memref<4096xf32, #tpu.memory_space<vmem>>, vector<16xf32>,
    tpu.vector_store %arg5[%swap3A_514], %broadcast_in_dim3A_8 {strides = array<i32>} : memref<4096xf32, #tpu.memory_space<vmem>>, vector<16xf32>,
    %swap3A_516 = arith.constant 4064 : index
    %swap3A_517 = tpu.vector_load %arg5[%swap3A_516] {strides = array<i32>} : memref<4096xf32, #tpu.memory_space<vmem>>, vector<16xf32>,
    tpu.vector_store %arg5[%swap3A_516], %broadcast_in_dim3A_8 {strides = array<i32>} : memref<4096xf32, #tpu.memory_space<vmem>>, vector<16xf32>,
    %swap3A_518 = arith.constant 4080 : index
    %swap3A_519 = tpu.vector_load %arg5[%swap3A_518] {strides = array<i32>} : memref<4096xf32, #tpu.memory_space<vmem>>, vector<16xf32>,
    tpu.vector_store %arg5[%swap3A_518], %broadcast_in_dim3A_8 {strides = array<i32>} : memref<4096xf32, #tpu.memory_space<vmem>>, vector<16xf32>,
    %add3A_520 = arith.constant 0 : i32
    %add3A_521 = arith.addi %mul3A_2, %add3A_520 : i32
    %dma_start3A = arith.constant 0 : i32
    %dma_start3A_522 = arith.constant 0 : i32
    %dma_start3A_523 = arith.constant 0 : i32
    %dma_start3A_524 = tpu.memref_slice %arg4[%dma_start3A, %dma_start3A_522, %dma_start3A_523] : memref<2x8x4096xf32, #tpu.memory_space<vmem>> -> memref<1x8x4096xf32, #tpu.memory_space<vmem>>
    %dma_start3A_525 = tpu.memref_squeeze %dma_start3A_524 : memref<1x8x4096xf32, #tpu.memory_space<vmem>> -> memref<8x4096xf32, #tpu.memory_space<vmem>>
    %dma_start3A_526 = arith.constant 0 : i32
    %dma_start3A_527 = tpu.memref_slice %arg2[%add3A_521, %dma_start3A_526] : memref<8192x4096xf32, #tpu.memory_space<hbm>> -> memref<8x4096xf32, #tpu.memory_space<hbm>>
    %dma_start3A_528 = arith.constant 0 : i32
    %dma_start3A_529 = arith.constant 0 : i32
    %dma_start3A_530 = tpu.memref_slice %arg4[%dma_start3A, %dma_start3A_528, %dma_start3A_529] : memref<2x8x4096xf32, #tpu.memory_space<vmem>> -> memref<1x8x4096xf32, #tpu.memory_space<vmem>>
    %dma_start3A_531 = tpu.memref_squeeze %dma_start3A_530 : memref<1x8x4096xf32, #tpu.memory_space<vmem>> -> memref<8x4096xf32, #tpu.memory_space<vmem>>
    %dma_start3A_532 = arith.constant 0 : i32
    %dma_start3A_533 = tpu.memref_slice %arg2[%add3A_521, %dma_start3A_532] : memref<8192x4096xf32, #tpu.memory_space<hbm>> -> memref<8x4096xf32, #tpu.memory_space<hbm>>
    tpu.enqueue_dma source(%dma_start3A_533 : memref<8x4096xf32, #tpu.memory_space<hbm>>) target(%dma_start3A_531 : memref<8x4096xf32, #tpu.memory_space<vmem>>) target_semaphore(%arg7 : memref<!tpu.dma_semaphore, #tpu.memory_space<semaphore_mem>>)
    %add3A_534 = arith.constant 8 : i32
    %add3A_535 = arith.addi %mul3A_2, %add3A_534 : i32
    %dma_start3A_536 = arith.constant 1 : i32
    %dma_start3A_537 = arith.constant 0 : i32
    %dma_start3A_538 = arith.constant 0 : i32
    %dma_start3A_539 = tpu.memref_slice %arg4[%dma_start3A_536, %dma_start3A_537, %dma_start3A_538] : memref<2x8x4096xf32, #tpu.memory_space<vmem>> -> memref<1x8x4096xf32, #tpu.memory_space<vmem>>
    %dma_start3A_540 = tpu.memref_squeeze %dma_start3A_539 : memref<1x8x4096xf32, #tpu.memory_space<vmem>> -> memref<8x4096xf32, #tpu.memory_space<vmem>>
    %dma_start3A_541 = arith.constant 0 : i32
    %dma_start3A_542 = tpu.memref_slice %arg2[%add3A_535, %dma_start3A_541] : memref<8192x4096xf32, #tpu.memory_space<hbm>> -> memref<8x4096xf32, #tpu.memory_space<hbm>>
    %dma_start3A_543 = arith.constant 0 : i32
    %dma_start3A_544 = arith.constant 0 : i32
    %dma_start3A_545 = tpu.memref_slice %arg4[%dma_start3A_536, %dma_start3A_543, %dma_start3A_544] : memref<2x8x4096xf32, #tpu.memory_space<vmem>> -> memref<1x8x4096xf32, #tpu.memory_space<vmem>>
    %dma_start3A_546 = tpu.memref_squeeze %dma_start3A_545 : memref<1x8x4096xf32, #tpu.memory_space<vmem>> -> memref<8x4096xf32, #tpu.memory_space<vmem>>
    %dma_start3A_547 = arith.constant 0 : i32
    %dma_start3A_548 = tpu.memref_slice %arg2[%add3A_535, %dma_start3A_547] : memref<8192x4096xf32, #tpu.memory_space<hbm>> -> memref<8x4096xf32, #tpu.memory_space<hbm>>
    tpu.enqueue_dma source(%dma_start3A_548 : memref<8x4096xf32, #tpu.memory_space<hbm>>) target(%dma_start3A_546 : memref<8x4096xf32, #tpu.memory_space<vmem>>) target_semaphore(%arg8 : memref<!tpu.dma_semaphore, #tpu.memory_space<semaphore_mem>>)
    %scan3A = arith.constant 0 : i32
    %scan3A_549 = arith.constant 0 : i32
    %scan3A_550 = arith.constant 16 : i32
    %scan3A_551 = arith.addi %scan3A_549, %scan3A_550 : i32
    %scan3A_552 = arith.constant 1 : i32
    scf.for %scan3A_1867 = %scan3A_549 to %scan3A_551 step %scan3A_552  : i32 {
      %mul3A_1868 = arith.constant 2 : i32
      %mul3A_1869 = arith.muli %scan3A_1867, %mul3A_1868 : i32
      %add3A_1870 = arith.constant 0 : i32
      %add3A_1871 = arith.addi %mul3A_1869, %add3A_1870 : i32
      %mul3A_1872 = arith.constant 8 : i32
      %mul3A_1873 = arith.muli %add3A_1871, %mul3A_1872 : i32
      %add3A_1874 = arith.addi %mul3A_2, %mul3A_1873 : i32
      %dma_wait3A = arith.constant 0 : i32
      %dma_wait3A_1875 = arith.constant 0 : i32
      %dma_wait3A_1876 = arith.constant 0 : i32
      %dma_wait3A_1877 = tpu.memref_slice %arg4[%dma_wait3A, %dma_wait3A_1875, %dma_wait3A_1876] : memref<2x8x4096xf32, #tpu.memory_space<vmem>> -> memref<1x8x4096xf32, #tpu.memory_space<vmem>>
      %dma_wait3A_1878 = tpu.memref_squeeze %dma_wait3A_1877 : memref<1x8x4096xf32, #tpu.memory_space<vmem>> -> memref<8x4096xf32, #tpu.memory_space<vmem>>
      %dma_wait3A_1879 = arith.constant 0 : i32
      %dma_wait3A_1880 = tpu.memref_slice %arg2[%add3A_1874, %dma_wait3A_1879] : memref<8192x4096xf32, #tpu.memory_space<hbm>> -> memref<8x4096xf32, #tpu.memory_space<hbm>>
      %dma_wait3A_1881 = arith.constant 0 : i32
      %dma_wait3A_1882 = arith.constant 0 : i32
      %dma_wait3A_1883 = tpu.memref_slice %arg4[%dma_wait3A, %dma_wait3A_1881, %dma_wait3A_1882] : memref<2x8x4096xf32, #tpu.memory_space<vmem>> -> memref<1x8x4096xf32, #tpu.memory_space<vmem>>
      %dma_wait3A_1884 = tpu.memref_squeeze %dma_wait3A_1883 : memref<1x8x4096xf32, #tpu.memory_space<vmem>> -> memref<8x4096xf32, #tpu.memory_space<vmem>>
      %dma_wait3A_1885 = arith.constant 0 : i32
      %dma_wait3A_1886 = tpu.memref_slice %arg2[%add3A_1874, %dma_wait3A_1885] : memref<8192x4096xf32, #tpu.memory_space<hbm>> -> memref<8x4096xf32, #tpu.memory_space<hbm>>
      tpu.wait_dma2 semaphore(%arg7 : memref<!tpu.dma_semaphore, #tpu.memory_space<semaphore_mem>>) src(%dma_wait3A_1886 : memref<8x4096xf32, #tpu.memory_space<hbm>>) dst(%dma_wait3A_1884 : memref<8x4096xf32, #tpu.memory_space<vmem>>)
      %parallel_loop3A = arith.constant 0 : i32
      %parallel_loop3A_1887 = arith.constant 32768 : i32
      %parallel_loop3A_1888 = arith.constant 16 : i32
      scf.for %parallel_loop3A_1923 = %parallel_loop3A to %parallel_loop3A_1887 step %parallel_loop3A_1888  : i32 {
        %parallel_loop3A_1924 = arith.constant 12 : i32
        %parallel_loop3A_1925 = arith.shrui %parallel_loop3A_1923, %parallel_loop3A_1924 : i32
        %parallel_loop3A_1926 = arith.constant 4095 : i32
        %parallel_loop3A_1927 = arith.andi %parallel_loop3A_1923, %parallel_loop3A_1926 : i32
        %parallel_loop3A_1928 = arith.constant 0 : i32
        %parallel_loop3A_1929 = arith.index_cast %parallel_loop3A_1928 : i32 to index
        %parallel_loop3A_1930 = arith.index_cast %parallel_loop3A_1925 : i32 to index
        %parallel_loop3A_1931 = arith.index_cast %parallel_loop3A_1927 : i32 to index
        %parallel_loop3A_1932 = tpu.vector_load %arg4[%parallel_loop3A_1929, %parallel_loop3A_1930, %parallel_loop3A_1931] {strides = array<i32>} : memref<2x8x4096xf32, #tpu.memory_space<vmem>>, vector<16xf32>,
        %parallel_loop3A_1933 = arith.constant 1.00392151 : f32
        %parallel_loop3A_1934 = vector.broadcast %parallel_loop3A_1933 : f32 to vector<16xf32>
        %parallel_loop3A_1935 = arith.mulf %parallel_loop3A_1932, %parallel_loop3A_1934 : vector<16xf32>
        %parallel_loop3A_1936 = arith.fptosi %parallel_loop3A_1935 : vector<16xf32> to vector<16xi32>
        %parallel_loop3A_1937 = arith.constant 4 : i32
        %parallel_loop3A_1938 = vector.broadcast %parallel_loop3A_1937 : i32 to vector<16xi32>
        %parallel_loop3A_1939 = arith.shli %parallel_loop3A_1936, %parallel_loop3A_1938 : vector<16xi32>
        %parallel_loop3A_1940 = arith.addi %parallel_loop3A_1939, %iota3A : vector<16xi32>
        tpu.vector_store_idx %arg5[%parallel_loop3A_1940], %broadcast_in_dim3A_6 {add = true} : memref<4096xf32, #tpu.memory_space<vmem>>[vector<16xi32>], vector<16xf32>,
      } {sc.loop_unroll_factor = 8 : i64, sc.parallel_access}
      %add3A_1889 = arith.constant 2 : i32
      %add3A_1890 = arith.addi %add3A_1871, %add3A_1889 : i32
      %lt3A = arith.constant 32 : i32
      %lt3A_1891 = arith.cmpi slt, %add3A_1890, %lt3A : i32
      %convert_element_type3A = arith.extui %lt3A_1891 : i1 to i32
      %cond3A = arith.constant 0 : i32
      %cond3A_1892 = arith.cmpi ne, %convert_element_type3A, %cond3A : i32
      scf.if %cond3A_1892 {
        %mul3A_1923 = arith.constant 8 : i32
        %mul3A_1924 = arith.muli %add3A_1890, %mul3A_1923 : i32
        %add3A_1925 = arith.addi %mul3A_2, %mul3A_1924 : i32
        %dma_start3A_1926 = arith.constant 0 : i32
        %dma_start3A_1927 = arith.constant 0 : i32
        %dma_start3A_1928 = arith.constant 0 : i32
        %dma_start3A_1929 = tpu.memref_slice %arg4[%dma_start3A_1926, %dma_start3A_1927, %dma_start3A_1928] : memref<2x8x4096xf32, #tpu.memory_space<vmem>> -> memref<1x8x4096xf32, #tpu.memory_space<vmem>>
        %dma_start3A_1930 = tpu.memref_squeeze %dma_start3A_1929 : memref<1x8x4096xf32, #tpu.memory_space<vmem>> -> memref<8x4096xf32, #tpu.memory_space<vmem>>
        %dma_start3A_1931 = arith.constant 0 : i32
        %dma_start3A_1932 = tpu.memref_slice %arg2[%add3A_1925, %dma_start3A_1931] : memref<8192x4096xf32, #tpu.memory_space<hbm>> -> memref<8x4096xf32, #tpu.memory_space<hbm>>
        %dma_start3A_1933 = arith.constant 0 : i32
        %dma_start3A_1934 = arith.constant 0 : i32
        %dma_start3A_1935 = tpu.memref_slice %arg4[%dma_start3A_1926, %dma_start3A_1933, %dma_start3A_1934] : memref<2x8x4096xf32, #tpu.memory_space<vmem>> -> memref<1x8x4096xf32, #tpu.memory_space<vmem>>
        %dma_start3A_1936 = tpu.memref_squeeze %dma_start3A_1935 : memref<1x8x4096xf32, #tpu.memory_space<vmem>> -> memref<8x4096xf32, #tpu.memory_space<vmem>>
        %dma_start3A_1937 = arith.constant 0 : i32
        %dma_start3A_1938 = tpu.memref_slice %arg2[%add3A_1925, %dma_start3A_1937] : memref<8192x4096xf32, #tpu.memory_space<hbm>> -> memref<8x4096xf32, #tpu.memory_space<hbm>>
        tpu.enqueue_dma source(%dma_start3A_1938 : memref<8x4096xf32, #tpu.memory_space<hbm>>) target(%dma_start3A_1936 : memref<8x4096xf32, #tpu.memory_space<vmem>>) target_semaphore(%arg7 : memref<!tpu.dma_semaphore, #tpu.memory_space<semaphore_mem>>)
      } else {
      }
      %mul3A_1893 = arith.constant 2 : i32
      %mul3A_1894 = arith.muli %scan3A_1867, %mul3A_1893 : i32
      %add3A_1895 = arith.constant 1 : i32
      %add3A_1896 = arith.addi %mul3A_1894, %add3A_1895 : i32
      %mul3A_1897 = arith.constant 8 : i32
      %mul3A_1898 = arith.muli %add3A_1896, %mul3A_1897 : i32
      %add3A_1899 = arith.addi %mul3A_2, %mul3A_1898 : i32
      %dma_wait3A_1900 = arith.constant 1 : i32
      %dma_wait3A_1901 = arith.constant 0 : i32
      %dma_wait3A_1902 = arith.constant 0 : i32
      %dma_wait3A_1903 = tpu.memref_slice %arg4[%dma_wait3A_1900, %dma_wait3A_1901, %dma_wait3A_1902] : memref<2x8x4096xf32, #tpu.memory_space<vmem>> -> memref<1x8x4096xf32, #tpu.memory_space<vmem>>
      %dma_wait3A_1904 = tpu.memref_squeeze %dma_wait3A_1903 : memref<1x8x4096xf32, #tpu.memory_space<vmem>> -> memref<8x4096xf32, #tpu.memory_space<vmem>>
      %dma_wait3A_1905 = arith.constant 0 : i32
      %dma_wait3A_1906 = tpu.memref_slice %arg2[%add3A_1899, %dma_wait3A_1905] : memref<8192x4096xf32, #tpu.memory_space<hbm>> -> memref<8x4096xf32, #tpu.memory_space<hbm>>
      %dma_wait3A_1907 = arith.constant 0 : i32
      %dma_wait3A_1908 = arith.constant 0 : i32
      %dma_wait3A_1909 = tpu.memref_slice %arg4[%dma_wait3A_1900, %dma_wait3A_1907, %dma_wait3A_1908] : memref<2x8x4096xf32, #tpu.memory_space<vmem>> -> memref<1x8x4096xf32, #tpu.memory_space<vmem>>
      %dma_wait3A_1910 = tpu.memref_squeeze %dma_wait3A_1909 : memref<1x8x4096xf32, #tpu.memory_space<vmem>> -> memref<8x4096xf32, #tpu.memory_space<vmem>>
      %dma_wait3A_1911 = arith.constant 0 : i32
      %dma_wait3A_1912 = tpu.memref_slice %arg2[%add3A_1899, %dma_wait3A_1911] : memref<8192x4096xf32, #tpu.memory_space<hbm>> -> memref<8x4096xf32, #tpu.memory_space<hbm>>
      tpu.wait_dma2 semaphore(%arg8 : memref<!tpu.dma_semaphore, #tpu.memory_space<semaphore_mem>>) src(%dma_wait3A_1912 : memref<8x4096xf32, #tpu.memory_space<hbm>>) dst(%dma_wait3A_1910 : memref<8x4096xf32, #tpu.memory_space<vmem>>)
      %parallel_loop3A_1913 = arith.constant 0 : i32
      %parallel_loop3A_1914 = arith.constant 32768 : i32
      %parallel_loop3A_1915 = arith.constant 16 : i32
      scf.for %parallel_loop3A_1923 = %parallel_loop3A_1913 to %parallel_loop3A_1914 step %parallel_loop3A_1915  : i32 {
        %parallel_loop3A_1924 = arith.constant 12 : i32
        %parallel_loop3A_1925 = arith.shrui %parallel_loop3A_1923, %parallel_loop3A_1924 : i32
        %parallel_loop3A_1926 = arith.constant 4095 : i32
        %parallel_loop3A_1927 = arith.andi %parallel_loop3A_1923, %parallel_loop3A_1926 : i32
        %parallel_loop3A_1928 = arith.constant 1 : i32
        %parallel_loop3A_1929 = arith.index_cast %parallel_loop3A_1928 : i32 to index
        %parallel_loop3A_1930 = arith.index_cast %parallel_loop3A_1925 : i32 to index
        %parallel_loop3A_1931 = arith.index_cast %parallel_loop3A_1927 : i32 to index
        %parallel_loop3A_1932 = tpu.vector_load %arg4[%parallel_loop3A_1929, %parallel_loop3A_1930, %parallel_loop3A_1931] {strides = array<i32>} : memref<2x8x4096xf32, #tpu.memory_space<vmem>>, vector<16xf32>,
        %parallel_loop3A_1933 = arith.constant 1.00392151 : f32
        %parallel_loop3A_1934 = vector.broadcast %parallel_loop3A_1933 : f32 to vector<16xf32>
        %parallel_loop3A_1935 = arith.mulf %parallel_loop3A_1932, %parallel_loop3A_1934 : vector<16xf32>
        %parallel_loop3A_1936 = arith.fptosi %parallel_loop3A_1935 : vector<16xf32> to vector<16xi32>
        %parallel_loop3A_1937 = arith.constant 4 : i32
        %parallel_loop3A_1938 = vector.broadcast %parallel_loop3A_1937 : i32 to vector<16xi32>
        %parallel_loop3A_1939 = arith.shli %parallel_loop3A_1936, %parallel_loop3A_1938 : vector<16xi32>
        %parallel_loop3A_1940 = arith.addi %parallel_loop3A_1939, %iota3A : vector<16xi32>
        tpu.vector_store_idx %arg5[%parallel_loop3A_1940], %broadcast_in_dim3A_6 {add = true} : memref<4096xf32, #tpu.memory_space<vmem>>[vector<16xi32>], vector<16xf32>,
      } {sc.loop_unroll_factor = 8 : i64, sc.parallel_access}
      %add3A_1916 = arith.constant 2 : i32
      %add3A_1917 = arith.addi %add3A_1896, %add3A_1916 : i32
      %lt3A_1918 = arith.constant 32 : i32
      %lt3A_1919 = arith.cmpi slt, %add3A_1917, %lt3A_1918 : i32
      %convert_element_type3A_1920 = arith.extui %lt3A_1919 : i1 to i32
      %cond3A_1921 = arith.constant 0 : i32
      %cond3A_1922 = arith.cmpi ne, %convert_element_type3A_1920, %cond3A_1921 : i32
      scf.if %cond3A_1922 {
        %mul3A_1923 = arith.constant 8 : i32
        %mul3A_1924 = arith.muli %add3A_1917, %mul3A_1923 : i32
        %add3A_1925 = arith.addi %mul3A_2, %mul3A_1924 : i32
        %dma_start3A_1926 = arith.constant 1 : i32
        %dma_start3A_1927 = arith.constant 0 : i32
        %dma_start3A_1928 = arith.constant 0 : i32
        %dma_start3A_1929 = tpu.memref_slice %arg4[%dma_start3A_1926, %dma_start3A_1927, %dma_start3A_1928] : memref<2x8x4096xf32, #tpu.memory_space<vmem>> -> memref<1x8x4096xf32, #tpu.memory_space<vmem>>
        %dma_start3A_1930 = tpu.memref_squeeze %dma_start3A_1929 : memref<1x8x4096xf32, #tpu.memory_space<vmem>> -> memref<8x4096xf32, #tpu.memory_space<vmem>>
        %dma_start3A_1931 = arith.constant 0 : i32
        %dma_start3A_1932 = tpu.memref_slice %arg2[%add3A_1925, %dma_start3A_1931] : memref<8192x4096xf32, #tpu.memory_space<hbm>> -> memref<8x4096xf32, #tpu.memory_space<hbm>>
        %dma_start3A_1933 = arith.constant 0 : i32
        %dma_start3A_1934 = arith.constant 0 : i32
        %dma_start3A_1935 = tpu.memref_slice %arg4[%dma_start3A_1926, %dma_start3A_1933, %dma_start3A_1934] : memref<2x8x4096xf32, #tpu.memory_space<vmem>> -> memref<1x8x4096xf32, #tpu.memory_space<vmem>>
        %dma_start3A_1936 = tpu.memref_squeeze %dma_start3A_1935 : memref<1x8x4096xf32, #tpu.memory_space<vmem>> -> memref<8x4096xf32, #tpu.memory_space<vmem>>
        %dma_start3A_1937 = arith.constant 0 : i32
        %dma_start3A_1938 = tpu.memref_slice %arg2[%add3A_1925, %dma_start3A_1937] : memref<8192x4096xf32, #tpu.memory_space<hbm>> -> memref<8x4096xf32, #tpu.memory_space<hbm>>
        tpu.enqueue_dma source(%dma_start3A_1938 : memref<8x4096xf32, #tpu.memory_space<hbm>>) target(%dma_start3A_1936 : memref<8x4096xf32, #tpu.memory_space<vmem>>) target_semaphore(%arg8 : memref<!tpu.dma_semaphore, #tpu.memory_space<semaphore_mem>>)
      } else {
      }
    }
    %scan3A_553 = arith.constant 16 : i32
    %add3A_554 = arith.constant 0 : i32
    %add3A_555 = vector.broadcast %add3A_554 : i32 to vector<16xi32>
    %add3A_556 = arith.addi %mul3A_5, %add3A_555 : vector<16xi32>
    %gather3A = tpu.vector_load_idx %arg5[%add3A_556] : memref<4096xf32, #tpu.memory_space<vmem>>[vector<16xi32>], vector<16xf32>,
    %add3A_557 = arith.addf %broadcast_in_dim3A_8, %gather3A : vector<16xf32>
    %add3A_558 = arith.constant 1 : i32
    %add3A_559 = vector.broadcast %add3A_558 : i32 to vector<16xi32>
    %add3A_560 = arith.addi %mul3A_5, %add3A_559 : vector<16xi32>
    %gather3A_561 = tpu.vector_load_idx %arg5[%add3A_560] : memref<4096xf32, #tpu.memory_space<vmem>>[vector<16xi32>], vector<16xf32>,
    %add3A_562 = arith.addf %add3A_557, %gather3A_561 : vector<16xf32>
    %add3A_563 = arith.constant 2 : i32
    %add3A_564 = vector.broadcast %add3A_563 : i32 to vector<16xi32>
    %add3A_565 = arith.addi %mul3A_5, %add3A_564 : vector<16xi32>
    %gather3A_566 = tpu.vector_load_idx %arg5[%add3A_565] : memref<4096xf32, #tpu.memory_space<vmem>>[vector<16xi32>], vector<16xf32>,
    %add3A_567 = arith.addf %add3A_562, %gather3A_566 : vector<16xf32>
    %add3A_568 = arith.constant 3 : i32
    %add3A_569 = vector.broadcast %add3A_568 : i32 to vector<16xi32>
    %add3A_570 = arith.addi %mul3A_5, %add3A_569 : vector<16xi32>
    %gather3A_571 = tpu.vector_load_idx %arg5[%add3A_570] : memref<4096xf32, #tpu.memory_space<vmem>>[vector<16xi32>], vector<16xf32>,
    %add3A_572 = arith.addf %add3A_567, %gather3A_571 : vector<16xf32>
    %add3A_573 = arith.constant 4 : i32
    %add3A_574 = vector.broadcast %add3A_573 : i32 to vector<16xi32>
    %add3A_575 = arith.addi %mul3A_5, %add3A_574 : vector<16xi32>
    %gather3A_576 = tpu.vector_load_idx %arg5[%add3A_575] : memref<4096xf32, #tpu.memory_space<vmem>>[vector<16xi32>], vector<16xf32>,
    %add3A_577 = arith.addf %add3A_572, %gather3A_576 : vector<16xf32>
    %add3A_578 = arith.constant 5 : i32
    %add3A_579 = vector.broadcast %add3A_578 : i32 to vector<16xi32>
    %add3A_580 = arith.addi %mul3A_5, %add3A_579 : vector<16xi32>
    %gather3A_581 = tpu.vector_load_idx %arg5[%add3A_580] : memref<4096xf32, #tpu.memory_space<vmem>>[vector<16xi32>], vector<16xf32>,
    %add3A_582 = arith.addf %add3A_577, %gather3A_581 : vector<16xf32>
    %add3A_583 = arith.constant 6 : i32
    %add3A_584 = vector.broadcast %add3A_583 : i32 to vector<16xi32>
    %add3A_585 = arith.addi %mul3A_5, %add3A_584 : vector<16xi32>
    %gather3A_586 = tpu.vector_load_idx %arg5[%add3A_585] : memref<4096xf32, #tpu.memory_space<vmem>>[vector<16xi32>], vector<16xf32>,
    %add3A_587 = arith.addf %add3A_582, %gather3A_586 : vector<16xf32>
    %add3A_588 = arith.constant 7 : i32
    %add3A_589 = vector.broadcast %add3A_588 : i32 to vector<16xi32>
    %add3A_590 = arith.addi %mul3A_5, %add3A_589 : vector<16xi32>
    %gather3A_591 = tpu.vector_load_idx %arg5[%add3A_590] : memref<4096xf32, #tpu.memory_space<vmem>>[vector<16xi32>], vector<16xf32>,
    %add3A_592 = arith.addf %add3A_587, %gather3A_591 : vector<16xf32>
    %add3A_593 = arith.constant 8 : i32
    %add3A_594 = vector.broadcast %add3A_593 : i32 to vector<16xi32>
    %add3A_595 = arith.addi %mul3A_5, %add3A_594 : vector<16xi32>
    %gather3A_596 = tpu.vector_load_idx %arg5[%add3A_595] : memref<4096xf32, #tpu.memory_space<vmem>>[vector<16xi32>], vector<16xf32>,
    %add3A_597 = arith.addf %add3A_592, %gather3A_596 : vector<16xf32>
    %add3A_598 = arith.constant 9 : i32
    %add3A_599 = vector.broadcast %add3A_598 : i32 to vector<16xi32>
    %add3A_600 = arith.addi %mul3A_5, %add3A_599 : vector<16xi32>
    %gather3A_601 = tpu.vector_load_idx %arg5[%add3A_600] : memref<4096xf32, #tpu.memory_space<vmem>>[vector<16xi32>], vector<16xf32>,
    %add3A_602 = arith.addf %add3A_597, %gather3A_601 : vector<16xf32>
    %add3A_603 = arith.constant 10 : i32
    %add3A_604 = vector.broadcast %add3A_603 : i32 to vector<16xi32>
    %add3A_605 = arith.addi %mul3A_5, %add3A_604 : vector<16xi32>
    %gather3A_606 = tpu.vector_load_idx %arg5[%add3A_605] : memref<4096xf32, #tpu.memory_space<vmem>>[vector<16xi32>], vector<16xf32>,
    %add3A_607 = arith.addf %add3A_602, %gather3A_606 : vector<16xf32>
    %add3A_608 = arith.constant 11 : i32
    %add3A_609 = vector.broadcast %add3A_608 : i32 to vector<16xi32>
    %add3A_610 = arith.addi %mul3A_5, %add3A_609 : vector<16xi32>
    %gather3A_611 = tpu.vector_load_idx %arg5[%add3A_610] : memref<4096xf32, #tpu.memory_space<vmem>>[vector<16xi32>], vector<16xf32>,
    %add3A_612 = arith.addf %add3A_607, %gather3A_611 : vector<16xf32>
    %add3A_613 = arith.constant 12 : i32
    %add3A_614 = vector.broadcast %add3A_613 : i32 to vector<16xi32>
    %add3A_615 = arith.addi %mul3A_5, %add3A_614 : vector<16xi32>
    %gather3A_616 = tpu.vector_load_idx %arg5[%add3A_615] : memref<4096xf32, #tpu.memory_space<vmem>>[vector<16xi32>], vector<16xf32>,
    %add3A_617 = arith.addf %add3A_612, %gather3A_616 : vector<16xf32>
    %add3A_618 = arith.constant 13 : i32
    %add3A_619 = vector.broadcast %add3A_618 : i32 to vector<16xi32>
    %add3A_620 = arith.addi %mul3A_5, %add3A_619 : vector<16xi32>
    %gather3A_621 = tpu.vector_load_idx %arg5[%add3A_620] : memref<4096xf32, #tpu.memory_space<vmem>>[vector<16xi32>], vector<16xf32>,
    %add3A_622 = arith.addf %add3A_617, %gather3A_621 : vector<16xf32>
    %add3A_623 = arith.constant 14 : i32
    %add3A_624 = vector.broadcast %add3A_623 : i32 to vector<16xi32>
    %add3A_625 = arith.addi %mul3A_5, %add3A_624 : vector<16xi32>
    %gather3A_626 = tpu.vector_load_idx %arg5[%add3A_625] : memref<4096xf32, #tpu.memory_space<vmem>>[vector<16xi32>], vector<16xf32>,
    %add3A_627 = arith.addf %add3A_622, %gather3A_626 : vector<16xf32>
    %add3A_628 = arith.constant 15 : i32
    %add3A_629 = vector.broadcast %add3A_628 : i32 to vector<16xi32>
    %add3A_630 = arith.addi %mul3A_5, %add3A_629 : vector<16xi32>
    %gather3A_631 = tpu.vector_load_idx %arg5[%add3A_630] : memref<4096xf32, #tpu.memory_space<vmem>>[vector<16xi32>], vector<16xf32>,
    %add3A_632 = arith.addf %add3A_627, %gather3A_631 : vector<16xf32>
    %swap3A_633 = arith.constant 0 : index
    %swap3A_634 = tpu.vector_load %arg6[%swap3A_633] {strides = array<i32>} : memref<256xf32, #tpu.memory_space<vmem>>, vector<16xf32>,
    tpu.vector_store %arg6[%swap3A_633], %add3A_632 {strides = array<i32>} : memref<256xf32, #tpu.memory_space<vmem>>, vector<16xf32>,
    %add3A_635 = arith.constant 256 : i32
    %add3A_636 = vector.broadcast %add3A_635 : i32 to vector<16xi32>
    %add3A_637 = arith.addi %mul3A_5, %add3A_636 : vector<16xi32>
    %gather3A_638 = tpu.vector_load_idx %arg5[%add3A_637] : memref<4096xf32, #tpu.memory_space<vmem>>[vector<16xi32>], vector<16xf32>,
    %add3A_639 = arith.addf %broadcast_in_dim3A_8, %gather3A_638 : vector<16xf32>
    %add3A_640 = arith.constant 257 : i32
    %add3A_641 = vector.broadcast %add3A_640 : i32 to vector<16xi32>
    %add3A_642 = arith.addi %mul3A_5, %add3A_641 : vector<16xi32>
    %gather3A_643 = tpu.vector_load_idx %arg5[%add3A_642] : memref<4096xf32, #tpu.memory_space<vmem>>[vector<16xi32>], vector<16xf32>,
    %add3A_644 = arith.addf %add3A_639, %gather3A_643 : vector<16xf32>
    %add3A_645 = arith.constant 258 : i32
    %add3A_646 = vector.broadcast %add3A_645 : i32 to vector<16xi32>
    %add3A_647 = arith.addi %mul3A_5, %add3A_646 : vector<16xi32>
    %gather3A_648 = tpu.vector_load_idx %arg5[%add3A_647] : memref<4096xf32, #tpu.memory_space<vmem>>[vector<16xi32>], vector<16xf32>,
    %add3A_649 = arith.addf %add3A_644, %gather3A_648 : vector<16xf32>
    %add3A_650 = arith.constant 259 : i32
    %add3A_651 = vector.broadcast %add3A_650 : i32 to vector<16xi32>
    %add3A_652 = arith.addi %mul3A_5, %add3A_651 : vector<16xi32>
    %gather3A_653 = tpu.vector_load_idx %arg5[%add3A_652] : memref<4096xf32, #tpu.memory_space<vmem>>[vector<16xi32>], vector<16xf32>,
    %add3A_654 = arith.addf %add3A_649, %gather3A_653 : vector<16xf32>
    %add3A_655 = arith.constant 260 : i32
    %add3A_656 = vector.broadcast %add3A_655 : i32 to vector<16xi32>
    %add3A_657 = arith.addi %mul3A_5, %add3A_656 : vector<16xi32>
    %gather3A_658 = tpu.vector_load_idx %arg5[%add3A_657] : memref<4096xf32, #tpu.memory_space<vmem>>[vector<16xi32>], vector<16xf32>,
    %add3A_659 = arith.addf %add3A_654, %gather3A_658 : vector<16xf32>
    %add3A_660 = arith.constant 261 : i32
    %add3A_661 = vector.broadcast %add3A_660 : i32 to vector<16xi32>
    %add3A_662 = arith.addi %mul3A_5, %add3A_661 : vector<16xi32>
    %gather3A_663 = tpu.vector_load_idx %arg5[%add3A_662] : memref<4096xf32, #tpu.memory_space<vmem>>[vector<16xi32>], vector<16xf32>,
    %add3A_664 = arith.addf %add3A_659, %gather3A_663 : vector<16xf32>
    %add3A_665 = arith.constant 262 : i32
    %add3A_666 = vector.broadcast %add3A_665 : i32 to vector<16xi32>
    %add3A_667 = arith.addi %mul3A_5, %add3A_666 : vector<16xi32>
    %gather3A_668 = tpu.vector_load_idx %arg5[%add3A_667] : memref<4096xf32, #tpu.memory_space<vmem>>[vector<16xi32>], vector<16xf32>,
    %add3A_669 = arith.addf %add3A_664, %gather3A_668 : vector<16xf32>
    %add3A_670 = arith.constant 263 : i32
    %add3A_671 = vector.broadcast %add3A_670 : i32 to vector<16xi32>
    %add3A_672 = arith.addi %mul3A_5, %add3A_671 : vector<16xi32>
    %gather3A_673 = tpu.vector_load_idx %arg5[%add3A_672] : memref<4096xf32, #tpu.memory_space<vmem>>[vector<16xi32>], vector<16xf32>,
    %add3A_674 = arith.addf %add3A_669, %gather3A_673 : vector<16xf32>
    %add3A_675 = arith.constant 264 : i32
    %add3A_676 = vector.broadcast %add3A_675 : i32 to vector<16xi32>
    %add3A_677 = arith.addi %mul3A_5, %add3A_676 : vector<16xi32>
    %gather3A_678 = tpu.vector_load_idx %arg5[%add3A_677] : memref<4096xf32, #tpu.memory_space<vmem>>[vector<16xi32>], vector<16xf32>,
    %add3A_679 = arith.addf %add3A_674, %gather3A_678 : vector<16xf32>
    %add3A_680 = arith.constant 265 : i32
    %add3A_681 = vector.broadcast %add3A_680 : i32 to vector<16xi32>
    %add3A_682 = arith.addi %mul3A_5, %add3A_681 : vector<16xi32>
    %gather3A_683 = tpu.vector_load_idx %arg5[%add3A_682] : memref<4096xf32, #tpu.memory_space<vmem>>[vector<16xi32>], vector<16xf32>,
    %add3A_684 = arith.addf %add3A_679, %gather3A_683 : vector<16xf32>
    %add3A_685 = arith.constant 266 : i32
    %add3A_686 = vector.broadcast %add3A_685 : i32 to vector<16xi32>
    %add3A_687 = arith.addi %mul3A_5, %add3A_686 : vector<16xi32>
    %gather3A_688 = tpu.vector_load_idx %arg5[%add3A_687] : memref<4096xf32, #tpu.memory_space<vmem>>[vector<16xi32>], vector<16xf32>,
    %add3A_689 = arith.addf %add3A_684, %gather3A_688 : vector<16xf32>
    %add3A_690 = arith.constant 267 : i32
    %add3A_691 = vector.broadcast %add3A_690 : i32 to vector<16xi32>
    %add3A_692 = arith.addi %mul3A_5, %add3A_691 : vector<16xi32>
    %gather3A_693 = tpu.vector_load_idx %arg5[%add3A_692] : memref<4096xf32, #tpu.memory_space<vmem>>[vector<16xi32>], vector<16xf32>,
    %add3A_694 = arith.addf %add3A_689, %gather3A_693 : vector<16xf32>
    %add3A_695 = arith.constant 268 : i32
    %add3A_696 = vector.broadcast %add3A_695 : i32 to vector<16xi32>
    %add3A_697 = arith.addi %mul3A_5, %add3A_696 : vector<16xi32>
    %gather3A_698 = tpu.vector_load_idx %arg5[%add3A_697] : memref<4096xf32, #tpu.memory_space<vmem>>[vector<16xi32>], vector<16xf32>,
    %add3A_699 = arith.addf %add3A_694, %gather3A_698 : vector<16xf32>
    %add3A_700 = arith.constant 269 : i32
    %add3A_701 = vector.broadcast %add3A_700 : i32 to vector<16xi32>
    %add3A_702 = arith.addi %mul3A_5, %add3A_701 : vector<16xi32>
    %gather3A_703 = tpu.vector_load_idx %arg5[%add3A_702] : memref<4096xf32, #tpu.memory_space<vmem>>[vector<16xi32>], vector<16xf32>,
    %add3A_704 = arith.addf %add3A_699, %gather3A_703 : vector<16xf32>
    %add3A_705 = arith.constant 270 : i32
    %add3A_706 = vector.broadcast %add3A_705 : i32 to vector<16xi32>
    %add3A_707 = arith.addi %mul3A_5, %add3A_706 : vector<16xi32>
    %gather3A_708 = tpu.vector_load_idx %arg5[%add3A_707] : memref<4096xf32, #tpu.memory_space<vmem>>[vector<16xi32>], vector<16xf32>,
    %add3A_709 = arith.addf %add3A_704, %gather3A_708 : vector<16xf32>
    %add3A_710 = arith.constant 271 : i32
    %add3A_711 = vector.broadcast %add3A_710 : i32 to vector<16xi32>
    %add3A_712 = arith.addi %mul3A_5, %add3A_711 : vector<16xi32>
    %gather3A_713 = tpu.vector_load_idx %arg5[%add3A_712] : memref<4096xf32, #tpu.memory_space<vmem>>[vector<16xi32>], vector<16xf32>,
    %add3A_714 = arith.addf %add3A_709, %gather3A_713 : vector<16xf32>
    %swap3A_715 = arith.constant 16 : index
    %swap3A_716 = tpu.vector_load %arg6[%swap3A_715] {strides = array<i32>} : memref<256xf32, #tpu.memory_space<vmem>>, vector<16xf32>,
    tpu.vector_store %arg6[%swap3A_715], %add3A_714 {strides = array<i32>} : memref<256xf32, #tpu.memory_space<vmem>>, vector<16xf32>,
    %add3A_717 = arith.constant 512 : i32
    %add3A_718 = vector.broadcast %add3A_717 : i32 to vector<16xi32>
    %add3A_719 = arith.addi %mul3A_5, %add3A_718 : vector<16xi32>
    %gather3A_720 = tpu.vector_load_idx %arg5[%add3A_719] : memref<4096xf32, #tpu.memory_space<vmem>>[vector<16xi32>], vector<16xf32>,
    %add3A_721 = arith.addf %broadcast_in_dim3A_8, %gather3A_720 : vector<16xf32>
    %add3A_722 = arith.constant 513 : i32
    %add3A_723 = vector.broadcast %add3A_722 : i32 to vector<16xi32>
    %add3A_724 = arith.addi %mul3A_5, %add3A_723 : vector<16xi32>
    %gather3A_725 = tpu.vector_load_idx %arg5[%add3A_724] : memref<4096xf32, #tpu.memory_space<vmem>>[vector<16xi32>], vector<16xf32>,
    %add3A_726 = arith.addf %add3A_721, %gather3A_725 : vector<16xf32>
    %add3A_727 = arith.constant 514 : i32
    %add3A_728 = vector.broadcast %add3A_727 : i32 to vector<16xi32>
    %add3A_729 = arith.addi %mul3A_5, %add3A_728 : vector<16xi32>
    %gather3A_730 = tpu.vector_load_idx %arg5[%add3A_729] : memref<4096xf32, #tpu.memory_space<vmem>>[vector<16xi32>], vector<16xf32>,
    %add3A_731 = arith.addf %add3A_726, %gather3A_730 : vector<16xf32>
    %add3A_732 = arith.constant 515 : i32
    %add3A_733 = vector.broadcast %add3A_732 : i32 to vector<16xi32>
    %add3A_734 = arith.addi %mul3A_5, %add3A_733 : vector<16xi32>
    %gather3A_735 = tpu.vector_load_idx %arg5[%add3A_734] : memref<4096xf32, #tpu.memory_space<vmem>>[vector<16xi32>], vector<16xf32>,
    %add3A_736 = arith.addf %add3A_731, %gather3A_735 : vector<16xf32>
    %add3A_737 = arith.constant 516 : i32
    %add3A_738 = vector.broadcast %add3A_737 : i32 to vector<16xi32>
    %add3A_739 = arith.addi %mul3A_5, %add3A_738 : vector<16xi32>
    %gather3A_740 = tpu.vector_load_idx %arg5[%add3A_739] : memref<4096xf32, #tpu.memory_space<vmem>>[vector<16xi32>], vector<16xf32>,
    %add3A_741 = arith.addf %add3A_736, %gather3A_740 : vector<16xf32>
    %add3A_742 = arith.constant 517 : i32
    %add3A_743 = vector.broadcast %add3A_742 : i32 to vector<16xi32>
    %add3A_744 = arith.addi %mul3A_5, %add3A_743 : vector<16xi32>
    %gather3A_745 = tpu.vector_load_idx %arg5[%add3A_744] : memref<4096xf32, #tpu.memory_space<vmem>>[vector<16xi32>], vector<16xf32>,
    %add3A_746 = arith.addf %add3A_741, %gather3A_745 : vector<16xf32>
    %add3A_747 = arith.constant 518 : i32
    %add3A_748 = vector.broadcast %add3A_747 : i32 to vector<16xi32>
    %add3A_749 = arith.addi %mul3A_5, %add3A_748 : vector<16xi32>
    %gather3A_750 = tpu.vector_load_idx %arg5[%add3A_749] : memref<4096xf32, #tpu.memory_space<vmem>>[vector<16xi32>], vector<16xf32>,
    %add3A_751 = arith.addf %add3A_746, %gather3A_750 : vector<16xf32>
    %add3A_752 = arith.constant 519 : i32
    %add3A_753 = vector.broadcast %add3A_752 : i32 to vector<16xi32>
    %add3A_754 = arith.addi %mul3A_5, %add3A_753 : vector<16xi32>
    %gather3A_755 = tpu.vector_load_idx %arg5[%add3A_754] : memref<4096xf32, #tpu.memory_space<vmem>>[vector<16xi32>], vector<16xf32>,
    %add3A_756 = arith.addf %add3A_751, %gather3A_755 : vector<16xf32>
    %add3A_757 = arith.constant 520 : i32
    %add3A_758 = vector.broadcast %add3A_757 : i32 to vector<16xi32>
    %add3A_759 = arith.addi %mul3A_5, %add3A_758 : vector<16xi32>
    %gather3A_760 = tpu.vector_load_idx %arg5[%add3A_759] : memref<4096xf32, #tpu.memory_space<vmem>>[vector<16xi32>], vector<16xf32>,
    %add3A_761 = arith.addf %add3A_756, %gather3A_760 : vector<16xf32>
    %add3A_762 = arith.constant 521 : i32
    %add3A_763 = vector.broadcast %add3A_762 : i32 to vector<16xi32>
    %add3A_764 = arith.addi %mul3A_5, %add3A_763 : vector<16xi32>
    %gather3A_765 = tpu.vector_load_idx %arg5[%add3A_764] : memref<4096xf32, #tpu.memory_space<vmem>>[vector<16xi32>], vector<16xf32>,
    %add3A_766 = arith.addf %add3A_761, %gather3A_765 : vector<16xf32>
    %add3A_767 = arith.constant 522 : i32
    %add3A_768 = vector.broadcast %add3A_767 : i32 to vector<16xi32>
    %add3A_769 = arith.addi %mul3A_5, %add3A_768 : vector<16xi32>
    %gather3A_770 = tpu.vector_load_idx %arg5[%add3A_769] : memref<4096xf32, #tpu.memory_space<vmem>>[vector<16xi32>], vector<16xf32>,
    %add3A_771 = arith.addf %add3A_766, %gather3A_770 : vector<16xf32>
    %add3A_772 = arith.constant 523 : i32
    %add3A_773 = vector.broadcast %add3A_772 : i32 to vector<16xi32>
    %add3A_774 = arith.addi %mul3A_5, %add3A_773 : vector<16xi32>
    %gather3A_775 = tpu.vector_load_idx %arg5[%add3A_774] : memref<4096xf32, #tpu.memory_space<vmem>>[vector<16xi32>], vector<16xf32>,
    %add3A_776 = arith.addf %add3A_771, %gather3A_775 : vector<16xf32>
    %add3A_777 = arith.constant 524 : i32
    %add3A_778 = vector.broadcast %add3A_777 : i32 to vector<16xi32>
    %add3A_779 = arith.addi %mul3A_5, %add3A_778 : vector<16xi32>
    %gather3A_780 = tpu.vector_load_idx %arg5[%add3A_779] : memref<4096xf32, #tpu.memory_space<vmem>>[vector<16xi32>], vector<16xf32>,
    %add3A_781 = arith.addf %add3A_776, %gather3A_780 : vector<16xf32>
    %add3A_782 = arith.constant 525 : i32
    %add3A_783 = vector.broadcast %add3A_782 : i32 to vector<16xi32>
    %add3A_784 = arith.addi %mul3A_5, %add3A_783 : vector<16xi32>
    %gather3A_785 = tpu.vector_load_idx %arg5[%add3A_784] : memref<4096xf32, #tpu.memory_space<vmem>>[vector<16xi32>], vector<16xf32>,
    %add3A_786 = arith.addf %add3A_781, %gather3A_785 : vector<16xf32>
    %add3A_787 = arith.constant 526 : i32
    %add3A_788 = vector.broadcast %add3A_787 : i32 to vector<16xi32>
    %add3A_789 = arith.addi %mul3A_5, %add3A_788 : vector<16xi32>
    %gather3A_790 = tpu.vector_load_idx %arg5[%add3A_789] : memref<4096xf32, #tpu.memory_space<vmem>>[vector<16xi32>], vector<16xf32>,
    %add3A_791 = arith.addf %add3A_786, %gather3A_790 : vector<16xf32>
    %add3A_792 = arith.constant 527 : i32
    %add3A_793 = vector.broadcast %add3A_792 : i32 to vector<16xi32>
    %add3A_794 = arith.addi %mul3A_5, %add3A_793 : vector<16xi32>
    %gather3A_795 = tpu.vector_load_idx %arg5[%add3A_794] : memref<4096xf32, #tpu.memory_space<vmem>>[vector<16xi32>], vector<16xf32>,
    %add3A_796 = arith.addf %add3A_791, %gather3A_795 : vector<16xf32>
    %swap3A_797 = arith.constant 32 : index
    %swap3A_798 = tpu.vector_load %arg6[%swap3A_797] {strides = array<i32>} : memref<256xf32, #tpu.memory_space<vmem>>, vector<16xf32>,
    tpu.vector_store %arg6[%swap3A_797], %add3A_796 {strides = array<i32>} : memref<256xf32, #tpu.memory_space<vmem>>, vector<16xf32>,
    %add3A_799 = arith.constant 768 : i32
    %add3A_800 = vector.broadcast %add3A_799 : i32 to vector<16xi32>
    %add3A_801 = arith.addi %mul3A_5, %add3A_800 : vector<16xi32>
    %gather3A_802 = tpu.vector_load_idx %arg5[%add3A_801] : memref<4096xf32, #tpu.memory_space<vmem>>[vector<16xi32>], vector<16xf32>,
    %add3A_803 = arith.addf %broadcast_in_dim3A_8, %gather3A_802 : vector<16xf32>
    %add3A_804 = arith.constant 769 : i32
    %add3A_805 = vector.broadcast %add3A_804 : i32 to vector<16xi32>
    %add3A_806 = arith.addi %mul3A_5, %add3A_805 : vector<16xi32>
    %gather3A_807 = tpu.vector_load_idx %arg5[%add3A_806] : memref<4096xf32, #tpu.memory_space<vmem>>[vector<16xi32>], vector<16xf32>,
    %add3A_808 = arith.addf %add3A_803, %gather3A_807 : vector<16xf32>
    %add3A_809 = arith.constant 770 : i32
    %add3A_810 = vector.broadcast %add3A_809 : i32 to vector<16xi32>
    %add3A_811 = arith.addi %mul3A_5, %add3A_810 : vector<16xi32>
    %gather3A_812 = tpu.vector_load_idx %arg5[%add3A_811] : memref<4096xf32, #tpu.memory_space<vmem>>[vector<16xi32>], vector<16xf32>,
    %add3A_813 = arith.addf %add3A_808, %gather3A_812 : vector<16xf32>
    %add3A_814 = arith.constant 771 : i32
    %add3A_815 = vector.broadcast %add3A_814 : i32 to vector<16xi32>
    %add3A_816 = arith.addi %mul3A_5, %add3A_815 : vector<16xi32>
    %gather3A_817 = tpu.vector_load_idx %arg5[%add3A_816] : memref<4096xf32, #tpu.memory_space<vmem>>[vector<16xi32>], vector<16xf32>,
    %add3A_818 = arith.addf %add3A_813, %gather3A_817 : vector<16xf32>
    %add3A_819 = arith.constant 772 : i32
    %add3A_820 = vector.broadcast %add3A_819 : i32 to vector<16xi32>
    %add3A_821 = arith.addi %mul3A_5, %add3A_820 : vector<16xi32>
    %gather3A_822 = tpu.vector_load_idx %arg5[%add3A_821] : memref<4096xf32, #tpu.memory_space<vmem>>[vector<16xi32>], vector<16xf32>,
    %add3A_823 = arith.addf %add3A_818, %gather3A_822 : vector<16xf32>
    %add3A_824 = arith.constant 773 : i32
    %add3A_825 = vector.broadcast %add3A_824 : i32 to vector<16xi32>
    %add3A_826 = arith.addi %mul3A_5, %add3A_825 : vector<16xi32>
    %gather3A_827 = tpu.vector_load_idx %arg5[%add3A_826] : memref<4096xf32, #tpu.memory_space<vmem>>[vector<16xi32>], vector<16xf32>,
    %add3A_828 = arith.addf %add3A_823, %gather3A_827 : vector<16xf32>
    %add3A_829 = arith.constant 774 : i32
    %add3A_830 = vector.broadcast %add3A_829 : i32 to vector<16xi32>
    %add3A_831 = arith.addi %mul3A_5, %add3A_830 : vector<16xi32>
    %gather3A_832 = tpu.vector_load_idx %arg5[%add3A_831] : memref<4096xf32, #tpu.memory_space<vmem>>[vector<16xi32>], vector<16xf32>,
    %add3A_833 = arith.addf %add3A_828, %gather3A_832 : vector<16xf32>
    %add3A_834 = arith.constant 775 : i32
    %add3A_835 = vector.broadcast %add3A_834 : i32 to vector<16xi32>
    %add3A_836 = arith.addi %mul3A_5, %add3A_835 : vector<16xi32>
    %gather3A_837 = tpu.vector_load_idx %arg5[%add3A_836] : memref<4096xf32, #tpu.memory_space<vmem>>[vector<16xi32>], vector<16xf32>,
    %add3A_838 = arith.addf %add3A_833, %gather3A_837 : vector<16xf32>
    %add3A_839 = arith.constant 776 : i32
    %add3A_840 = vector.broadcast %add3A_839 : i32 to vector<16xi32>
    %add3A_841 = arith.addi %mul3A_5, %add3A_840 : vector<16xi32>
    %gather3A_842 = tpu.vector_load_idx %arg5[%add3A_841] : memref<4096xf32, #tpu.memory_space<vmem>>[vector<16xi32>], vector<16xf32>,
    %add3A_843 = arith.addf %add3A_838, %gather3A_842 : vector<16xf32>
    %add3A_844 = arith.constant 777 : i32
    %add3A_845 = vector.broadcast %add3A_844 : i32 to vector<16xi32>
    %add3A_846 = arith.addi %mul3A_5, %add3A_845 : vector<16xi32>
    %gather3A_847 = tpu.vector_load_idx %arg5[%add3A_846] : memref<4096xf32, #tpu.memory_space<vmem>>[vector<16xi32>], vector<16xf32>,
    %add3A_848 = arith.addf %add3A_843, %gather3A_847 : vector<16xf32>
    %add3A_849 = arith.constant 778 : i32
    %add3A_850 = vector.broadcast %add3A_849 : i32 to vector<16xi32>
    %add3A_851 = arith.addi %mul3A_5, %add3A_850 : vector<16xi32>
    %gather3A_852 = tpu.vector_load_idx %arg5[%add3A_851] : memref<4096xf32, #tpu.memory_space<vmem>>[vector<16xi32>], vector<16xf32>,
    %add3A_853 = arith.addf %add3A_848, %gather3A_852 : vector<16xf32>
    %add3A_854 = arith.constant 779 : i32
    %add3A_855 = vector.broadcast %add3A_854 : i32 to vector<16xi32>
    %add3A_856 = arith.addi %mul3A_5, %add3A_855 : vector<16xi32>
    %gather3A_857 = tpu.vector_load_idx %arg5[%add3A_856] : memref<4096xf32, #tpu.memory_space<vmem>>[vector<16xi32>], vector<16xf32>,
    %add3A_858 = arith.addf %add3A_853, %gather3A_857 : vector<16xf32>
    %add3A_859 = arith.constant 780 : i32
    %add3A_860 = vector.broadcast %add3A_859 : i32 to vector<16xi32>
    %add3A_861 = arith.addi %mul3A_5, %add3A_860 : vector<16xi32>
    %gather3A_862 = tpu.vector_load_idx %arg5[%add3A_861] : memref<4096xf32, #tpu.memory_space<vmem>>[vector<16xi32>], vector<16xf32>,
    %add3A_863 = arith.addf %add3A_858, %gather3A_862 : vector<16xf32>
    %add3A_864 = arith.constant 781 : i32
    %add3A_865 = vector.broadcast %add3A_864 : i32 to vector<16xi32>
    %add3A_866 = arith.addi %mul3A_5, %add3A_865 : vector<16xi32>
    %gather3A_867 = tpu.vector_load_idx %arg5[%add3A_866] : memref<4096xf32, #tpu.memory_space<vmem>>[vector<16xi32>], vector<16xf32>,
    %add3A_868 = arith.addf %add3A_863, %gather3A_867 : vector<16xf32>
    %add3A_869 = arith.constant 782 : i32
    %add3A_870 = vector.broadcast %add3A_869 : i32 to vector<16xi32>
    %add3A_871 = arith.addi %mul3A_5, %add3A_870 : vector<16xi32>
    %gather3A_872 = tpu.vector_load_idx %arg5[%add3A_871] : memref<4096xf32, #tpu.memory_space<vmem>>[vector<16xi32>], vector<16xf32>,
    %add3A_873 = arith.addf %add3A_868, %gather3A_872 : vector<16xf32>
    %add3A_874 = arith.constant 783 : i32
    %add3A_875 = vector.broadcast %add3A_874 : i32 to vector<16xi32>
    %add3A_876 = arith.addi %mul3A_5, %add3A_875 : vector<16xi32>
    %gather3A_877 = tpu.vector_load_idx %arg5[%add3A_876] : memref<4096xf32, #tpu.memory_space<vmem>>[vector<16xi32>], vector<16xf32>,
    %add3A_878 = arith.addf %add3A_873, %gather3A_877 : vector<16xf32>
    %swap3A_879 = arith.constant 48 : index
    %swap3A_880 = tpu.vector_load %arg6[%swap3A_879] {strides = array<i32>} : memref<256xf32, #tpu.memory_space<vmem>>, vector<16xf32>,
    tpu.vector_store %arg6[%swap3A_879], %add3A_878 {strides = array<i32>} : memref<256xf32, #tpu.memory_space<vmem>>, vector<16xf32>,
    %add3A_881 = arith.constant 1024 : i32
    %add3A_882 = vector.broadcast %add3A_881 : i32 to vector<16xi32>
    %add3A_883 = arith.addi %mul3A_5, %add3A_882 : vector<16xi32>
    %gather3A_884 = tpu.vector_load_idx %arg5[%add3A_883] : memref<4096xf32, #tpu.memory_space<vmem>>[vector<16xi32>], vector<16xf32>,
    %add3A_885 = arith.addf %broadcast_in_dim3A_8, %gather3A_884 : vector<16xf32>
    %add3A_886 = arith.constant 1025 : i32
    %add3A_887 = vector.broadcast %add3A_886 : i32 to vector<16xi32>
    %add3A_888 = arith.addi %mul3A_5, %add3A_887 : vector<16xi32>
    %gather3A_889 = tpu.vector_load_idx %arg5[%add3A_888] : memref<4096xf32, #tpu.memory_space<vmem>>[vector<16xi32>], vector<16xf32>,
    %add3A_890 = arith.addf %add3A_885, %gather3A_889 : vector<16xf32>
    %add3A_891 = arith.constant 1026 : i32
    %add3A_892 = vector.broadcast %add3A_891 : i32 to vector<16xi32>
    %add3A_893 = arith.addi %mul3A_5, %add3A_892 : vector<16xi32>
    %gather3A_894 = tpu.vector_load_idx %arg5[%add3A_893] : memref<4096xf32, #tpu.memory_space<vmem>>[vector<16xi32>], vector<16xf32>,
    %add3A_895 = arith.addf %add3A_890, %gather3A_894 : vector<16xf32>
    %add3A_896 = arith.constant 1027 : i32
    %add3A_897 = vector.broadcast %add3A_896 : i32 to vector<16xi32>
    %add3A_898 = arith.addi %mul3A_5, %add3A_897 : vector<16xi32>
    %gather3A_899 = tpu.vector_load_idx %arg5[%add3A_898] : memref<4096xf32, #tpu.memory_space<vmem>>[vector<16xi32>], vector<16xf32>,
    %add3A_900 = arith.addf %add3A_895, %gather3A_899 : vector<16xf32>
    %add3A_901 = arith.constant 1028 : i32
    %add3A_902 = vector.broadcast %add3A_901 : i32 to vector<16xi32>
    %add3A_903 = arith.addi %mul3A_5, %add3A_902 : vector<16xi32>
    %gather3A_904 = tpu.vector_load_idx %arg5[%add3A_903] : memref<4096xf32, #tpu.memory_space<vmem>>[vector<16xi32>], vector<16xf32>,
    %add3A_905 = arith.addf %add3A_900, %gather3A_904 : vector<16xf32>
    %add3A_906 = arith.constant 1029 : i32
    %add3A_907 = vector.broadcast %add3A_906 : i32 to vector<16xi32>
    %add3A_908 = arith.addi %mul3A_5, %add3A_907 : vector<16xi32>
    %gather3A_909 = tpu.vector_load_idx %arg5[%add3A_908] : memref<4096xf32, #tpu.memory_space<vmem>>[vector<16xi32>], vector<16xf32>,
    %add3A_910 = arith.addf %add3A_905, %gather3A_909 : vector<16xf32>
    %add3A_911 = arith.constant 1030 : i32
    %add3A_912 = vector.broadcast %add3A_911 : i32 to vector<16xi32>
    %add3A_913 = arith.addi %mul3A_5, %add3A_912 : vector<16xi32>
    %gather3A_914 = tpu.vector_load_idx %arg5[%add3A_913] : memref<4096xf32, #tpu.memory_space<vmem>>[vector<16xi32>], vector<16xf32>,
    %add3A_915 = arith.addf %add3A_910, %gather3A_914 : vector<16xf32>
    %add3A_916 = arith.constant 1031 : i32
    %add3A_917 = vector.broadcast %add3A_916 : i32 to vector<16xi32>
    %add3A_918 = arith.addi %mul3A_5, %add3A_917 : vector<16xi32>
    %gather3A_919 = tpu.vector_load_idx %arg5[%add3A_918] : memref<4096xf32, #tpu.memory_space<vmem>>[vector<16xi32>], vector<16xf32>,
    %add3A_920 = arith.addf %add3A_915, %gather3A_919 : vector<16xf32>
    %add3A_921 = arith.constant 1032 : i32
    %add3A_922 = vector.broadcast %add3A_921 : i32 to vector<16xi32>
    %add3A_923 = arith.addi %mul3A_5, %add3A_922 : vector<16xi32>
    %gather3A_924 = tpu.vector_load_idx %arg5[%add3A_923] : memref<4096xf32, #tpu.memory_space<vmem>>[vector<16xi32>], vector<16xf32>,
    %add3A_925 = arith.addf %add3A_920, %gather3A_924 : vector<16xf32>
    %add3A_926 = arith.constant 1033 : i32
    %add3A_927 = vector.broadcast %add3A_926 : i32 to vector<16xi32>
    %add3A_928 = arith.addi %mul3A_5, %add3A_927 : vector<16xi32>
    %gather3A_929 = tpu.vector_load_idx %arg5[%add3A_928] : memref<4096xf32, #tpu.memory_space<vmem>>[vector<16xi32>], vector<16xf32>,
    %add3A_930 = arith.addf %add3A_925, %gather3A_929 : vector<16xf32>
    %add3A_931 = arith.constant 1034 : i32
    %add3A_932 = vector.broadcast %add3A_931 : i32 to vector<16xi32>
    %add3A_933 = arith.addi %mul3A_5, %add3A_932 : vector<16xi32>
    %gather3A_934 = tpu.vector_load_idx %arg5[%add3A_933] : memref<4096xf32, #tpu.memory_space<vmem>>[vector<16xi32>], vector<16xf32>,
    %add3A_935 = arith.addf %add3A_930, %gather3A_934 : vector<16xf32>
    %add3A_936 = arith.constant 1035 : i32
    %add3A_937 = vector.broadcast %add3A_936 : i32 to vector<16xi32>
    %add3A_938 = arith.addi %mul3A_5, %add3A_937 : vector<16xi32>
    %gather3A_939 = tpu.vector_load_idx %arg5[%add3A_938] : memref<4096xf32, #tpu.memory_space<vmem>>[vector<16xi32>], vector<16xf32>,
    %add3A_940 = arith.addf %add3A_935, %gather3A_939 : vector<16xf32>
    %add3A_941 = arith.constant 1036 : i32
    %add3A_942 = vector.broadcast %add3A_941 : i32 to vector<16xi32>
    %add3A_943 = arith.addi %mul3A_5, %add3A_942 : vector<16xi32>
    %gather3A_944 = tpu.vector_load_idx %arg5[%add3A_943] : memref<4096xf32, #tpu.memory_space<vmem>>[vector<16xi32>], vector<16xf32>,
    %add3A_945 = arith.addf %add3A_940, %gather3A_944 : vector<16xf32>
    %add3A_946 = arith.constant 1037 : i32
    %add3A_947 = vector.broadcast %add3A_946 : i32 to vector<16xi32>
    %add3A_948 = arith.addi %mul3A_5, %add3A_947 : vector<16xi32>
    %gather3A_949 = tpu.vector_load_idx %arg5[%add3A_948] : memref<4096xf32, #tpu.memory_space<vmem>>[vector<16xi32>], vector<16xf32>,
    %add3A_950 = arith.addf %add3A_945, %gather3A_949 : vector<16xf32>
    %add3A_951 = arith.constant 1038 : i32
    %add3A_952 = vector.broadcast %add3A_951 : i32 to vector<16xi32>
    %add3A_953 = arith.addi %mul3A_5, %add3A_952 : vector<16xi32>
    %gather3A_954 = tpu.vector_load_idx %arg5[%add3A_953] : memref<4096xf32, #tpu.memory_space<vmem>>[vector<16xi32>], vector<16xf32>,
    %add3A_955 = arith.addf %add3A_950, %gather3A_954 : vector<16xf32>
    %add3A_956 = arith.constant 1039 : i32
    %add3A_957 = vector.broadcast %add3A_956 : i32 to vector<16xi32>
    %add3A_958 = arith.addi %mul3A_5, %add3A_957 : vector<16xi32>
    %gather3A_959 = tpu.vector_load_idx %arg5[%add3A_958] : memref<4096xf32, #tpu.memory_space<vmem>>[vector<16xi32>], vector<16xf32>,
    %add3A_960 = arith.addf %add3A_955, %gather3A_959 : vector<16xf32>
    %swap3A_961 = arith.constant 64 : index
    %swap3A_962 = tpu.vector_load %arg6[%swap3A_961] {strides = array<i32>} : memref<256xf32, #tpu.memory_space<vmem>>, vector<16xf32>,
    tpu.vector_store %arg6[%swap3A_961], %add3A_960 {strides = array<i32>} : memref<256xf32, #tpu.memory_space<vmem>>, vector<16xf32>,
    %add3A_963 = arith.constant 1280 : i32
    %add3A_964 = vector.broadcast %add3A_963 : i32 to vector<16xi32>
    %add3A_965 = arith.addi %mul3A_5, %add3A_964 : vector<16xi32>
    %gather3A_966 = tpu.vector_load_idx %arg5[%add3A_965] : memref<4096xf32, #tpu.memory_space<vmem>>[vector<16xi32>], vector<16xf32>,
    %add3A_967 = arith.addf %broadcast_in_dim3A_8, %gather3A_966 : vector<16xf32>
    %add3A_968 = arith.constant 1281 : i32
    %add3A_969 = vector.broadcast %add3A_968 : i32 to vector<16xi32>
    %add3A_970 = arith.addi %mul3A_5, %add3A_969 : vector<16xi32>
    %gather3A_971 = tpu.vector_load_idx %arg5[%add3A_970] : memref<4096xf32, #tpu.memory_space<vmem>>[vector<16xi32>], vector<16xf32>,
    %add3A_972 = arith.addf %add3A_967, %gather3A_971 : vector<16xf32>
    %add3A_973 = arith.constant 1282 : i32
    %add3A_974 = vector.broadcast %add3A_973 : i32 to vector<16xi32>
    %add3A_975 = arith.addi %mul3A_5, %add3A_974 : vector<16xi32>
    %gather3A_976 = tpu.vector_load_idx %arg5[%add3A_975] : memref<4096xf32, #tpu.memory_space<vmem>>[vector<16xi32>], vector<16xf32>,
    %add3A_977 = arith.addf %add3A_972, %gather3A_976 : vector<16xf32>
    %add3A_978 = arith.constant 1283 : i32
    %add3A_979 = vector.broadcast %add3A_978 : i32 to vector<16xi32>
    %add3A_980 = arith.addi %mul3A_5, %add3A_979 : vector<16xi32>
    %gather3A_981 = tpu.vector_load_idx %arg5[%add3A_980] : memref<4096xf32, #tpu.memory_space<vmem>>[vector<16xi32>], vector<16xf32>,
    %add3A_982 = arith.addf %add3A_977, %gather3A_981 : vector<16xf32>
    %add3A_983 = arith.constant 1284 : i32
    %add3A_984 = vector.broadcast %add3A_983 : i32 to vector<16xi32>
    %add3A_985 = arith.addi %mul3A_5, %add3A_984 : vector<16xi32>
    %gather3A_986 = tpu.vector_load_idx %arg5[%add3A_985] : memref<4096xf32, #tpu.memory_space<vmem>>[vector<16xi32>], vector<16xf32>,
    %add3A_987 = arith.addf %add3A_982, %gather3A_986 : vector<16xf32>
    %add3A_988 = arith.constant 1285 : i32
    %add3A_989 = vector.broadcast %add3A_988 : i32 to vector<16xi32>
    %add3A_990 = arith.addi %mul3A_5, %add3A_989 : vector<16xi32>
    %gather3A_991 = tpu.vector_load_idx %arg5[%add3A_990] : memref<4096xf32, #tpu.memory_space<vmem>>[vector<16xi32>], vector<16xf32>,
    %add3A_992 = arith.addf %add3A_987, %gather3A_991 : vector<16xf32>
    %add3A_993 = arith.constant 1286 : i32
    %add3A_994 = vector.broadcast %add3A_993 : i32 to vector<16xi32>
    %add3A_995 = arith.addi %mul3A_5, %add3A_994 : vector<16xi32>
    %gather3A_996 = tpu.vector_load_idx %arg5[%add3A_995] : memref<4096xf32, #tpu.memory_space<vmem>>[vector<16xi32>], vector<16xf32>,
    %add3A_997 = arith.addf %add3A_992, %gather3A_996 : vector<16xf32>
    %add3A_998 = arith.constant 1287 : i32
    %add3A_999 = vector.broadcast %add3A_998 : i32 to vector<16xi32>
    %add3A_1000 = arith.addi %mul3A_5, %add3A_999 : vector<16xi32>
    %gather3A_1001 = tpu.vector_load_idx %arg5[%add3A_1000] : memref<4096xf32, #tpu.memory_space<vmem>>[vector<16xi32>], vector<16xf32>,
    %add3A_1002 = arith.addf %add3A_997, %gather3A_1001 : vector<16xf32>
    %add3A_1003 = arith.constant 1288 : i32
    %add3A_1004 = vector.broadcast %add3A_1003 : i32 to vector<16xi32>
    %add3A_1005 = arith.addi %mul3A_5, %add3A_1004 : vector<16xi32>
    %gather3A_1006 = tpu.vector_load_idx %arg5[%add3A_1005] : memref<4096xf32, #tpu.memory_space<vmem>>[vector<16xi32>], vector<16xf32>,
    %add3A_1007 = arith.addf %add3A_1002, %gather3A_1006 : vector<16xf32>
    %add3A_1008 = arith.constant 1289 : i32
    %add3A_1009 = vector.broadcast %add3A_1008 : i32 to vector<16xi32>
    %add3A_1010 = arith.addi %mul3A_5, %add3A_1009 : vector<16xi32>
    %gather3A_1011 = tpu.vector_load_idx %arg5[%add3A_1010] : memref<4096xf32, #tpu.memory_space<vmem>>[vector<16xi32>], vector<16xf32>,
    %add3A_1012 = arith.addf %add3A_1007, %gather3A_1011 : vector<16xf32>
    %add3A_1013 = arith.constant 1290 : i32
    %add3A_1014 = vector.broadcast %add3A_1013 : i32 to vector<16xi32>
    %add3A_1015 = arith.addi %mul3A_5, %add3A_1014 : vector<16xi32>
    %gather3A_1016 = tpu.vector_load_idx %arg5[%add3A_1015] : memref<4096xf32, #tpu.memory_space<vmem>>[vector<16xi32>], vector<16xf32>,
    %add3A_1017 = arith.addf %add3A_1012, %gather3A_1016 : vector<16xf32>
    %add3A_1018 = arith.constant 1291 : i32
    %add3A_1019 = vector.broadcast %add3A_1018 : i32 to vector<16xi32>
    %add3A_1020 = arith.addi %mul3A_5, %add3A_1019 : vector<16xi32>
    %gather3A_1021 = tpu.vector_load_idx %arg5[%add3A_1020] : memref<4096xf32, #tpu.memory_space<vmem>>[vector<16xi32>], vector<16xf32>,
    %add3A_1022 = arith.addf %add3A_1017, %gather3A_1021 : vector<16xf32>
    %add3A_1023 = arith.constant 1292 : i32
    %add3A_1024 = vector.broadcast %add3A_1023 : i32 to vector<16xi32>
    %add3A_1025 = arith.addi %mul3A_5, %add3A_1024 : vector<16xi32>
    %gather3A_1026 = tpu.vector_load_idx %arg5[%add3A_1025] : memref<4096xf32, #tpu.memory_space<vmem>>[vector<16xi32>], vector<16xf32>,
    %add3A_1027 = arith.addf %add3A_1022, %gather3A_1026 : vector<16xf32>
    %add3A_1028 = arith.constant 1293 : i32
    %add3A_1029 = vector.broadcast %add3A_1028 : i32 to vector<16xi32>
    %add3A_1030 = arith.addi %mul3A_5, %add3A_1029 : vector<16xi32>
    %gather3A_1031 = tpu.vector_load_idx %arg5[%add3A_1030] : memref<4096xf32, #tpu.memory_space<vmem>>[vector<16xi32>], vector<16xf32>,
    %add3A_1032 = arith.addf %add3A_1027, %gather3A_1031 : vector<16xf32>
    %add3A_1033 = arith.constant 1294 : i32
    %add3A_1034 = vector.broadcast %add3A_1033 : i32 to vector<16xi32>
    %add3A_1035 = arith.addi %mul3A_5, %add3A_1034 : vector<16xi32>
    %gather3A_1036 = tpu.vector_load_idx %arg5[%add3A_1035] : memref<4096xf32, #tpu.memory_space<vmem>>[vector<16xi32>], vector<16xf32>,
    %add3A_1037 = arith.addf %add3A_1032, %gather3A_1036 : vector<16xf32>
    %add3A_1038 = arith.constant 1295 : i32
    %add3A_1039 = vector.broadcast %add3A_1038 : i32 to vector<16xi32>
    %add3A_1040 = arith.addi %mul3A_5, %add3A_1039 : vector<16xi32>
    %gather3A_1041 = tpu.vector_load_idx %arg5[%add3A_1040] : memref<4096xf32, #tpu.memory_space<vmem>>[vector<16xi32>], vector<16xf32>,
    %add3A_1042 = arith.addf %add3A_1037, %gather3A_1041 : vector<16xf32>
    %swap3A_1043 = arith.constant 80 : index
    %swap3A_1044 = tpu.vector_load %arg6[%swap3A_1043] {strides = array<i32>} : memref<256xf32, #tpu.memory_space<vmem>>, vector<16xf32>,
    tpu.vector_store %arg6[%swap3A_1043], %add3A_1042 {strides = array<i32>} : memref<256xf32, #tpu.memory_space<vmem>>, vector<16xf32>,
    %add3A_1045 = arith.constant 1536 : i32
    %add3A_1046 = vector.broadcast %add3A_1045 : i32 to vector<16xi32>
    %add3A_1047 = arith.addi %mul3A_5, %add3A_1046 : vector<16xi32>
    %gather3A_1048 = tpu.vector_load_idx %arg5[%add3A_1047] : memref<4096xf32, #tpu.memory_space<vmem>>[vector<16xi32>], vector<16xf32>,
    %add3A_1049 = arith.addf %broadcast_in_dim3A_8, %gather3A_1048 : vector<16xf32>
    %add3A_1050 = arith.constant 1537 : i32
    %add3A_1051 = vector.broadcast %add3A_1050 : i32 to vector<16xi32>
    %add3A_1052 = arith.addi %mul3A_5, %add3A_1051 : vector<16xi32>
    %gather3A_1053 = tpu.vector_load_idx %arg5[%add3A_1052] : memref<4096xf32, #tpu.memory_space<vmem>>[vector<16xi32>], vector<16xf32>,
    %add3A_1054 = arith.addf %add3A_1049, %gather3A_1053 : vector<16xf32>
    %add3A_1055 = arith.constant 1538 : i32
    %add3A_1056 = vector.broadcast %add3A_1055 : i32 to vector<16xi32>
    %add3A_1057 = arith.addi %mul3A_5, %add3A_1056 : vector<16xi32>
    %gather3A_1058 = tpu.vector_load_idx %arg5[%add3A_1057] : memref<4096xf32, #tpu.memory_space<vmem>>[vector<16xi32>], vector<16xf32>,
    %add3A_1059 = arith.addf %add3A_1054, %gather3A_1058 : vector<16xf32>
    %add3A_1060 = arith.constant 1539 : i32
    %add3A_1061 = vector.broadcast %add3A_1060 : i32 to vector<16xi32>
    %add3A_1062 = arith.addi %mul3A_5, %add3A_1061 : vector<16xi32>
    %gather3A_1063 = tpu.vector_load_idx %arg5[%add3A_1062] : memref<4096xf32, #tpu.memory_space<vmem>>[vector<16xi32>], vector<16xf32>,
    %add3A_1064 = arith.addf %add3A_1059, %gather3A_1063 : vector<16xf32>
    %add3A_1065 = arith.constant 1540 : i32
    %add3A_1066 = vector.broadcast %add3A_1065 : i32 to vector<16xi32>
    %add3A_1067 = arith.addi %mul3A_5, %add3A_1066 : vector<16xi32>
    %gather3A_1068 = tpu.vector_load_idx %arg5[%add3A_1067] : memref<4096xf32, #tpu.memory_space<vmem>>[vector<16xi32>], vector<16xf32>,
    %add3A_1069 = arith.addf %add3A_1064, %gather3A_1068 : vector<16xf32>
    %add3A_1070 = arith.constant 1541 : i32
    %add3A_1071 = vector.broadcast %add3A_1070 : i32 to vector<16xi32>
    %add3A_1072 = arith.addi %mul3A_5, %add3A_1071 : vector<16xi32>
    %gather3A_1073 = tpu.vector_load_idx %arg5[%add3A_1072] : memref<4096xf32, #tpu.memory_space<vmem>>[vector<16xi32>], vector<16xf32>,
    %add3A_1074 = arith.addf %add3A_1069, %gather3A_1073 : vector<16xf32>
    %add3A_1075 = arith.constant 1542 : i32
    %add3A_1076 = vector.broadcast %add3A_1075 : i32 to vector<16xi32>
    %add3A_1077 = arith.addi %mul3A_5, %add3A_1076 : vector<16xi32>
    %gather3A_1078 = tpu.vector_load_idx %arg5[%add3A_1077] : memref<4096xf32, #tpu.memory_space<vmem>>[vector<16xi32>], vector<16xf32>,
    %add3A_1079 = arith.addf %add3A_1074, %gather3A_1078 : vector<16xf32>
    %add3A_1080 = arith.constant 1543 : i32
    %add3A_1081 = vector.broadcast %add3A_1080 : i32 to vector<16xi32>
    %add3A_1082 = arith.addi %mul3A_5, %add3A_1081 : vector<16xi32>
    %gather3A_1083 = tpu.vector_load_idx %arg5[%add3A_1082] : memref<4096xf32, #tpu.memory_space<vmem>>[vector<16xi32>], vector<16xf32>,
    %add3A_1084 = arith.addf %add3A_1079, %gather3A_1083 : vector<16xf32>
    %add3A_1085 = arith.constant 1544 : i32
    %add3A_1086 = vector.broadcast %add3A_1085 : i32 to vector<16xi32>
    %add3A_1087 = arith.addi %mul3A_5, %add3A_1086 : vector<16xi32>
    %gather3A_1088 = tpu.vector_load_idx %arg5[%add3A_1087] : memref<4096xf32, #tpu.memory_space<vmem>>[vector<16xi32>], vector<16xf32>,
    %add3A_1089 = arith.addf %add3A_1084, %gather3A_1088 : vector<16xf32>
    %add3A_1090 = arith.constant 1545 : i32
    %add3A_1091 = vector.broadcast %add3A_1090 : i32 to vector<16xi32>
    %add3A_1092 = arith.addi %mul3A_5, %add3A_1091 : vector<16xi32>
    %gather3A_1093 = tpu.vector_load_idx %arg5[%add3A_1092] : memref<4096xf32, #tpu.memory_space<vmem>>[vector<16xi32>], vector<16xf32>,
    %add3A_1094 = arith.addf %add3A_1089, %gather3A_1093 : vector<16xf32>
    %add3A_1095 = arith.constant 1546 : i32
    %add3A_1096 = vector.broadcast %add3A_1095 : i32 to vector<16xi32>
    %add3A_1097 = arith.addi %mul3A_5, %add3A_1096 : vector<16xi32>
    %gather3A_1098 = tpu.vector_load_idx %arg5[%add3A_1097] : memref<4096xf32, #tpu.memory_space<vmem>>[vector<16xi32>], vector<16xf32>,
    %add3A_1099 = arith.addf %add3A_1094, %gather3A_1098 : vector<16xf32>
    %add3A_1100 = arith.constant 1547 : i32
    %add3A_1101 = vector.broadcast %add3A_1100 : i32 to vector<16xi32>
    %add3A_1102 = arith.addi %mul3A_5, %add3A_1101 : vector<16xi32>
    %gather3A_1103 = tpu.vector_load_idx %arg5[%add3A_1102] : memref<4096xf32, #tpu.memory_space<vmem>>[vector<16xi32>], vector<16xf32>,
    %add3A_1104 = arith.addf %add3A_1099, %gather3A_1103 : vector<16xf32>
    %add3A_1105 = arith.constant 1548 : i32
    %add3A_1106 = vector.broadcast %add3A_1105 : i32 to vector<16xi32>
    %add3A_1107 = arith.addi %mul3A_5, %add3A_1106 : vector<16xi32>
    %gather3A_1108 = tpu.vector_load_idx %arg5[%add3A_1107] : memref<4096xf32, #tpu.memory_space<vmem>>[vector<16xi32>], vector<16xf32>,
    %add3A_1109 = arith.addf %add3A_1104, %gather3A_1108 : vector<16xf32>
    %add3A_1110 = arith.constant 1549 : i32
    %add3A_1111 = vector.broadcast %add3A_1110 : i32 to vector<16xi32>
    %add3A_1112 = arith.addi %mul3A_5, %add3A_1111 : vector<16xi32>
    %gather3A_1113 = tpu.vector_load_idx %arg5[%add3A_1112] : memref<4096xf32, #tpu.memory_space<vmem>>[vector<16xi32>], vector<16xf32>,
    %add3A_1114 = arith.addf %add3A_1109, %gather3A_1113 : vector<16xf32>
    %add3A_1115 = arith.constant 1550 : i32
    %add3A_1116 = vector.broadcast %add3A_1115 : i32 to vector<16xi32>
    %add3A_1117 = arith.addi %mul3A_5, %add3A_1116 : vector<16xi32>
    %gather3A_1118 = tpu.vector_load_idx %arg5[%add3A_1117] : memref<4096xf32, #tpu.memory_space<vmem>>[vector<16xi32>], vector<16xf32>,
    %add3A_1119 = arith.addf %add3A_1114, %gather3A_1118 : vector<16xf32>
    %add3A_1120 = arith.constant 1551 : i32
    %add3A_1121 = vector.broadcast %add3A_1120 : i32 to vector<16xi32>
    %add3A_1122 = arith.addi %mul3A_5, %add3A_1121 : vector<16xi32>
    %gather3A_1123 = tpu.vector_load_idx %arg5[%add3A_1122] : memref<4096xf32, #tpu.memory_space<vmem>>[vector<16xi32>], vector<16xf32>,
    %add3A_1124 = arith.addf %add3A_1119, %gather3A_1123 : vector<16xf32>
    %swap3A_1125 = arith.constant 96 : index
    %swap3A_1126 = tpu.vector_load %arg6[%swap3A_1125] {strides = array<i32>} : memref<256xf32, #tpu.memory_space<vmem>>, vector<16xf32>,
    tpu.vector_store %arg6[%swap3A_1125], %add3A_1124 {strides = array<i32>} : memref<256xf32, #tpu.memory_space<vmem>>, vector<16xf32>,
    %add3A_1127 = arith.constant 1792 : i32
    %add3A_1128 = vector.broadcast %add3A_1127 : i32 to vector<16xi32>
    %add3A_1129 = arith.addi %mul3A_5, %add3A_1128 : vector<16xi32>
    %gather3A_1130 = tpu.vector_load_idx %arg5[%add3A_1129] : memref<4096xf32, #tpu.memory_space<vmem>>[vector<16xi32>], vector<16xf32>,
    %add3A_1131 = arith.addf %broadcast_in_dim3A_8, %gather3A_1130 : vector<16xf32>
    %add3A_1132 = arith.constant 1793 : i32
    %add3A_1133 = vector.broadcast %add3A_1132 : i32 to vector<16xi32>
    %add3A_1134 = arith.addi %mul3A_5, %add3A_1133 : vector<16xi32>
    %gather3A_1135 = tpu.vector_load_idx %arg5[%add3A_1134] : memref<4096xf32, #tpu.memory_space<vmem>>[vector<16xi32>], vector<16xf32>,
    %add3A_1136 = arith.addf %add3A_1131, %gather3A_1135 : vector<16xf32>
    %add3A_1137 = arith.constant 1794 : i32
    %add3A_1138 = vector.broadcast %add3A_1137 : i32 to vector<16xi32>
    %add3A_1139 = arith.addi %mul3A_5, %add3A_1138 : vector<16xi32>
    %gather3A_1140 = tpu.vector_load_idx %arg5[%add3A_1139] : memref<4096xf32, #tpu.memory_space<vmem>>[vector<16xi32>], vector<16xf32>,
    %add3A_1141 = arith.addf %add3A_1136, %gather3A_1140 : vector<16xf32>
    %add3A_1142 = arith.constant 1795 : i32
    %add3A_1143 = vector.broadcast %add3A_1142 : i32 to vector<16xi32>
    %add3A_1144 = arith.addi %mul3A_5, %add3A_1143 : vector<16xi32>
    %gather3A_1145 = tpu.vector_load_idx %arg5[%add3A_1144] : memref<4096xf32, #tpu.memory_space<vmem>>[vector<16xi32>], vector<16xf32>,
    %add3A_1146 = arith.addf %add3A_1141, %gather3A_1145 : vector<16xf32>
    %add3A_1147 = arith.constant 1796 : i32
    %add3A_1148 = vector.broadcast %add3A_1147 : i32 to vector<16xi32>
    %add3A_1149 = arith.addi %mul3A_5, %add3A_1148 : vector<16xi32>
    %gather3A_1150 = tpu.vector_load_idx %arg5[%add3A_1149] : memref<4096xf32, #tpu.memory_space<vmem>>[vector<16xi32>], vector<16xf32>,
    %add3A_1151 = arith.addf %add3A_1146, %gather3A_1150 : vector<16xf32>
    %add3A_1152 = arith.constant 1797 : i32
    %add3A_1153 = vector.broadcast %add3A_1152 : i32 to vector<16xi32>
    %add3A_1154 = arith.addi %mul3A_5, %add3A_1153 : vector<16xi32>
    %gather3A_1155 = tpu.vector_load_idx %arg5[%add3A_1154] : memref<4096xf32, #tpu.memory_space<vmem>>[vector<16xi32>], vector<16xf32>,
    %add3A_1156 = arith.addf %add3A_1151, %gather3A_1155 : vector<16xf32>
    %add3A_1157 = arith.constant 1798 : i32
    %add3A_1158 = vector.broadcast %add3A_1157 : i32 to vector<16xi32>
    %add3A_1159 = arith.addi %mul3A_5, %add3A_1158 : vector<16xi32>
    %gather3A_1160 = tpu.vector_load_idx %arg5[%add3A_1159] : memref<4096xf32, #tpu.memory_space<vmem>>[vector<16xi32>], vector<16xf32>,
    %add3A_1161 = arith.addf %add3A_1156, %gather3A_1160 : vector<16xf32>
    %add3A_1162 = arith.constant 1799 : i32
    %add3A_1163 = vector.broadcast %add3A_1162 : i32 to vector<16xi32>
    %add3A_1164 = arith.addi %mul3A_5, %add3A_1163 : vector<16xi32>
    %gather3A_1165 = tpu.vector_load_idx %arg5[%add3A_1164] : memref<4096xf32, #tpu.memory_space<vmem>>[vector<16xi32>], vector<16xf32>,
    %add3A_1166 = arith.addf %add3A_1161, %gather3A_1165 : vector<16xf32>
    %add3A_1167 = arith.constant 1800 : i32
    %add3A_1168 = vector.broadcast %add3A_1167 : i32 to vector<16xi32>
    %add3A_1169 = arith.addi %mul3A_5, %add3A_1168 : vector<16xi32>
    %gather3A_1170 = tpu.vector_load_idx %arg5[%add3A_1169] : memref<4096xf32, #tpu.memory_space<vmem>>[vector<16xi32>], vector<16xf32>,
    %add3A_1171 = arith.addf %add3A_1166, %gather3A_1170 : vector<16xf32>
    %add3A_1172 = arith.constant 1801 : i32
    %add3A_1173 = vector.broadcast %add3A_1172 : i32 to vector<16xi32>
    %add3A_1174 = arith.addi %mul3A_5, %add3A_1173 : vector<16xi32>
    %gather3A_1175 = tpu.vector_load_idx %arg5[%add3A_1174] : memref<4096xf32, #tpu.memory_space<vmem>>[vector<16xi32>], vector<16xf32>,
    %add3A_1176 = arith.addf %add3A_1171, %gather3A_1175 : vector<16xf32>
    %add3A_1177 = arith.constant 1802 : i32
    %add3A_1178 = vector.broadcast %add3A_1177 : i32 to vector<16xi32>
    %add3A_1179 = arith.addi %mul3A_5, %add3A_1178 : vector<16xi32>
    %gather3A_1180 = tpu.vector_load_idx %arg5[%add3A_1179] : memref<4096xf32, #tpu.memory_space<vmem>>[vector<16xi32>], vector<16xf32>,
    %add3A_1181 = arith.addf %add3A_1176, %gather3A_1180 : vector<16xf32>
    %add3A_1182 = arith.constant 1803 : i32
    %add3A_1183 = vector.broadcast %add3A_1182 : i32 to vector<16xi32>
    %add3A_1184 = arith.addi %mul3A_5, %add3A_1183 : vector<16xi32>
    %gather3A_1185 = tpu.vector_load_idx %arg5[%add3A_1184] : memref<4096xf32, #tpu.memory_space<vmem>>[vector<16xi32>], vector<16xf32>,
    %add3A_1186 = arith.addf %add3A_1181, %gather3A_1185 : vector<16xf32>
    %add3A_1187 = arith.constant 1804 : i32
    %add3A_1188 = vector.broadcast %add3A_1187 : i32 to vector<16xi32>
    %add3A_1189 = arith.addi %mul3A_5, %add3A_1188 : vector<16xi32>
    %gather3A_1190 = tpu.vector_load_idx %arg5[%add3A_1189] : memref<4096xf32, #tpu.memory_space<vmem>>[vector<16xi32>], vector<16xf32>,
    %add3A_1191 = arith.addf %add3A_1186, %gather3A_1190 : vector<16xf32>
    %add3A_1192 = arith.constant 1805 : i32
    %add3A_1193 = vector.broadcast %add3A_1192 : i32 to vector<16xi32>
    %add3A_1194 = arith.addi %mul3A_5, %add3A_1193 : vector<16xi32>
    %gather3A_1195 = tpu.vector_load_idx %arg5[%add3A_1194] : memref<4096xf32, #tpu.memory_space<vmem>>[vector<16xi32>], vector<16xf32>,
    %add3A_1196 = arith.addf %add3A_1191, %gather3A_1195 : vector<16xf32>
    %add3A_1197 = arith.constant 1806 : i32
    %add3A_1198 = vector.broadcast %add3A_1197 : i32 to vector<16xi32>
    %add3A_1199 = arith.addi %mul3A_5, %add3A_1198 : vector<16xi32>
    %gather3A_1200 = tpu.vector_load_idx %arg5[%add3A_1199] : memref<4096xf32, #tpu.memory_space<vmem>>[vector<16xi32>], vector<16xf32>,
    %add3A_1201 = arith.addf %add3A_1196, %gather3A_1200 : vector<16xf32>
    %add3A_1202 = arith.constant 1807 : i32
    %add3A_1203 = vector.broadcast %add3A_1202 : i32 to vector<16xi32>
    %add3A_1204 = arith.addi %mul3A_5, %add3A_1203 : vector<16xi32>
    %gather3A_1205 = tpu.vector_load_idx %arg5[%add3A_1204] : memref<4096xf32, #tpu.memory_space<vmem>>[vector<16xi32>], vector<16xf32>,
    %add3A_1206 = arith.addf %add3A_1201, %gather3A_1205 : vector<16xf32>
    %swap3A_1207 = arith.constant 112 : index
    %swap3A_1208 = tpu.vector_load %arg6[%swap3A_1207] {strides = array<i32>} : memref<256xf32, #tpu.memory_space<vmem>>, vector<16xf32>,
    tpu.vector_store %arg6[%swap3A_1207], %add3A_1206 {strides = array<i32>} : memref<256xf32, #tpu.memory_space<vmem>>, vector<16xf32>,
    %add3A_1209 = arith.constant 2048 : i32
    %add3A_1210 = vector.broadcast %add3A_1209 : i32 to vector<16xi32>
    %add3A_1211 = arith.addi %mul3A_5, %add3A_1210 : vector<16xi32>
    %gather3A_1212 = tpu.vector_load_idx %arg5[%add3A_1211] : memref<4096xf32, #tpu.memory_space<vmem>>[vector<16xi32>], vector<16xf32>,
    %add3A_1213 = arith.addf %broadcast_in_dim3A_8, %gather3A_1212 : vector<16xf32>
    %add3A_1214 = arith.constant 2049 : i32
    %add3A_1215 = vector.broadcast %add3A_1214 : i32 to vector<16xi32>
    %add3A_1216 = arith.addi %mul3A_5, %add3A_1215 : vector<16xi32>
    %gather3A_1217 = tpu.vector_load_idx %arg5[%add3A_1216] : memref<4096xf32, #tpu.memory_space<vmem>>[vector<16xi32>], vector<16xf32>,
    %add3A_1218 = arith.addf %add3A_1213, %gather3A_1217 : vector<16xf32>
    %add3A_1219 = arith.constant 2050 : i32
    %add3A_1220 = vector.broadcast %add3A_1219 : i32 to vector<16xi32>
    %add3A_1221 = arith.addi %mul3A_5, %add3A_1220 : vector<16xi32>
    %gather3A_1222 = tpu.vector_load_idx %arg5[%add3A_1221] : memref<4096xf32, #tpu.memory_space<vmem>>[vector<16xi32>], vector<16xf32>,
    %add3A_1223 = arith.addf %add3A_1218, %gather3A_1222 : vector<16xf32>
    %add3A_1224 = arith.constant 2051 : i32
    %add3A_1225 = vector.broadcast %add3A_1224 : i32 to vector<16xi32>
    %add3A_1226 = arith.addi %mul3A_5, %add3A_1225 : vector<16xi32>
    %gather3A_1227 = tpu.vector_load_idx %arg5[%add3A_1226] : memref<4096xf32, #tpu.memory_space<vmem>>[vector<16xi32>], vector<16xf32>,
    %add3A_1228 = arith.addf %add3A_1223, %gather3A_1227 : vector<16xf32>
    %add3A_1229 = arith.constant 2052 : i32
    %add3A_1230 = vector.broadcast %add3A_1229 : i32 to vector<16xi32>
    %add3A_1231 = arith.addi %mul3A_5, %add3A_1230 : vector<16xi32>
    %gather3A_1232 = tpu.vector_load_idx %arg5[%add3A_1231] : memref<4096xf32, #tpu.memory_space<vmem>>[vector<16xi32>], vector<16xf32>,
    %add3A_1233 = arith.addf %add3A_1228, %gather3A_1232 : vector<16xf32>
    %add3A_1234 = arith.constant 2053 : i32
    %add3A_1235 = vector.broadcast %add3A_1234 : i32 to vector<16xi32>
    %add3A_1236 = arith.addi %mul3A_5, %add3A_1235 : vector<16xi32>
    %gather3A_1237 = tpu.vector_load_idx %arg5[%add3A_1236] : memref<4096xf32, #tpu.memory_space<vmem>>[vector<16xi32>], vector<16xf32>,
    %add3A_1238 = arith.addf %add3A_1233, %gather3A_1237 : vector<16xf32>
    %add3A_1239 = arith.constant 2054 : i32
    %add3A_1240 = vector.broadcast %add3A_1239 : i32 to vector<16xi32>
    %add3A_1241 = arith.addi %mul3A_5, %add3A_1240 : vector<16xi32>
    %gather3A_1242 = tpu.vector_load_idx %arg5[%add3A_1241] : memref<4096xf32, #tpu.memory_space<vmem>>[vector<16xi32>], vector<16xf32>,
    %add3A_1243 = arith.addf %add3A_1238, %gather3A_1242 : vector<16xf32>
    %add3A_1244 = arith.constant 2055 : i32
    %add3A_1245 = vector.broadcast %add3A_1244 : i32 to vector<16xi32>
    %add3A_1246 = arith.addi %mul3A_5, %add3A_1245 : vector<16xi32>
    %gather3A_1247 = tpu.vector_load_idx %arg5[%add3A_1246] : memref<4096xf32, #tpu.memory_space<vmem>>[vector<16xi32>], vector<16xf32>,
    %add3A_1248 = arith.addf %add3A_1243, %gather3A_1247 : vector<16xf32>
    %add3A_1249 = arith.constant 2056 : i32
    %add3A_1250 = vector.broadcast %add3A_1249 : i32 to vector<16xi32>
    %add3A_1251 = arith.addi %mul3A_5, %add3A_1250 : vector<16xi32>
    %gather3A_1252 = tpu.vector_load_idx %arg5[%add3A_1251] : memref<4096xf32, #tpu.memory_space<vmem>>[vector<16xi32>], vector<16xf32>,
    %add3A_1253 = arith.addf %add3A_1248, %gather3A_1252 : vector<16xf32>
    %add3A_1254 = arith.constant 2057 : i32
    %add3A_1255 = vector.broadcast %add3A_1254 : i32 to vector<16xi32>
    %add3A_1256 = arith.addi %mul3A_5, %add3A_1255 : vector<16xi32>
    %gather3A_1257 = tpu.vector_load_idx %arg5[%add3A_1256] : memref<4096xf32, #tpu.memory_space<vmem>>[vector<16xi32>], vector<16xf32>,
    %add3A_1258 = arith.addf %add3A_1253, %gather3A_1257 : vector<16xf32>
    %add3A_1259 = arith.constant 2058 : i32
    %add3A_1260 = vector.broadcast %add3A_1259 : i32 to vector<16xi32>
    %add3A_1261 = arith.addi %mul3A_5, %add3A_1260 : vector<16xi32>
    %gather3A_1262 = tpu.vector_load_idx %arg5[%add3A_1261] : memref<4096xf32, #tpu.memory_space<vmem>>[vector<16xi32>], vector<16xf32>,
    %add3A_1263 = arith.addf %add3A_1258, %gather3A_1262 : vector<16xf32>
    %add3A_1264 = arith.constant 2059 : i32
    %add3A_1265 = vector.broadcast %add3A_1264 : i32 to vector<16xi32>
    %add3A_1266 = arith.addi %mul3A_5, %add3A_1265 : vector<16xi32>
    %gather3A_1267 = tpu.vector_load_idx %arg5[%add3A_1266] : memref<4096xf32, #tpu.memory_space<vmem>>[vector<16xi32>], vector<16xf32>,
    %add3A_1268 = arith.addf %add3A_1263, %gather3A_1267 : vector<16xf32>
    %add3A_1269 = arith.constant 2060 : i32
    %add3A_1270 = vector.broadcast %add3A_1269 : i32 to vector<16xi32>
    %add3A_1271 = arith.addi %mul3A_5, %add3A_1270 : vector<16xi32>
    %gather3A_1272 = tpu.vector_load_idx %arg5[%add3A_1271] : memref<4096xf32, #tpu.memory_space<vmem>>[vector<16xi32>], vector<16xf32>,
    %add3A_1273 = arith.addf %add3A_1268, %gather3A_1272 : vector<16xf32>
    %add3A_1274 = arith.constant 2061 : i32
    %add3A_1275 = vector.broadcast %add3A_1274 : i32 to vector<16xi32>
    %add3A_1276 = arith.addi %mul3A_5, %add3A_1275 : vector<16xi32>
    %gather3A_1277 = tpu.vector_load_idx %arg5[%add3A_1276] : memref<4096xf32, #tpu.memory_space<vmem>>[vector<16xi32>], vector<16xf32>,
    %add3A_1278 = arith.addf %add3A_1273, %gather3A_1277 : vector<16xf32>
    %add3A_1279 = arith.constant 2062 : i32
    %add3A_1280 = vector.broadcast %add3A_1279 : i32 to vector<16xi32>
    %add3A_1281 = arith.addi %mul3A_5, %add3A_1280 : vector<16xi32>
    %gather3A_1282 = tpu.vector_load_idx %arg5[%add3A_1281] : memref<4096xf32, #tpu.memory_space<vmem>>[vector<16xi32>], vector<16xf32>,
    %add3A_1283 = arith.addf %add3A_1278, %gather3A_1282 : vector<16xf32>
    %add3A_1284 = arith.constant 2063 : i32
    %add3A_1285 = vector.broadcast %add3A_1284 : i32 to vector<16xi32>
    %add3A_1286 = arith.addi %mul3A_5, %add3A_1285 : vector<16xi32>
    %gather3A_1287 = tpu.vector_load_idx %arg5[%add3A_1286] : memref<4096xf32, #tpu.memory_space<vmem>>[vector<16xi32>], vector<16xf32>,
    %add3A_1288 = arith.addf %add3A_1283, %gather3A_1287 : vector<16xf32>
    %swap3A_1289 = arith.constant 128 : index
    %swap3A_1290 = tpu.vector_load %arg6[%swap3A_1289] {strides = array<i32>} : memref<256xf32, #tpu.memory_space<vmem>>, vector<16xf32>,
    tpu.vector_store %arg6[%swap3A_1289], %add3A_1288 {strides = array<i32>} : memref<256xf32, #tpu.memory_space<vmem>>, vector<16xf32>,
    %add3A_1291 = arith.constant 2304 : i32
    %add3A_1292 = vector.broadcast %add3A_1291 : i32 to vector<16xi32>
    %add3A_1293 = arith.addi %mul3A_5, %add3A_1292 : vector<16xi32>
    %gather3A_1294 = tpu.vector_load_idx %arg5[%add3A_1293] : memref<4096xf32, #tpu.memory_space<vmem>>[vector<16xi32>], vector<16xf32>,
    %add3A_1295 = arith.addf %broadcast_in_dim3A_8, %gather3A_1294 : vector<16xf32>
    %add3A_1296 = arith.constant 2305 : i32
    %add3A_1297 = vector.broadcast %add3A_1296 : i32 to vector<16xi32>
    %add3A_1298 = arith.addi %mul3A_5, %add3A_1297 : vector<16xi32>
    %gather3A_1299 = tpu.vector_load_idx %arg5[%add3A_1298] : memref<4096xf32, #tpu.memory_space<vmem>>[vector<16xi32>], vector<16xf32>,
    %add3A_1300 = arith.addf %add3A_1295, %gather3A_1299 : vector<16xf32>
    %add3A_1301 = arith.constant 2306 : i32
    %add3A_1302 = vector.broadcast %add3A_1301 : i32 to vector<16xi32>
    %add3A_1303 = arith.addi %mul3A_5, %add3A_1302 : vector<16xi32>
    %gather3A_1304 = tpu.vector_load_idx %arg5[%add3A_1303] : memref<4096xf32, #tpu.memory_space<vmem>>[vector<16xi32>], vector<16xf32>,
    %add3A_1305 = arith.addf %add3A_1300, %gather3A_1304 : vector<16xf32>
    %add3A_1306 = arith.constant 2307 : i32
    %add3A_1307 = vector.broadcast %add3A_1306 : i32 to vector<16xi32>
    %add3A_1308 = arith.addi %mul3A_5, %add3A_1307 : vector<16xi32>
    %gather3A_1309 = tpu.vector_load_idx %arg5[%add3A_1308] : memref<4096xf32, #tpu.memory_space<vmem>>[vector<16xi32>], vector<16xf32>,
    %add3A_1310 = arith.addf %add3A_1305, %gather3A_1309 : vector<16xf32>
    %add3A_1311 = arith.constant 2308 : i32
    %add3A_1312 = vector.broadcast %add3A_1311 : i32 to vector<16xi32>
    %add3A_1313 = arith.addi %mul3A_5, %add3A_1312 : vector<16xi32>
    %gather3A_1314 = tpu.vector_load_idx %arg5[%add3A_1313] : memref<4096xf32, #tpu.memory_space<vmem>>[vector<16xi32>], vector<16xf32>,
    %add3A_1315 = arith.addf %add3A_1310, %gather3A_1314 : vector<16xf32>
    %add3A_1316 = arith.constant 2309 : i32
    %add3A_1317 = vector.broadcast %add3A_1316 : i32 to vector<16xi32>
    %add3A_1318 = arith.addi %mul3A_5, %add3A_1317 : vector<16xi32>
    %gather3A_1319 = tpu.vector_load_idx %arg5[%add3A_1318] : memref<4096xf32, #tpu.memory_space<vmem>>[vector<16xi32>], vector<16xf32>,
    %add3A_1320 = arith.addf %add3A_1315, %gather3A_1319 : vector<16xf32>
    %add3A_1321 = arith.constant 2310 : i32
    %add3A_1322 = vector.broadcast %add3A_1321 : i32 to vector<16xi32>
    %add3A_1323 = arith.addi %mul3A_5, %add3A_1322 : vector<16xi32>
    %gather3A_1324 = tpu.vector_load_idx %arg5[%add3A_1323] : memref<4096xf32, #tpu.memory_space<vmem>>[vector<16xi32>], vector<16xf32>,
    %add3A_1325 = arith.addf %add3A_1320, %gather3A_1324 : vector<16xf32>
    %add3A_1326 = arith.constant 2311 : i32
    %add3A_1327 = vector.broadcast %add3A_1326 : i32 to vector<16xi32>
    %add3A_1328 = arith.addi %mul3A_5, %add3A_1327 : vector<16xi32>
    %gather3A_1329 = tpu.vector_load_idx %arg5[%add3A_1328] : memref<4096xf32, #tpu.memory_space<vmem>>[vector<16xi32>], vector<16xf32>,
    %add3A_1330 = arith.addf %add3A_1325, %gather3A_1329 : vector<16xf32>
    %add3A_1331 = arith.constant 2312 : i32
    %add3A_1332 = vector.broadcast %add3A_1331 : i32 to vector<16xi32>
    %add3A_1333 = arith.addi %mul3A_5, %add3A_1332 : vector<16xi32>
    %gather3A_1334 = tpu.vector_load_idx %arg5[%add3A_1333] : memref<4096xf32, #tpu.memory_space<vmem>>[vector<16xi32>], vector<16xf32>,
    %add3A_1335 = arith.addf %add3A_1330, %gather3A_1334 : vector<16xf32>
    %add3A_1336 = arith.constant 2313 : i32
    %add3A_1337 = vector.broadcast %add3A_1336 : i32 to vector<16xi32>
    %add3A_1338 = arith.addi %mul3A_5, %add3A_1337 : vector<16xi32>
    %gather3A_1339 = tpu.vector_load_idx %arg5[%add3A_1338] : memref<4096xf32, #tpu.memory_space<vmem>>[vector<16xi32>], vector<16xf32>,
    %add3A_1340 = arith.addf %add3A_1335, %gather3A_1339 : vector<16xf32>
    %add3A_1341 = arith.constant 2314 : i32
    %add3A_1342 = vector.broadcast %add3A_1341 : i32 to vector<16xi32>
    %add3A_1343 = arith.addi %mul3A_5, %add3A_1342 : vector<16xi32>
    %gather3A_1344 = tpu.vector_load_idx %arg5[%add3A_1343] : memref<4096xf32, #tpu.memory_space<vmem>>[vector<16xi32>], vector<16xf32>,
    %add3A_1345 = arith.addf %add3A_1340, %gather3A_1344 : vector<16xf32>
    %add3A_1346 = arith.constant 2315 : i32
    %add3A_1347 = vector.broadcast %add3A_1346 : i32 to vector<16xi32>
    %add3A_1348 = arith.addi %mul3A_5, %add3A_1347 : vector<16xi32>
    %gather3A_1349 = tpu.vector_load_idx %arg5[%add3A_1348] : memref<4096xf32, #tpu.memory_space<vmem>>[vector<16xi32>], vector<16xf32>,
    %add3A_1350 = arith.addf %add3A_1345, %gather3A_1349 : vector<16xf32>
    %add3A_1351 = arith.constant 2316 : i32
    %add3A_1352 = vector.broadcast %add3A_1351 : i32 to vector<16xi32>
    %add3A_1353 = arith.addi %mul3A_5, %add3A_1352 : vector<16xi32>
    %gather3A_1354 = tpu.vector_load_idx %arg5[%add3A_1353] : memref<4096xf32, #tpu.memory_space<vmem>>[vector<16xi32>], vector<16xf32>,
    %add3A_1355 = arith.addf %add3A_1350, %gather3A_1354 : vector<16xf32>
    %add3A_1356 = arith.constant 2317 : i32
    %add3A_1357 = vector.broadcast %add3A_1356 : i32 to vector<16xi32>
    %add3A_1358 = arith.addi %mul3A_5, %add3A_1357 : vector<16xi32>
    %gather3A_1359 = tpu.vector_load_idx %arg5[%add3A_1358] : memref<4096xf32, #tpu.memory_space<vmem>>[vector<16xi32>], vector<16xf32>,
    %add3A_1360 = arith.addf %add3A_1355, %gather3A_1359 : vector<16xf32>
    %add3A_1361 = arith.constant 2318 : i32
    %add3A_1362 = vector.broadcast %add3A_1361 : i32 to vector<16xi32>
    %add3A_1363 = arith.addi %mul3A_5, %add3A_1362 : vector<16xi32>
    %gather3A_1364 = tpu.vector_load_idx %arg5[%add3A_1363] : memref<4096xf32, #tpu.memory_space<vmem>>[vector<16xi32>], vector<16xf32>,
    %add3A_1365 = arith.addf %add3A_1360, %gather3A_1364 : vector<16xf32>
    %add3A_1366 = arith.constant 2319 : i32
    %add3A_1367 = vector.broadcast %add3A_1366 : i32 to vector<16xi32>
    %add3A_1368 = arith.addi %mul3A_5, %add3A_1367 : vector<16xi32>
    %gather3A_1369 = tpu.vector_load_idx %arg5[%add3A_1368] : memref<4096xf32, #tpu.memory_space<vmem>>[vector<16xi32>], vector<16xf32>,
    %add3A_1370 = arith.addf %add3A_1365, %gather3A_1369 : vector<16xf32>
    %swap3A_1371 = arith.constant 144 : index
    %swap3A_1372 = tpu.vector_load %arg6[%swap3A_1371] {strides = array<i32>} : memref<256xf32, #tpu.memory_space<vmem>>, vector<16xf32>,
    tpu.vector_store %arg6[%swap3A_1371], %add3A_1370 {strides = array<i32>} : memref<256xf32, #tpu.memory_space<vmem>>, vector<16xf32>,
    %add3A_1373 = arith.constant 2560 : i32
    %add3A_1374 = vector.broadcast %add3A_1373 : i32 to vector<16xi32>
    %add3A_1375 = arith.addi %mul3A_5, %add3A_1374 : vector<16xi32>
    %gather3A_1376 = tpu.vector_load_idx %arg5[%add3A_1375] : memref<4096xf32, #tpu.memory_space<vmem>>[vector<16xi32>], vector<16xf32>,
    %add3A_1377 = arith.addf %broadcast_in_dim3A_8, %gather3A_1376 : vector<16xf32>
    %add3A_1378 = arith.constant 2561 : i32
    %add3A_1379 = vector.broadcast %add3A_1378 : i32 to vector<16xi32>
    %add3A_1380 = arith.addi %mul3A_5, %add3A_1379 : vector<16xi32>
    %gather3A_1381 = tpu.vector_load_idx %arg5[%add3A_1380] : memref<4096xf32, #tpu.memory_space<vmem>>[vector<16xi32>], vector<16xf32>,
    %add3A_1382 = arith.addf %add3A_1377, %gather3A_1381 : vector<16xf32>
    %add3A_1383 = arith.constant 2562 : i32
    %add3A_1384 = vector.broadcast %add3A_1383 : i32 to vector<16xi32>
    %add3A_1385 = arith.addi %mul3A_5, %add3A_1384 : vector<16xi32>
    %gather3A_1386 = tpu.vector_load_idx %arg5[%add3A_1385] : memref<4096xf32, #tpu.memory_space<vmem>>[vector<16xi32>], vector<16xf32>,
    %add3A_1387 = arith.addf %add3A_1382, %gather3A_1386 : vector<16xf32>
    %add3A_1388 = arith.constant 2563 : i32
    %add3A_1389 = vector.broadcast %add3A_1388 : i32 to vector<16xi32>
    %add3A_1390 = arith.addi %mul3A_5, %add3A_1389 : vector<16xi32>
    %gather3A_1391 = tpu.vector_load_idx %arg5[%add3A_1390] : memref<4096xf32, #tpu.memory_space<vmem>>[vector<16xi32>], vector<16xf32>,
    %add3A_1392 = arith.addf %add3A_1387, %gather3A_1391 : vector<16xf32>
    %add3A_1393 = arith.constant 2564 : i32
    %add3A_1394 = vector.broadcast %add3A_1393 : i32 to vector<16xi32>
    %add3A_1395 = arith.addi %mul3A_5, %add3A_1394 : vector<16xi32>
    %gather3A_1396 = tpu.vector_load_idx %arg5[%add3A_1395] : memref<4096xf32, #tpu.memory_space<vmem>>[vector<16xi32>], vector<16xf32>,
    %add3A_1397 = arith.addf %add3A_1392, %gather3A_1396 : vector<16xf32>
    %add3A_1398 = arith.constant 2565 : i32
    %add3A_1399 = vector.broadcast %add3A_1398 : i32 to vector<16xi32>
    %add3A_1400 = arith.addi %mul3A_5, %add3A_1399 : vector<16xi32>
    %gather3A_1401 = tpu.vector_load_idx %arg5[%add3A_1400] : memref<4096xf32, #tpu.memory_space<vmem>>[vector<16xi32>], vector<16xf32>,
    %add3A_1402 = arith.addf %add3A_1397, %gather3A_1401 : vector<16xf32>
    %add3A_1403 = arith.constant 2566 : i32
    %add3A_1404 = vector.broadcast %add3A_1403 : i32 to vector<16xi32>
    %add3A_1405 = arith.addi %mul3A_5, %add3A_1404 : vector<16xi32>
    %gather3A_1406 = tpu.vector_load_idx %arg5[%add3A_1405] : memref<4096xf32, #tpu.memory_space<vmem>>[vector<16xi32>], vector<16xf32>,
    %add3A_1407 = arith.addf %add3A_1402, %gather3A_1406 : vector<16xf32>
    %add3A_1408 = arith.constant 2567 : i32
    %add3A_1409 = vector.broadcast %add3A_1408 : i32 to vector<16xi32>
    %add3A_1410 = arith.addi %mul3A_5, %add3A_1409 : vector<16xi32>
    %gather3A_1411 = tpu.vector_load_idx %arg5[%add3A_1410] : memref<4096xf32, #tpu.memory_space<vmem>>[vector<16xi32>], vector<16xf32>,
    %add3A_1412 = arith.addf %add3A_1407, %gather3A_1411 : vector<16xf32>
    %add3A_1413 = arith.constant 2568 : i32
    %add3A_1414 = vector.broadcast %add3A_1413 : i32 to vector<16xi32>
    %add3A_1415 = arith.addi %mul3A_5, %add3A_1414 : vector<16xi32>
    %gather3A_1416 = tpu.vector_load_idx %arg5[%add3A_1415] : memref<4096xf32, #tpu.memory_space<vmem>>[vector<16xi32>], vector<16xf32>,
    %add3A_1417 = arith.addf %add3A_1412, %gather3A_1416 : vector<16xf32>
    %add3A_1418 = arith.constant 2569 : i32
    %add3A_1419 = vector.broadcast %add3A_1418 : i32 to vector<16xi32>
    %add3A_1420 = arith.addi %mul3A_5, %add3A_1419 : vector<16xi32>
    %gather3A_1421 = tpu.vector_load_idx %arg5[%add3A_1420] : memref<4096xf32, #tpu.memory_space<vmem>>[vector<16xi32>], vector<16xf32>,
    %add3A_1422 = arith.addf %add3A_1417, %gather3A_1421 : vector<16xf32>
    %add3A_1423 = arith.constant 2570 : i32
    %add3A_1424 = vector.broadcast %add3A_1423 : i32 to vector<16xi32>
    %add3A_1425 = arith.addi %mul3A_5, %add3A_1424 : vector<16xi32>
    %gather3A_1426 = tpu.vector_load_idx %arg5[%add3A_1425] : memref<4096xf32, #tpu.memory_space<vmem>>[vector<16xi32>], vector<16xf32>,
    %add3A_1427 = arith.addf %add3A_1422, %gather3A_1426 : vector<16xf32>
    %add3A_1428 = arith.constant 2571 : i32
    %add3A_1429 = vector.broadcast %add3A_1428 : i32 to vector<16xi32>
    %add3A_1430 = arith.addi %mul3A_5, %add3A_1429 : vector<16xi32>
    %gather3A_1431 = tpu.vector_load_idx %arg5[%add3A_1430] : memref<4096xf32, #tpu.memory_space<vmem>>[vector<16xi32>], vector<16xf32>,
    %add3A_1432 = arith.addf %add3A_1427, %gather3A_1431 : vector<16xf32>
    %add3A_1433 = arith.constant 2572 : i32
    %add3A_1434 = vector.broadcast %add3A_1433 : i32 to vector<16xi32>
    %add3A_1435 = arith.addi %mul3A_5, %add3A_1434 : vector<16xi32>
    %gather3A_1436 = tpu.vector_load_idx %arg5[%add3A_1435] : memref<4096xf32, #tpu.memory_space<vmem>>[vector<16xi32>], vector<16xf32>,
    %add3A_1437 = arith.addf %add3A_1432, %gather3A_1436 : vector<16xf32>
    %add3A_1438 = arith.constant 2573 : i32
    %add3A_1439 = vector.broadcast %add3A_1438 : i32 to vector<16xi32>
    %add3A_1440 = arith.addi %mul3A_5, %add3A_1439 : vector<16xi32>
    %gather3A_1441 = tpu.vector_load_idx %arg5[%add3A_1440] : memref<4096xf32, #tpu.memory_space<vmem>>[vector<16xi32>], vector<16xf32>,
    %add3A_1442 = arith.addf %add3A_1437, %gather3A_1441 : vector<16xf32>
    %add3A_1443 = arith.constant 2574 : i32
    %add3A_1444 = vector.broadcast %add3A_1443 : i32 to vector<16xi32>
    %add3A_1445 = arith.addi %mul3A_5, %add3A_1444 : vector<16xi32>
    %gather3A_1446 = tpu.vector_load_idx %arg5[%add3A_1445] : memref<4096xf32, #tpu.memory_space<vmem>>[vector<16xi32>], vector<16xf32>,
    %add3A_1447 = arith.addf %add3A_1442, %gather3A_1446 : vector<16xf32>
    %add3A_1448 = arith.constant 2575 : i32
    %add3A_1449 = vector.broadcast %add3A_1448 : i32 to vector<16xi32>
    %add3A_1450 = arith.addi %mul3A_5, %add3A_1449 : vector<16xi32>
    %gather3A_1451 = tpu.vector_load_idx %arg5[%add3A_1450] : memref<4096xf32, #tpu.memory_space<vmem>>[vector<16xi32>], vector<16xf32>,
    %add3A_1452 = arith.addf %add3A_1447, %gather3A_1451 : vector<16xf32>
    %swap3A_1453 = arith.constant 160 : index
    %swap3A_1454 = tpu.vector_load %arg6[%swap3A_1453] {strides = array<i32>} : memref<256xf32, #tpu.memory_space<vmem>>, vector<16xf32>,
    tpu.vector_store %arg6[%swap3A_1453], %add3A_1452 {strides = array<i32>} : memref<256xf32, #tpu.memory_space<vmem>>, vector<16xf32>,
    %add3A_1455 = arith.constant 2816 : i32
    %add3A_1456 = vector.broadcast %add3A_1455 : i32 to vector<16xi32>
    %add3A_1457 = arith.addi %mul3A_5, %add3A_1456 : vector<16xi32>
    %gather3A_1458 = tpu.vector_load_idx %arg5[%add3A_1457] : memref<4096xf32, #tpu.memory_space<vmem>>[vector<16xi32>], vector<16xf32>,
    %add3A_1459 = arith.addf %broadcast_in_dim3A_8, %gather3A_1458 : vector<16xf32>
    %add3A_1460 = arith.constant 2817 : i32
    %add3A_1461 = vector.broadcast %add3A_1460 : i32 to vector<16xi32>
    %add3A_1462 = arith.addi %mul3A_5, %add3A_1461 : vector<16xi32>
    %gather3A_1463 = tpu.vector_load_idx %arg5[%add3A_1462] : memref<4096xf32, #tpu.memory_space<vmem>>[vector<16xi32>], vector<16xf32>,
    %add3A_1464 = arith.addf %add3A_1459, %gather3A_1463 : vector<16xf32>
    %add3A_1465 = arith.constant 2818 : i32
    %add3A_1466 = vector.broadcast %add3A_1465 : i32 to vector<16xi32>
    %add3A_1467 = arith.addi %mul3A_5, %add3A_1466 : vector<16xi32>
    %gather3A_1468 = tpu.vector_load_idx %arg5[%add3A_1467] : memref<4096xf32, #tpu.memory_space<vmem>>[vector<16xi32>], vector<16xf32>,
    %add3A_1469 = arith.addf %add3A_1464, %gather3A_1468 : vector<16xf32>
    %add3A_1470 = arith.constant 2819 : i32
    %add3A_1471 = vector.broadcast %add3A_1470 : i32 to vector<16xi32>
    %add3A_1472 = arith.addi %mul3A_5, %add3A_1471 : vector<16xi32>
    %gather3A_1473 = tpu.vector_load_idx %arg5[%add3A_1472] : memref<4096xf32, #tpu.memory_space<vmem>>[vector<16xi32>], vector<16xf32>,
    %add3A_1474 = arith.addf %add3A_1469, %gather3A_1473 : vector<16xf32>
    %add3A_1475 = arith.constant 2820 : i32
    %add3A_1476 = vector.broadcast %add3A_1475 : i32 to vector<16xi32>
    %add3A_1477 = arith.addi %mul3A_5, %add3A_1476 : vector<16xi32>
    %gather3A_1478 = tpu.vector_load_idx %arg5[%add3A_1477] : memref<4096xf32, #tpu.memory_space<vmem>>[vector<16xi32>], vector<16xf32>,
    %add3A_1479 = arith.addf %add3A_1474, %gather3A_1478 : vector<16xf32>
    %add3A_1480 = arith.constant 2821 : i32
    %add3A_1481 = vector.broadcast %add3A_1480 : i32 to vector<16xi32>
    %add3A_1482 = arith.addi %mul3A_5, %add3A_1481 : vector<16xi32>
    %gather3A_1483 = tpu.vector_load_idx %arg5[%add3A_1482] : memref<4096xf32, #tpu.memory_space<vmem>>[vector<16xi32>], vector<16xf32>,
    %add3A_1484 = arith.addf %add3A_1479, %gather3A_1483 : vector<16xf32>
    %add3A_1485 = arith.constant 2822 : i32
    %add3A_1486 = vector.broadcast %add3A_1485 : i32 to vector<16xi32>
    %add3A_1487 = arith.addi %mul3A_5, %add3A_1486 : vector<16xi32>
    %gather3A_1488 = tpu.vector_load_idx %arg5[%add3A_1487] : memref<4096xf32, #tpu.memory_space<vmem>>[vector<16xi32>], vector<16xf32>,
    %add3A_1489 = arith.addf %add3A_1484, %gather3A_1488 : vector<16xf32>
    %add3A_1490 = arith.constant 2823 : i32
    %add3A_1491 = vector.broadcast %add3A_1490 : i32 to vector<16xi32>
    %add3A_1492 = arith.addi %mul3A_5, %add3A_1491 : vector<16xi32>
    %gather3A_1493 = tpu.vector_load_idx %arg5[%add3A_1492] : memref<4096xf32, #tpu.memory_space<vmem>>[vector<16xi32>], vector<16xf32>,
    %add3A_1494 = arith.addf %add3A_1489, %gather3A_1493 : vector<16xf32>
    %add3A_1495 = arith.constant 2824 : i32
    %add3A_1496 = vector.broadcast %add3A_1495 : i32 to vector<16xi32>
    %add3A_1497 = arith.addi %mul3A_5, %add3A_1496 : vector<16xi32>
    %gather3A_1498 = tpu.vector_load_idx %arg5[%add3A_1497] : memref<4096xf32, #tpu.memory_space<vmem>>[vector<16xi32>], vector<16xf32>,
    %add3A_1499 = arith.addf %add3A_1494, %gather3A_1498 : vector<16xf32>
    %add3A_1500 = arith.constant 2825 : i32
    %add3A_1501 = vector.broadcast %add3A_1500 : i32 to vector<16xi32>
    %add3A_1502 = arith.addi %mul3A_5, %add3A_1501 : vector<16xi32>
    %gather3A_1503 = tpu.vector_load_idx %arg5[%add3A_1502] : memref<4096xf32, #tpu.memory_space<vmem>>[vector<16xi32>], vector<16xf32>,
    %add3A_1504 = arith.addf %add3A_1499, %gather3A_1503 : vector<16xf32>
    %add3A_1505 = arith.constant 2826 : i32
    %add3A_1506 = vector.broadcast %add3A_1505 : i32 to vector<16xi32>
    %add3A_1507 = arith.addi %mul3A_5, %add3A_1506 : vector<16xi32>
    %gather3A_1508 = tpu.vector_load_idx %arg5[%add3A_1507] : memref<4096xf32, #tpu.memory_space<vmem>>[vector<16xi32>], vector<16xf32>,
    %add3A_1509 = arith.addf %add3A_1504, %gather3A_1508 : vector<16xf32>
    %add3A_1510 = arith.constant 2827 : i32
    %add3A_1511 = vector.broadcast %add3A_1510 : i32 to vector<16xi32>
    %add3A_1512 = arith.addi %mul3A_5, %add3A_1511 : vector<16xi32>
    %gather3A_1513 = tpu.vector_load_idx %arg5[%add3A_1512] : memref<4096xf32, #tpu.memory_space<vmem>>[vector<16xi32>], vector<16xf32>,
    %add3A_1514 = arith.addf %add3A_1509, %gather3A_1513 : vector<16xf32>
    %add3A_1515 = arith.constant 2828 : i32
    %add3A_1516 = vector.broadcast %add3A_1515 : i32 to vector<16xi32>
    %add3A_1517 = arith.addi %mul3A_5, %add3A_1516 : vector<16xi32>
    %gather3A_1518 = tpu.vector_load_idx %arg5[%add3A_1517] : memref<4096xf32, #tpu.memory_space<vmem>>[vector<16xi32>], vector<16xf32>,
    %add3A_1519 = arith.addf %add3A_1514, %gather3A_1518 : vector<16xf32>
    %add3A_1520 = arith.constant 2829 : i32
    %add3A_1521 = vector.broadcast %add3A_1520 : i32 to vector<16xi32>
    %add3A_1522 = arith.addi %mul3A_5, %add3A_1521 : vector<16xi32>
    %gather3A_1523 = tpu.vector_load_idx %arg5[%add3A_1522] : memref<4096xf32, #tpu.memory_space<vmem>>[vector<16xi32>], vector<16xf32>,
    %add3A_1524 = arith.addf %add3A_1519, %gather3A_1523 : vector<16xf32>
    %add3A_1525 = arith.constant 2830 : i32
    %add3A_1526 = vector.broadcast %add3A_1525 : i32 to vector<16xi32>
    %add3A_1527 = arith.addi %mul3A_5, %add3A_1526 : vector<16xi32>
    %gather3A_1528 = tpu.vector_load_idx %arg5[%add3A_1527] : memref<4096xf32, #tpu.memory_space<vmem>>[vector<16xi32>], vector<16xf32>,
    %add3A_1529 = arith.addf %add3A_1524, %gather3A_1528 : vector<16xf32>
    %add3A_1530 = arith.constant 2831 : i32
    %add3A_1531 = vector.broadcast %add3A_1530 : i32 to vector<16xi32>
    %add3A_1532 = arith.addi %mul3A_5, %add3A_1531 : vector<16xi32>
    %gather3A_1533 = tpu.vector_load_idx %arg5[%add3A_1532] : memref<4096xf32, #tpu.memory_space<vmem>>[vector<16xi32>], vector<16xf32>,
    %add3A_1534 = arith.addf %add3A_1529, %gather3A_1533 : vector<16xf32>
    %swap3A_1535 = arith.constant 176 : index
    %swap3A_1536 = tpu.vector_load %arg6[%swap3A_1535] {strides = array<i32>} : memref<256xf32, #tpu.memory_space<vmem>>, vector<16xf32>,
    tpu.vector_store %arg6[%swap3A_1535], %add3A_1534 {strides = array<i32>} : memref<256xf32, #tpu.memory_space<vmem>>, vector<16xf32>,
    %add3A_1537 = arith.constant 3072 : i32
    %add3A_1538 = vector.broadcast %add3A_1537 : i32 to vector<16xi32>
    %add3A_1539 = arith.addi %mul3A_5, %add3A_1538 : vector<16xi32>
    %gather3A_1540 = tpu.vector_load_idx %arg5[%add3A_1539] : memref<4096xf32, #tpu.memory_space<vmem>>[vector<16xi32>], vector<16xf32>,
    %add3A_1541 = arith.addf %broadcast_in_dim3A_8, %gather3A_1540 : vector<16xf32>
    %add3A_1542 = arith.constant 3073 : i32
    %add3A_1543 = vector.broadcast %add3A_1542 : i32 to vector<16xi32>
    %add3A_1544 = arith.addi %mul3A_5, %add3A_1543 : vector<16xi32>
    %gather3A_1545 = tpu.vector_load_idx %arg5[%add3A_1544] : memref<4096xf32, #tpu.memory_space<vmem>>[vector<16xi32>], vector<16xf32>,
    %add3A_1546 = arith.addf %add3A_1541, %gather3A_1545 : vector<16xf32>
    %add3A_1547 = arith.constant 3074 : i32
    %add3A_1548 = vector.broadcast %add3A_1547 : i32 to vector<16xi32>
    %add3A_1549 = arith.addi %mul3A_5, %add3A_1548 : vector<16xi32>
    %gather3A_1550 = tpu.vector_load_idx %arg5[%add3A_1549] : memref<4096xf32, #tpu.memory_space<vmem>>[vector<16xi32>], vector<16xf32>,
    %add3A_1551 = arith.addf %add3A_1546, %gather3A_1550 : vector<16xf32>
    %add3A_1552 = arith.constant 3075 : i32
    %add3A_1553 = vector.broadcast %add3A_1552 : i32 to vector<16xi32>
    %add3A_1554 = arith.addi %mul3A_5, %add3A_1553 : vector<16xi32>
    %gather3A_1555 = tpu.vector_load_idx %arg5[%add3A_1554] : memref<4096xf32, #tpu.memory_space<vmem>>[vector<16xi32>], vector<16xf32>,
    %add3A_1556 = arith.addf %add3A_1551, %gather3A_1555 : vector<16xf32>
    %add3A_1557 = arith.constant 3076 : i32
    %add3A_1558 = vector.broadcast %add3A_1557 : i32 to vector<16xi32>
    %add3A_1559 = arith.addi %mul3A_5, %add3A_1558 : vector<16xi32>
    %gather3A_1560 = tpu.vector_load_idx %arg5[%add3A_1559] : memref<4096xf32, #tpu.memory_space<vmem>>[vector<16xi32>], vector<16xf32>,
    %add3A_1561 = arith.addf %add3A_1556, %gather3A_1560 : vector<16xf32>
    %add3A_1562 = arith.constant 3077 : i32
    %add3A_1563 = vector.broadcast %add3A_1562 : i32 to vector<16xi32>
    %add3A_1564 = arith.addi %mul3A_5, %add3A_1563 : vector<16xi32>
    %gather3A_1565 = tpu.vector_load_idx %arg5[%add3A_1564] : memref<4096xf32, #tpu.memory_space<vmem>>[vector<16xi32>], vector<16xf32>,
    %add3A_1566 = arith.addf %add3A_1561, %gather3A_1565 : vector<16xf32>
    %add3A_1567 = arith.constant 3078 : i32
    %add3A_1568 = vector.broadcast %add3A_1567 : i32 to vector<16xi32>
    %add3A_1569 = arith.addi %mul3A_5, %add3A_1568 : vector<16xi32>
    %gather3A_1570 = tpu.vector_load_idx %arg5[%add3A_1569] : memref<4096xf32, #tpu.memory_space<vmem>>[vector<16xi32>], vector<16xf32>,
    %add3A_1571 = arith.addf %add3A_1566, %gather3A_1570 : vector<16xf32>
    %add3A_1572 = arith.constant 3079 : i32
    %add3A_1573 = vector.broadcast %add3A_1572 : i32 to vector<16xi32>
    %add3A_1574 = arith.addi %mul3A_5, %add3A_1573 : vector<16xi32>
    %gather3A_1575 = tpu.vector_load_idx %arg5[%add3A_1574] : memref<4096xf32, #tpu.memory_space<vmem>>[vector<16xi32>], vector<16xf32>,
    %add3A_1576 = arith.addf %add3A_1571, %gather3A_1575 : vector<16xf32>
    %add3A_1577 = arith.constant 3080 : i32
    %add3A_1578 = vector.broadcast %add3A_1577 : i32 to vector<16xi32>
    %add3A_1579 = arith.addi %mul3A_5, %add3A_1578 : vector<16xi32>
    %gather3A_1580 = tpu.vector_load_idx %arg5[%add3A_1579] : memref<4096xf32, #tpu.memory_space<vmem>>[vector<16xi32>], vector<16xf32>,
    %add3A_1581 = arith.addf %add3A_1576, %gather3A_1580 : vector<16xf32>
    %add3A_1582 = arith.constant 3081 : i32
    %add3A_1583 = vector.broadcast %add3A_1582 : i32 to vector<16xi32>
    %add3A_1584 = arith.addi %mul3A_5, %add3A_1583 : vector<16xi32>
    %gather3A_1585 = tpu.vector_load_idx %arg5[%add3A_1584] : memref<4096xf32, #tpu.memory_space<vmem>>[vector<16xi32>], vector<16xf32>,
    %add3A_1586 = arith.addf %add3A_1581, %gather3A_1585 : vector<16xf32>
    %add3A_1587 = arith.constant 3082 : i32
    %add3A_1588 = vector.broadcast %add3A_1587 : i32 to vector<16xi32>
    %add3A_1589 = arith.addi %mul3A_5, %add3A_1588 : vector<16xi32>
    %gather3A_1590 = tpu.vector_load_idx %arg5[%add3A_1589] : memref<4096xf32, #tpu.memory_space<vmem>>[vector<16xi32>], vector<16xf32>,
    %add3A_1591 = arith.addf %add3A_1586, %gather3A_1590 : vector<16xf32>
    %add3A_1592 = arith.constant 3083 : i32
    %add3A_1593 = vector.broadcast %add3A_1592 : i32 to vector<16xi32>
    %add3A_1594 = arith.addi %mul3A_5, %add3A_1593 : vector<16xi32>
    %gather3A_1595 = tpu.vector_load_idx %arg5[%add3A_1594] : memref<4096xf32, #tpu.memory_space<vmem>>[vector<16xi32>], vector<16xf32>,
    %add3A_1596 = arith.addf %add3A_1591, %gather3A_1595 : vector<16xf32>
    %add3A_1597 = arith.constant 3084 : i32
    %add3A_1598 = vector.broadcast %add3A_1597 : i32 to vector<16xi32>
    %add3A_1599 = arith.addi %mul3A_5, %add3A_1598 : vector<16xi32>
    %gather3A_1600 = tpu.vector_load_idx %arg5[%add3A_1599] : memref<4096xf32, #tpu.memory_space<vmem>>[vector<16xi32>], vector<16xf32>,
    %add3A_1601 = arith.addf %add3A_1596, %gather3A_1600 : vector<16xf32>
    %add3A_1602 = arith.constant 3085 : i32
    %add3A_1603 = vector.broadcast %add3A_1602 : i32 to vector<16xi32>
    %add3A_1604 = arith.addi %mul3A_5, %add3A_1603 : vector<16xi32>
    %gather3A_1605 = tpu.vector_load_idx %arg5[%add3A_1604] : memref<4096xf32, #tpu.memory_space<vmem>>[vector<16xi32>], vector<16xf32>,
    %add3A_1606 = arith.addf %add3A_1601, %gather3A_1605 : vector<16xf32>
    %add3A_1607 = arith.constant 3086 : i32
    %add3A_1608 = vector.broadcast %add3A_1607 : i32 to vector<16xi32>
    %add3A_1609 = arith.addi %mul3A_5, %add3A_1608 : vector<16xi32>
    %gather3A_1610 = tpu.vector_load_idx %arg5[%add3A_1609] : memref<4096xf32, #tpu.memory_space<vmem>>[vector<16xi32>], vector<16xf32>,
    %add3A_1611 = arith.addf %add3A_1606, %gather3A_1610 : vector<16xf32>
    %add3A_1612 = arith.constant 3087 : i32
    %add3A_1613 = vector.broadcast %add3A_1612 : i32 to vector<16xi32>
    %add3A_1614 = arith.addi %mul3A_5, %add3A_1613 : vector<16xi32>
    %gather3A_1615 = tpu.vector_load_idx %arg5[%add3A_1614] : memref<4096xf32, #tpu.memory_space<vmem>>[vector<16xi32>], vector<16xf32>,
    %add3A_1616 = arith.addf %add3A_1611, %gather3A_1615 : vector<16xf32>
    %swap3A_1617 = arith.constant 192 : index
    %swap3A_1618 = tpu.vector_load %arg6[%swap3A_1617] {strides = array<i32>} : memref<256xf32, #tpu.memory_space<vmem>>, vector<16xf32>,
    tpu.vector_store %arg6[%swap3A_1617], %add3A_1616 {strides = array<i32>} : memref<256xf32, #tpu.memory_space<vmem>>, vector<16xf32>,
    %add3A_1619 = arith.constant 3328 : i32
    %add3A_1620 = vector.broadcast %add3A_1619 : i32 to vector<16xi32>
    %add3A_1621 = arith.addi %mul3A_5, %add3A_1620 : vector<16xi32>
    %gather3A_1622 = tpu.vector_load_idx %arg5[%add3A_1621] : memref<4096xf32, #tpu.memory_space<vmem>>[vector<16xi32>], vector<16xf32>,
    %add3A_1623 = arith.addf %broadcast_in_dim3A_8, %gather3A_1622 : vector<16xf32>
    %add3A_1624 = arith.constant 3329 : i32
    %add3A_1625 = vector.broadcast %add3A_1624 : i32 to vector<16xi32>
    %add3A_1626 = arith.addi %mul3A_5, %add3A_1625 : vector<16xi32>
    %gather3A_1627 = tpu.vector_load_idx %arg5[%add3A_1626] : memref<4096xf32, #tpu.memory_space<vmem>>[vector<16xi32>], vector<16xf32>,
    %add3A_1628 = arith.addf %add3A_1623, %gather3A_1627 : vector<16xf32>
    %add3A_1629 = arith.constant 3330 : i32
    %add3A_1630 = vector.broadcast %add3A_1629 : i32 to vector<16xi32>
    %add3A_1631 = arith.addi %mul3A_5, %add3A_1630 : vector<16xi32>
    %gather3A_1632 = tpu.vector_load_idx %arg5[%add3A_1631] : memref<4096xf32, #tpu.memory_space<vmem>>[vector<16xi32>], vector<16xf32>,
    %add3A_1633 = arith.addf %add3A_1628, %gather3A_1632 : vector<16xf32>
    %add3A_1634 = arith.constant 3331 : i32
    %add3A_1635 = vector.broadcast %add3A_1634 : i32 to vector<16xi32>
    %add3A_1636 = arith.addi %mul3A_5, %add3A_1635 : vector<16xi32>
    %gather3A_1637 = tpu.vector_load_idx %arg5[%add3A_1636] : memref<4096xf32, #tpu.memory_space<vmem>>[vector<16xi32>], vector<16xf32>,
    %add3A_1638 = arith.addf %add3A_1633, %gather3A_1637 : vector<16xf32>
    %add3A_1639 = arith.constant 3332 : i32
    %add3A_1640 = vector.broadcast %add3A_1639 : i32 to vector<16xi32>
    %add3A_1641 = arith.addi %mul3A_5, %add3A_1640 : vector<16xi32>
    %gather3A_1642 = tpu.vector_load_idx %arg5[%add3A_1641] : memref<4096xf32, #tpu.memory_space<vmem>>[vector<16xi32>], vector<16xf32>,
    %add3A_1643 = arith.addf %add3A_1638, %gather3A_1642 : vector<16xf32>
    %add3A_1644 = arith.constant 3333 : i32
    %add3A_1645 = vector.broadcast %add3A_1644 : i32 to vector<16xi32>
    %add3A_1646 = arith.addi %mul3A_5, %add3A_1645 : vector<16xi32>
    %gather3A_1647 = tpu.vector_load_idx %arg5[%add3A_1646] : memref<4096xf32, #tpu.memory_space<vmem>>[vector<16xi32>], vector<16xf32>,
    %add3A_1648 = arith.addf %add3A_1643, %gather3A_1647 : vector<16xf32>
    %add3A_1649 = arith.constant 3334 : i32
    %add3A_1650 = vector.broadcast %add3A_1649 : i32 to vector<16xi32>
    %add3A_1651 = arith.addi %mul3A_5, %add3A_1650 : vector<16xi32>
    %gather3A_1652 = tpu.vector_load_idx %arg5[%add3A_1651] : memref<4096xf32, #tpu.memory_space<vmem>>[vector<16xi32>], vector<16xf32>,
    %add3A_1653 = arith.addf %add3A_1648, %gather3A_1652 : vector<16xf32>
    %add3A_1654 = arith.constant 3335 : i32
    %add3A_1655 = vector.broadcast %add3A_1654 : i32 to vector<16xi32>
    %add3A_1656 = arith.addi %mul3A_5, %add3A_1655 : vector<16xi32>
    %gather3A_1657 = tpu.vector_load_idx %arg5[%add3A_1656] : memref<4096xf32, #tpu.memory_space<vmem>>[vector<16xi32>], vector<16xf32>,
    %add3A_1658 = arith.addf %add3A_1653, %gather3A_1657 : vector<16xf32>
    %add3A_1659 = arith.constant 3336 : i32
    %add3A_1660 = vector.broadcast %add3A_1659 : i32 to vector<16xi32>
    %add3A_1661 = arith.addi %mul3A_5, %add3A_1660 : vector<16xi32>
    %gather3A_1662 = tpu.vector_load_idx %arg5[%add3A_1661] : memref<4096xf32, #tpu.memory_space<vmem>>[vector<16xi32>], vector<16xf32>,
    %add3A_1663 = arith.addf %add3A_1658, %gather3A_1662 : vector<16xf32>
    %add3A_1664 = arith.constant 3337 : i32
    %add3A_1665 = vector.broadcast %add3A_1664 : i32 to vector<16xi32>
    %add3A_1666 = arith.addi %mul3A_5, %add3A_1665 : vector<16xi32>
    %gather3A_1667 = tpu.vector_load_idx %arg5[%add3A_1666] : memref<4096xf32, #tpu.memory_space<vmem>>[vector<16xi32>], vector<16xf32>,
    %add3A_1668 = arith.addf %add3A_1663, %gather3A_1667 : vector<16xf32>
    %add3A_1669 = arith.constant 3338 : i32
    %add3A_1670 = vector.broadcast %add3A_1669 : i32 to vector<16xi32>
    %add3A_1671 = arith.addi %mul3A_5, %add3A_1670 : vector<16xi32>
    %gather3A_1672 = tpu.vector_load_idx %arg5[%add3A_1671] : memref<4096xf32, #tpu.memory_space<vmem>>[vector<16xi32>], vector<16xf32>,
    %add3A_1673 = arith.addf %add3A_1668, %gather3A_1672 : vector<16xf32>
    %add3A_1674 = arith.constant 3339 : i32
    %add3A_1675 = vector.broadcast %add3A_1674 : i32 to vector<16xi32>
    %add3A_1676 = arith.addi %mul3A_5, %add3A_1675 : vector<16xi32>
    %gather3A_1677 = tpu.vector_load_idx %arg5[%add3A_1676] : memref<4096xf32, #tpu.memory_space<vmem>>[vector<16xi32>], vector<16xf32>,
    %add3A_1678 = arith.addf %add3A_1673, %gather3A_1677 : vector<16xf32>
    %add3A_1679 = arith.constant 3340 : i32
    %add3A_1680 = vector.broadcast %add3A_1679 : i32 to vector<16xi32>
    %add3A_1681 = arith.addi %mul3A_5, %add3A_1680 : vector<16xi32>
    %gather3A_1682 = tpu.vector_load_idx %arg5[%add3A_1681] : memref<4096xf32, #tpu.memory_space<vmem>>[vector<16xi32>], vector<16xf32>,
    %add3A_1683 = arith.addf %add3A_1678, %gather3A_1682 : vector<16xf32>
    %add3A_1684 = arith.constant 3341 : i32
    %add3A_1685 = vector.broadcast %add3A_1684 : i32 to vector<16xi32>
    %add3A_1686 = arith.addi %mul3A_5, %add3A_1685 : vector<16xi32>
    %gather3A_1687 = tpu.vector_load_idx %arg5[%add3A_1686] : memref<4096xf32, #tpu.memory_space<vmem>>[vector<16xi32>], vector<16xf32>,
    %add3A_1688 = arith.addf %add3A_1683, %gather3A_1687 : vector<16xf32>
    %add3A_1689 = arith.constant 3342 : i32
    %add3A_1690 = vector.broadcast %add3A_1689 : i32 to vector<16xi32>
    %add3A_1691 = arith.addi %mul3A_5, %add3A_1690 : vector<16xi32>
    %gather3A_1692 = tpu.vector_load_idx %arg5[%add3A_1691] : memref<4096xf32, #tpu.memory_space<vmem>>[vector<16xi32>], vector<16xf32>,
    %add3A_1693 = arith.addf %add3A_1688, %gather3A_1692 : vector<16xf32>
    %add3A_1694 = arith.constant 3343 : i32
    %add3A_1695 = vector.broadcast %add3A_1694 : i32 to vector<16xi32>
    %add3A_1696 = arith.addi %mul3A_5, %add3A_1695 : vector<16xi32>
    %gather3A_1697 = tpu.vector_load_idx %arg5[%add3A_1696] : memref<4096xf32, #tpu.memory_space<vmem>>[vector<16xi32>], vector<16xf32>,
    %add3A_1698 = arith.addf %add3A_1693, %gather3A_1697 : vector<16xf32>
    %swap3A_1699 = arith.constant 208 : index
    %swap3A_1700 = tpu.vector_load %arg6[%swap3A_1699] {strides = array<i32>} : memref<256xf32, #tpu.memory_space<vmem>>, vector<16xf32>,
    tpu.vector_store %arg6[%swap3A_1699], %add3A_1698 {strides = array<i32>} : memref<256xf32, #tpu.memory_space<vmem>>, vector<16xf32>,
    %add3A_1701 = arith.constant 3584 : i32
    %add3A_1702 = vector.broadcast %add3A_1701 : i32 to vector<16xi32>
    %add3A_1703 = arith.addi %mul3A_5, %add3A_1702 : vector<16xi32>
    %gather3A_1704 = tpu.vector_load_idx %arg5[%add3A_1703] : memref<4096xf32, #tpu.memory_space<vmem>>[vector<16xi32>], vector<16xf32>,
    %add3A_1705 = arith.addf %broadcast_in_dim3A_8, %gather3A_1704 : vector<16xf32>
    %add3A_1706 = arith.constant 3585 : i32
    %add3A_1707 = vector.broadcast %add3A_1706 : i32 to vector<16xi32>
    %add3A_1708 = arith.addi %mul3A_5, %add3A_1707 : vector<16xi32>
    %gather3A_1709 = tpu.vector_load_idx %arg5[%add3A_1708] : memref<4096xf32, #tpu.memory_space<vmem>>[vector<16xi32>], vector<16xf32>,
    %add3A_1710 = arith.addf %add3A_1705, %gather3A_1709 : vector<16xf32>
    %add3A_1711 = arith.constant 3586 : i32
    %add3A_1712 = vector.broadcast %add3A_1711 : i32 to vector<16xi32>
    %add3A_1713 = arith.addi %mul3A_5, %add3A_1712 : vector<16xi32>
    %gather3A_1714 = tpu.vector_load_idx %arg5[%add3A_1713] : memref<4096xf32, #tpu.memory_space<vmem>>[vector<16xi32>], vector<16xf32>,
    %add3A_1715 = arith.addf %add3A_1710, %gather3A_1714 : vector<16xf32>
    %add3A_1716 = arith.constant 3587 : i32
    %add3A_1717 = vector.broadcast %add3A_1716 : i32 to vector<16xi32>
    %add3A_1718 = arith.addi %mul3A_5, %add3A_1717 : vector<16xi32>
    %gather3A_1719 = tpu.vector_load_idx %arg5[%add3A_1718] : memref<4096xf32, #tpu.memory_space<vmem>>[vector<16xi32>], vector<16xf32>,
    %add3A_1720 = arith.addf %add3A_1715, %gather3A_1719 : vector<16xf32>
    %add3A_1721 = arith.constant 3588 : i32
    %add3A_1722 = vector.broadcast %add3A_1721 : i32 to vector<16xi32>
    %add3A_1723 = arith.addi %mul3A_5, %add3A_1722 : vector<16xi32>
    %gather3A_1724 = tpu.vector_load_idx %arg5[%add3A_1723] : memref<4096xf32, #tpu.memory_space<vmem>>[vector<16xi32>], vector<16xf32>,
    %add3A_1725 = arith.addf %add3A_1720, %gather3A_1724 : vector<16xf32>
    %add3A_1726 = arith.constant 3589 : i32
    %add3A_1727 = vector.broadcast %add3A_1726 : i32 to vector<16xi32>
    %add3A_1728 = arith.addi %mul3A_5, %add3A_1727 : vector<16xi32>
    %gather3A_1729 = tpu.vector_load_idx %arg5[%add3A_1728] : memref<4096xf32, #tpu.memory_space<vmem>>[vector<16xi32>], vector<16xf32>,
    %add3A_1730 = arith.addf %add3A_1725, %gather3A_1729 : vector<16xf32>
    %add3A_1731 = arith.constant 3590 : i32
    %add3A_1732 = vector.broadcast %add3A_1731 : i32 to vector<16xi32>
    %add3A_1733 = arith.addi %mul3A_5, %add3A_1732 : vector<16xi32>
    %gather3A_1734 = tpu.vector_load_idx %arg5[%add3A_1733] : memref<4096xf32, #tpu.memory_space<vmem>>[vector<16xi32>], vector<16xf32>,
    %add3A_1735 = arith.addf %add3A_1730, %gather3A_1734 : vector<16xf32>
    %add3A_1736 = arith.constant 3591 : i32
    %add3A_1737 = vector.broadcast %add3A_1736 : i32 to vector<16xi32>
    %add3A_1738 = arith.addi %mul3A_5, %add3A_1737 : vector<16xi32>
    %gather3A_1739 = tpu.vector_load_idx %arg5[%add3A_1738] : memref<4096xf32, #tpu.memory_space<vmem>>[vector<16xi32>], vector<16xf32>,
    %add3A_1740 = arith.addf %add3A_1735, %gather3A_1739 : vector<16xf32>
    %add3A_1741 = arith.constant 3592 : i32
    %add3A_1742 = vector.broadcast %add3A_1741 : i32 to vector<16xi32>
    %add3A_1743 = arith.addi %mul3A_5, %add3A_1742 : vector<16xi32>
    %gather3A_1744 = tpu.vector_load_idx %arg5[%add3A_1743] : memref<4096xf32, #tpu.memory_space<vmem>>[vector<16xi32>], vector<16xf32>,
    %add3A_1745 = arith.addf %add3A_1740, %gather3A_1744 : vector<16xf32>
    %add3A_1746 = arith.constant 3593 : i32
    %add3A_1747 = vector.broadcast %add3A_1746 : i32 to vector<16xi32>
    %add3A_1748 = arith.addi %mul3A_5, %add3A_1747 : vector<16xi32>
    %gather3A_1749 = tpu.vector_load_idx %arg5[%add3A_1748] : memref<4096xf32, #tpu.memory_space<vmem>>[vector<16xi32>], vector<16xf32>,
    %add3A_1750 = arith.addf %add3A_1745, %gather3A_1749 : vector<16xf32>
    %add3A_1751 = arith.constant 3594 : i32
    %add3A_1752 = vector.broadcast %add3A_1751 : i32 to vector<16xi32>
    %add3A_1753 = arith.addi %mul3A_5, %add3A_1752 : vector<16xi32>
    %gather3A_1754 = tpu.vector_load_idx %arg5[%add3A_1753] : memref<4096xf32, #tpu.memory_space<vmem>>[vector<16xi32>], vector<16xf32>,
    %add3A_1755 = arith.addf %add3A_1750, %gather3A_1754 : vector<16xf32>
    %add3A_1756 = arith.constant 3595 : i32
    %add3A_1757 = vector.broadcast %add3A_1756 : i32 to vector<16xi32>
    %add3A_1758 = arith.addi %mul3A_5, %add3A_1757 : vector<16xi32>
    %gather3A_1759 = tpu.vector_load_idx %arg5[%add3A_1758] : memref<4096xf32, #tpu.memory_space<vmem>>[vector<16xi32>], vector<16xf32>,
    %add3A_1760 = arith.addf %add3A_1755, %gather3A_1759 : vector<16xf32>
    %add3A_1761 = arith.constant 3596 : i32
    %add3A_1762 = vector.broadcast %add3A_1761 : i32 to vector<16xi32>
    %add3A_1763 = arith.addi %mul3A_5, %add3A_1762 : vector<16xi32>
    %gather3A_1764 = tpu.vector_load_idx %arg5[%add3A_1763] : memref<4096xf32, #tpu.memory_space<vmem>>[vector<16xi32>], vector<16xf32>,
    %add3A_1765 = arith.addf %add3A_1760, %gather3A_1764 : vector<16xf32>
    %add3A_1766 = arith.constant 3597 : i32
    %add3A_1767 = vector.broadcast %add3A_1766 : i32 to vector<16xi32>
    %add3A_1768 = arith.addi %mul3A_5, %add3A_1767 : vector<16xi32>
    %gather3A_1769 = tpu.vector_load_idx %arg5[%add3A_1768] : memref<4096xf32, #tpu.memory_space<vmem>>[vector<16xi32>], vector<16xf32>,
    %add3A_1770 = arith.addf %add3A_1765, %gather3A_1769 : vector<16xf32>
    %add3A_1771 = arith.constant 3598 : i32
    %add3A_1772 = vector.broadcast %add3A_1771 : i32 to vector<16xi32>
    %add3A_1773 = arith.addi %mul3A_5, %add3A_1772 : vector<16xi32>
    %gather3A_1774 = tpu.vector_load_idx %arg5[%add3A_1773] : memref<4096xf32, #tpu.memory_space<vmem>>[vector<16xi32>], vector<16xf32>,
    %add3A_1775 = arith.addf %add3A_1770, %gather3A_1774 : vector<16xf32>
    %add3A_1776 = arith.constant 3599 : i32
    %add3A_1777 = vector.broadcast %add3A_1776 : i32 to vector<16xi32>
    %add3A_1778 = arith.addi %mul3A_5, %add3A_1777 : vector<16xi32>
    %gather3A_1779 = tpu.vector_load_idx %arg5[%add3A_1778] : memref<4096xf32, #tpu.memory_space<vmem>>[vector<16xi32>], vector<16xf32>,
    %add3A_1780 = arith.addf %add3A_1775, %gather3A_1779 : vector<16xf32>
    %swap3A_1781 = arith.constant 224 : index
    %swap3A_1782 = tpu.vector_load %arg6[%swap3A_1781] {strides = array<i32>} : memref<256xf32, #tpu.memory_space<vmem>>, vector<16xf32>,
    tpu.vector_store %arg6[%swap3A_1781], %add3A_1780 {strides = array<i32>} : memref<256xf32, #tpu.memory_space<vmem>>, vector<16xf32>,
    %add3A_1783 = arith.constant 3840 : i32
    %add3A_1784 = vector.broadcast %add3A_1783 : i32 to vector<16xi32>
    %add3A_1785 = arith.addi %mul3A_5, %add3A_1784 : vector<16xi32>
    %gather3A_1786 = tpu.vector_load_idx %arg5[%add3A_1785] : memref<4096xf32, #tpu.memory_space<vmem>>[vector<16xi32>], vector<16xf32>,
    %add3A_1787 = arith.addf %broadcast_in_dim3A_8, %gather3A_1786 : vector<16xf32>
    %add3A_1788 = arith.constant 3841 : i32
    %add3A_1789 = vector.broadcast %add3A_1788 : i32 to vector<16xi32>
    %add3A_1790 = arith.addi %mul3A_5, %add3A_1789 : vector<16xi32>
    %gather3A_1791 = tpu.vector_load_idx %arg5[%add3A_1790] : memref<4096xf32, #tpu.memory_space<vmem>>[vector<16xi32>], vector<16xf32>,
    %add3A_1792 = arith.addf %add3A_1787, %gather3A_1791 : vector<16xf32>
    %add3A_1793 = arith.constant 3842 : i32
    %add3A_1794 = vector.broadcast %add3A_1793 : i32 to vector<16xi32>
    %add3A_1795 = arith.addi %mul3A_5, %add3A_1794 : vector<16xi32>
    %gather3A_1796 = tpu.vector_load_idx %arg5[%add3A_1795] : memref<4096xf32, #tpu.memory_space<vmem>>[vector<16xi32>], vector<16xf32>,
    %add3A_1797 = arith.addf %add3A_1792, %gather3A_1796 : vector<16xf32>
    %add3A_1798 = arith.constant 3843 : i32
    %add3A_1799 = vector.broadcast %add3A_1798 : i32 to vector<16xi32>
    %add3A_1800 = arith.addi %mul3A_5, %add3A_1799 : vector<16xi32>
    %gather3A_1801 = tpu.vector_load_idx %arg5[%add3A_1800] : memref<4096xf32, #tpu.memory_space<vmem>>[vector<16xi32>], vector<16xf32>,
    %add3A_1802 = arith.addf %add3A_1797, %gather3A_1801 : vector<16xf32>
    %add3A_1803 = arith.constant 3844 : i32
    %add3A_1804 = vector.broadcast %add3A_1803 : i32 to vector<16xi32>
    %add3A_1805 = arith.addi %mul3A_5, %add3A_1804 : vector<16xi32>
    %gather3A_1806 = tpu.vector_load_idx %arg5[%add3A_1805] : memref<4096xf32, #tpu.memory_space<vmem>>[vector<16xi32>], vector<16xf32>,
    %add3A_1807 = arith.addf %add3A_1802, %gather3A_1806 : vector<16xf32>
    %add3A_1808 = arith.constant 3845 : i32
    %add3A_1809 = vector.broadcast %add3A_1808 : i32 to vector<16xi32>
    %add3A_1810 = arith.addi %mul3A_5, %add3A_1809 : vector<16xi32>
    %gather3A_1811 = tpu.vector_load_idx %arg5[%add3A_1810] : memref<4096xf32, #tpu.memory_space<vmem>>[vector<16xi32>], vector<16xf32>,
    %add3A_1812 = arith.addf %add3A_1807, %gather3A_1811 : vector<16xf32>
    %add3A_1813 = arith.constant 3846 : i32
    %add3A_1814 = vector.broadcast %add3A_1813 : i32 to vector<16xi32>
    %add3A_1815 = arith.addi %mul3A_5, %add3A_1814 : vector<16xi32>
    %gather3A_1816 = tpu.vector_load_idx %arg5[%add3A_1815] : memref<4096xf32, #tpu.memory_space<vmem>>[vector<16xi32>], vector<16xf32>,
    %add3A_1817 = arith.addf %add3A_1812, %gather3A_1816 : vector<16xf32>
    %add3A_1818 = arith.constant 3847 : i32
    %add3A_1819 = vector.broadcast %add3A_1818 : i32 to vector<16xi32>
    %add3A_1820 = arith.addi %mul3A_5, %add3A_1819 : vector<16xi32>
    %gather3A_1821 = tpu.vector_load_idx %arg5[%add3A_1820] : memref<4096xf32, #tpu.memory_space<vmem>>[vector<16xi32>], vector<16xf32>,
    %add3A_1822 = arith.addf %add3A_1817, %gather3A_1821 : vector<16xf32>
    %add3A_1823 = arith.constant 3848 : i32
    %add3A_1824 = vector.broadcast %add3A_1823 : i32 to vector<16xi32>
    %add3A_1825 = arith.addi %mul3A_5, %add3A_1824 : vector<16xi32>
    %gather3A_1826 = tpu.vector_load_idx %arg5[%add3A_1825] : memref<4096xf32, #tpu.memory_space<vmem>>[vector<16xi32>], vector<16xf32>,
    %add3A_1827 = arith.addf %add3A_1822, %gather3A_1826 : vector<16xf32>
    %add3A_1828 = arith.constant 3849 : i32
    %add3A_1829 = vector.broadcast %add3A_1828 : i32 to vector<16xi32>
    %add3A_1830 = arith.addi %mul3A_5, %add3A_1829 : vector<16xi32>
    %gather3A_1831 = tpu.vector_load_idx %arg5[%add3A_1830] : memref<4096xf32, #tpu.memory_space<vmem>>[vector<16xi32>], vector<16xf32>,
    %add3A_1832 = arith.addf %add3A_1827, %gather3A_1831 : vector<16xf32>
    %add3A_1833 = arith.constant 3850 : i32
    %add3A_1834 = vector.broadcast %add3A_1833 : i32 to vector<16xi32>
    %add3A_1835 = arith.addi %mul3A_5, %add3A_1834 : vector<16xi32>
    %gather3A_1836 = tpu.vector_load_idx %arg5[%add3A_1835] : memref<4096xf32, #tpu.memory_space<vmem>>[vector<16xi32>], vector<16xf32>,
    %add3A_1837 = arith.addf %add3A_1832, %gather3A_1836 : vector<16xf32>
    %add3A_1838 = arith.constant 3851 : i32
    %add3A_1839 = vector.broadcast %add3A_1838 : i32 to vector<16xi32>
    %add3A_1840 = arith.addi %mul3A_5, %add3A_1839 : vector<16xi32>
    %gather3A_1841 = tpu.vector_load_idx %arg5[%add3A_1840] : memref<4096xf32, #tpu.memory_space<vmem>>[vector<16xi32>], vector<16xf32>,
    %add3A_1842 = arith.addf %add3A_1837, %gather3A_1841 : vector<16xf32>
    %add3A_1843 = arith.constant 3852 : i32
    %add3A_1844 = vector.broadcast %add3A_1843 : i32 to vector<16xi32>
    %add3A_1845 = arith.addi %mul3A_5, %add3A_1844 : vector<16xi32>
    %gather3A_1846 = tpu.vector_load_idx %arg5[%add3A_1845] : memref<4096xf32, #tpu.memory_space<vmem>>[vector<16xi32>], vector<16xf32>,
    %add3A_1847 = arith.addf %add3A_1842, %gather3A_1846 : vector<16xf32>
    %add3A_1848 = arith.constant 3853 : i32
    %add3A_1849 = vector.broadcast %add3A_1848 : i32 to vector<16xi32>
    %add3A_1850 = arith.addi %mul3A_5, %add3A_1849 : vector<16xi32>
    %gather3A_1851 = tpu.vector_load_idx %arg5[%add3A_1850] : memref<4096xf32, #tpu.memory_space<vmem>>[vector<16xi32>], vector<16xf32>,
    %add3A_1852 = arith.addf %add3A_1847, %gather3A_1851 : vector<16xf32>
    %add3A_1853 = arith.constant 3854 : i32
    %add3A_1854 = vector.broadcast %add3A_1853 : i32 to vector<16xi32>
    %add3A_1855 = arith.addi %mul3A_5, %add3A_1854 : vector<16xi32>
    %gather3A_1856 = tpu.vector_load_idx %arg5[%add3A_1855] : memref<4096xf32, #tpu.memory_space<vmem>>[vector<16xi32>], vector<16xf32>,
    %add3A_1857 = arith.addf %add3A_1852, %gather3A_1856 : vector<16xf32>
    %add3A_1858 = arith.constant 3855 : i32
    %add3A_1859 = vector.broadcast %add3A_1858 : i32 to vector<16xi32>
    %add3A_1860 = arith.addi %mul3A_5, %add3A_1859 : vector<16xi32>
    %gather3A_1861 = tpu.vector_load_idx %arg5[%add3A_1860] : memref<4096xf32, #tpu.memory_space<vmem>>[vector<16xi32>], vector<16xf32>,
    %add3A_1862 = arith.addf %add3A_1857, %gather3A_1861 : vector<16xf32>
    %swap3A_1863 = arith.constant 240 : index
    %swap3A_1864 = tpu.vector_load %arg6[%swap3A_1863] {strides = array<i32>} : memref<256xf32, #tpu.memory_space<vmem>>, vector<16xf32>,
    tpu.vector_store %arg6[%swap3A_1863], %add3A_1862 {strides = array<i32>} : memref<256xf32, #tpu.memory_space<vmem>>, vector<16xf32>,
    %mul3A_1865 = arith.constant 256 : i32
    %mul3A_1866 = arith.muli %add3A, %mul3A_1865 : i32
    "tpu.region"() ({
      %run_scoped3A = tpu.sem_alloc : memref<!tpu.dma_semaphore, #tpu.memory_space<semaphore_mem>>
      %dma_start3A_1867 = tpu.memref_slice %arg3[%mul3A_1866] : memref<8192xf32, #tpu.memory_space<hbm>> -> memref<256xf32, #tpu.memory_space<hbm>>
      %dma_start3A_1868 = tpu.memref_slice %arg3[%mul3A_1866] : memref<8192xf32, #tpu.memory_space<hbm>> -> memref<256xf32, #tpu.memory_space<hbm>>
      tpu.enqueue_dma source(%arg6 : memref<256xf32, #tpu.memory_space<vmem>>) target(%dma_start3A_1868 : memref<256xf32, #tpu.memory_space<hbm>>) target_semaphore(%run_scoped3A : memref<!tpu.dma_semaphore, #tpu.memory_space<semaphore_mem>>)
      %dma_wait3A = tpu.memref_slice %arg3[%mul3A_1866] : memref<8192xf32, #tpu.memory_space<hbm>> -> memref<256xf32, #tpu.memory_space<hbm>>
      %dma_wait3A_1869 = tpu.memref_slice %arg3[%mul3A_1866] : memref<8192xf32, #tpu.memory_space<hbm>> -> memref<256xf32, #tpu.memory_space<hbm>>
      tpu.wait_dma2 semaphore(%run_scoped3A : memref<!tpu.dma_semaphore, #tpu.memory_space<semaphore_mem>>) src(%arg6 : memref<256xf32, #tpu.memory_space<vmem>>) dst(%dma_wait3A_1869 : memref<256xf32, #tpu.memory_space<hbm>>)
      tpu.yield
    }) : () -> ()
    return
  }
}

module attributes {stable_mosaic.version = 14 : i64} {
  func.func @_tc_reduce(%arg0: memref<32x256xf32, #tpu.memory_space<vmem>>, %arg1: memref<1x1xf32, #tpu.memory_space<vmem>>, %arg2: memref<1x256xf32, #tpu.memory_space<vmem>>, %arg3: memref<1x256xf32, #tpu.memory_space<vmem>>) attributes {dimension_semantics = [], scalar_prefetch = 0 : i64, scratch_operands = 0 : i64, tpu.core_type = #tpu.core_type<tc>} {
    %get3A = arith.constant 0 : index
    %get3A_0 = arith.constant 0 : index
    %get3A_1 = vector.load %arg0[%get3A, %get3A_0] : memref<32x256xf32, #tpu.memory_space<vmem>>, vector<32x256xf32>
    %reduce_sum3A = arith.constant dense<0.000000e+00> : vector<256xf32>
    %reduce_sum3A_2 = vector.multi_reduction <add>, %get3A_1, %reduce_sum3A [0] : vector<32x256xf32> to vector<256xf32>
    %broadcast_in_dim3A = vector.shape_cast %reduce_sum3A_2 : vector<256xf32> to vector<1x256xf32>
    %swap3A = arith.constant 0 : index
    %swap3A_3 = arith.constant 0 : index
    %swap3A_4 = vector.load %arg2[%swap3A, %swap3A_3] : memref<1x256xf32, #tpu.memory_space<vmem>>, vector<1x256xf32>
    tpu.vector_store %arg2[%swap3A, %swap3A_3], %broadcast_in_dim3A {strides = array<i32>} : memref<1x256xf32, #tpu.memory_space<vmem>>, vector<1x256xf32>,
    %iota3A = tpu.iota {dimensions = array<i32: 1>} : vector<1x256xi32>
    %eq3A = arith.constant 0 : i32
    %eq3A_5 = vector.broadcast %eq3A : i32 to vector<1x256xi32>
    %eq3A_6 = arith.cmpi eq, %iota3A, %eq3A_5 : vector<1x256xi32>
    %jit3A = arith.constant 0.000000e+00 : f32
    %broadcast_in_dim3A_7 = vector.broadcast %jit3A : f32 to vector<1x256xf32>
    %select_n3A = arith.select %eq3A_6, %broadcast_in_dim3A, %broadcast_in_dim3A_7 : vector<1x256xi1>, vector<1x256xf32>
    %reduce_sum3A_8 = vector.shape_cast %select_n3A : vector<1x256xf32> to vector<1x1x256xf32>
    %reduce_sum3A_9 = arith.constant dense<0.000000e+00> : vector<1xf32>
    %reduce_sum3A_10 = vector.multi_reduction <add>, %reduce_sum3A_8, %reduce_sum3A_9 [1, 2] : vector<1x1x256xf32> to vector<1xf32>
    %reduce_sum3A_11 = vector.shape_cast %reduce_sum3A_10 : vector<1xf32> to vector<1x1x1xf32>
    %reduce_sum3A_12 = vector.extract %reduce_sum3A_11[0, 0, 0] : f32 from vector<1x1x1xf32>
    %broadcast_in_dim3A_13 = arith.constant 0.000000e+00 : f32
    %broadcast_in_dim3A_14 = vector.broadcast %broadcast_in_dim3A_13 : f32 to vector<1x256xf32>
    %get3A_15 = arith.constant 0 : index
    %get3A_16 = arith.constant 0 : index
    %get3A_17 = vector.load %arg1[%get3A_15, %get3A_16] : memref<1x1xf32, #tpu.memory_space<vmem>>, vector<1x1xf32>
    %get3A_18 = vector.extract %get3A_17[0, 0] : f32 from vector<1x1xf32>
    %mul3A = arith.mulf %get3A_18, %reduce_sum3A_12 : f32
    %add3A = vector.broadcast %mul3A : f32 to vector<1x256xf32>
    %add3A_19 = arith.addf %broadcast_in_dim3A_14, %add3A : vector<1x256xf32>
    %swap3A_20 = arith.constant 0 : index
    %swap3A_21 = arith.constant 0 : index
    %swap3A_22 = vector.load %arg3[%swap3A_20, %swap3A_21] : memref<1x256xf32, #tpu.memory_space<vmem>>, vector<1x256xf32>
    tpu.vector_store %arg3[%swap3A_20, %swap3A_21], %add3A_19 {strides = array<i32>} : memref<1x256xf32, #tpu.memory_space<vmem>>, vector<1x256xf32>,
    return
  }
}

</mosaic_0001>

<sc_bundles>
// kernel: kernel.4.cloned.1.call-start
scs
__scs_entry_jumppad:
0x0: {  	(pc) =	sbr.rel $0x88, $3  }
0x1: {  	(tag) =	ssettag $0x0;
	lr =	simm.s32 $0x1  }
0x2: {  	[smem:$0x3F9F] =	sst lr;
	_ =	strace $0xD0000000  }
0x3: {  	_ = 	snop  }
0x4: {  	_ = 	snop  }
0x5: {  	_ = 	snop  }
0x6: {  	_ = 	snop  }
0x7: {  	_ = 	snop  }
__scs_overlays_trampoline_lowered:
0x8: {  	[smem:$0x3FAE] =	sst s0  }
0x9: {  	[smem:$0x3FAF] =	sst s1  }
0xa: {  	[smem:$0x3FB0] =	sst s2  }
0xb: {  	[smem:$0x3FB1] =	sst s3  }
0xc: {  	[smem:$0x3FB2] =	sst s4  }
0xd: {  	[smem:$0x3FB3] =	sst s5  }
0xe: {  	[smem:$0x3FB4] =	sst s6  }
0xf: {  	[smem:$0x3FB5] =	sst s7  }
0x10: {  	[smem:$0x3FB6] =	sst s8  }
0x11: {  	[smem:$0x3FB7] =	sst s9;
	s0 =	simm.s32 @!p0 $0x0  }
0x12: {  	s1 =	sld [smem:$0x3F9D];
	s0 =	simm.s32 @p0 $0x1  }
0x13: {  	[smem:$0x3FB8] =	sst s0;
	s0 =	simm.s32 @!p1 $0x0  }
0x14: {  	s2 =	sld [smem:$0x3F9C];
	s0 =	simm.s32 @p1 $0x1  }
0x15: {  	[smem:$0x3FB9] =	sst s0;
	s0 =	simm.s32 @!p2 $0x0  }
0x16: {  	s3 =	sld [smem:$0x3FDB];
	s0 =	simm.s32 @p2 $0x1  }
0x17: {  	s4 =	simm.s32 $0x1BF5;
	[smem:$0x3FBB] =	sst s0  }
0x18: {  	s0 =	sld [smem:$0x3F9E];
	_ =	swait.ge [sflag:s4], $0x0  }
0x19: {  	s7 =	sld [smem:$0x3F9F]  }
0x1a: {  	s8 =	sadd.s32 $0xFFFFE003, lr  }
0x1b: {  	s9 =	sadd.s32 $0xFFFFFEF7, lr;
	s5 =	simm.s32 $0xFFFFFFFF;
	p2 =	slt.u32 s8, $0xFFFFF086  }
0x1c: {  	p1 =	slt.u32 s9, $0xF7A;
	s5 =	simm.s32 @!p2 $0x0  }
0x1d: {  	s5 =	simm.s32 @p1 $0x1;
	p0 =	seq.s32 s7, s2  }
0x1e: {  	s7 =	smul.u32 @!p0 $0xF7A, s2;
	p2 =	seq.s32 @!p0 s5, $0x0  }
0x1f: {  	s9 =	smul.u32 $0xF7A, s1;
	s8 =	simm.s32 @!p0 $0x1BF5;
	p2 =	por !p2, p0  }
0x20: {  	[sflag:s8] =	ssyncset.s32 @!p0 $0xFFFFF086;
	s6 =	sadd.s32 @!p0 s3, s7;
	s7 =	simm.s32 @!p0 $0x108  }
0x21: {  	s3 =	sadd.s32 s3, s9;
	s6 =	sadd.s32 @!p0 $0x88, s6;
	s7 =	simm.s32 @p2 $0x1082  }
0x22: {  	[simem:s7], [sflag:s8] =	dma.local @!p0 [hbm:s6], $0xF7A  }
0x23: {  	s9 =	sor.u32 $0xD0000000, s2;
	s6 =	simm.s32 $0x108;
	_ =	swait.ge @!p0 [sflag:s8], $0x0  }
0x24: {  	s3 =	sadd.s32 $0x88, s3;
	s6 =	simm.s32 @!p1 $0x1082;
	[sflag:s4] =	ssyncset.s32 $0xFFFFF086  }
0x25: {  	[simem:s6], [sflag:s4] =	dma.local [hbm:s3], $0xF7A  }
0x26: {  	[smem:$0x3F9F] =	sst s1;
	(tag) =	ssettag s2;
	_ =	strace s9  }
0x27: {  	s1 =	sld [smem:$0x3FAF]  }
0x28: {  	s2 =	sld [smem:$0x3FB0]  }
0x29: {  	s4 =	sld [smem:$0x3FB2]  }
0x2a: {  	p0 =	seq.s32 s5, $0x0;
	s5 =	sld [smem:$0x3FB3]  }
0x2b: {  	s6 =	sld [smem:$0x3FB4]  }
0x2c: {  	s7 =	sld [smem:$0x3FB5]  }
0x2d: {  	s3 =	simm.s32 $0x108;
	s8 =	sld [smem:$0x3FB6]  }
0x2e: {  	s3 =	simm.s32 @!p0 $0x1082;
	s9 =	sld [smem:$0x3FB7]  }
0x2f: {  	lr =	sadd.s32 s0, s3;
	s0 =	sld [smem:$0x3FAE]  }
0x30: {  	s3 =	sld [smem:$0x3FB1]  }
0x31: {  	[smem:$0x3FBA] =	sst s10  }
0x32: {  	s10 =	sld [smem:$0x3FB8];
	_ =	sdelay $0x3  }
0x33: {  	p0 =	seq.s32 s10, $0x1;
	s10 =	sld [smem:$0x3FBA];
	_ =	sdelay $0x3  }
0x34: {  	[smem:$0x3FBA] =	sst s10  }
0x35: {  	s10 =	sld [smem:$0x3FB9];
	_ =	sdelay $0x3  }
0x36: {  	p1 =	seq.s32 s10, $0x1;
	s10 =	sld [smem:$0x3FBA];
	_ =	sdelay $0x3  }
0x37: {  	[smem:$0x3FBA] =	sst s10  }
0x38: {  	s10 =	sld [smem:$0x3FBB]  }
0x39: {  	_ = 	snop;
	(pc) =	sbr.ind lr, $3  }
0x3a: {  	_ = 	snop  }
0x3b: {  	_ = 	snop  }
0x3c: {  	p2 =	seq.s32 s10, $0x1;
	s10 =	sld [smem:$0x3FBA]  }
0x3d: {  	_ =	shalt  }
0x3e: {  	_ =	shalt  }
0x3f: {  	_ =	shalt  }
0x40: {  	_ =	shalt  }
0x41: {  	_ =	shalt  }
0x42: {  	_ =	shalt  }
0x43: {  	_ =	shalt  }
0x44: {  	_ =	shalt  }
0x45: {  	_ =	shalt  }
0x46: {  	_ =	shalt  }
0x47: {  	_ =	shalt  }
0x48: {  	_ =	shalt  }
0x49: {  	_ =	shalt  }
0x4a: {  	_ =	shalt  }
0x4b: {  	_ =	shalt  }
0x4c: {  	_ =	shalt  }
0x4d: {  	_ =	shalt  }
0x4e: {  	_ =	shalt  }
0x4f: {  	_ =	shalt  }
0x50: {  	_ =	shalt  }
0x51: {  	_ =	shalt  }
0x52: {  	_ =	shalt  }
0x53: {  	_ =	shalt  }
0x54: {  	_ =	shalt  }
0x55: {  	_ =	shalt  }
0x56: {  	_ =	shalt  }
0x57: {  	_ =	shalt  }
0x58: {  	_ =	shalt  }
0x59: {  	_ =	shalt  }
0x5a: {  	_ =	shalt  }
0x5b: {  	_ =	shalt  }
0x5c: {  	_ =	shalt  }
0x5d: {  	_ =	shalt  }
0x5e: {  	_ =	shalt  }
0x5f: {  	_ =	shalt  }
0x60: {  	_ =	shalt  }
0x61: {  	_ =	shalt  }
0x62: {  	_ =	shalt  }
0x63: {  	_ =	shalt  }
0x64: {  	_ =	shalt  }
0x65: {  	_ =	shalt  }
0x66: {  	_ =	shalt  }
0x67: {  	_ =	shalt  }
0x68: {  	_ =	shalt  }
0x69: {  	_ =	shalt  }
0x6a: {  	_ =	shalt  }
0x6b: {  	_ =	shalt  }
0x6c: {  	_ =	shalt  }
0x6d: {  	_ =	shalt  }
0x6e: {  	_ =	shalt  }
0x6f: {  	_ =	shalt  }
0x70: {  	_ =	shalt  }
0x71: {  	_ =	shalt  }
0x72: {  	_ =	shalt  }
0x73: {  	_ =	shalt  }
0x74: {  	_ =	shalt  }
0x75: {  	_ =	shalt  }
0x76: {  	_ =	shalt  }
0x77: {  	_ =	shalt  }
0x78: {  	_ =	shalt  }
0x79: {  	_ =	shalt  }
0x7a: {  	_ =	shalt  }
0x7b: {  	_ =	shalt  }
0x7c: {  	_ =	shalt  }
0x7d: {  	_ =	shalt  }
0x7e: {  	_ =	shalt  }
0x7f: {  	_ =	shalt  }
0x80: {  	_ =	shalt  }
0x81: {  	_ =	shalt  }
0x82: {  	_ =	shalt  }
0x83: {  	_ =	shalt  }
0x84: {  	_ =	shalt  }
0x85: {  	_ =	shalt  }
0x86: {  	_ =	shalt  }
0x87: {  	_ =	shalt  }
.Lfunc_end0:
.L_simem_size_0:
called_computation_lowered:
.L_overlay_start_0:
0x88: {  	s2 =	sld [smem:$0x3FD9]  }
0x89: {  	s3 =	sld [smem:$0x3FFE];
	_ =	sdelay $0x1  }
0x8a: {  	s1 =	srdreg.scid  }
0x8b: {  	s0 =	sand.u32 $0x1, s1  }
0x8c: {  	s17 =	sshll.u32 s0, $0xA;
	s2 =	sadd.s32 s3, s2  }
0x8d: {  	s2 =	sadd.s32 s2, s17  }
0x8e: {  	[smem:$0x3FC6] =	sst s2  }
0x8f: {  	_ = 	snop  }
0x90: {  	s2 =	sld [smem:$0x3FC8];
	(tm) =	ssettm $0x1  }
0x91: {  	s18 =	sld [smem:$0x3FFB];
	_ =	sdelay $0x3  }
0x92: {  	_ =	strace s18  }
0x93: {  	s3 =	sld [smem:$0x3FFC];
	_ =	sdelay $0x3  }
0x94: {  	_ =	strace s3  }
0x95: {  	s3 =	sld [smem:$0x3FFD];
	_ =	sdelay $0x3  }
0x96: {  	_ =	strace s3  }
0x97: {  	_ =	strace $0x8FFFFFFF  }
0x98: {  	s19 =	sld [smem:$0x3FDB];
	_ =	sdelay $0x1  }
0x99: {  	s4 =	simm.s32 $_scs_section_size  }
0x9a: {  	s5 =	simm.s32 $_size__tile_overlayer_lowered;
	s6 =	simm.s32 $_tile_overlayer_lowered  }
0x9b: {  	s22 =	simm.s32 $0x1BFF;
	s21 =	sshll.u32 s6, $0x1;
	s3 =	sadd.s32 s4, s19  }
0x9c: {  	s7 =	simm.s32 $0x0;
	s20 =	sshll.u32 s5, $0x1;
	s5 =	sadd.s32 s21, s3  }
0x9d: {  	[timem:s7], [sflag:s22] =	dma.local [hbm:s5], s20  }
0x9e: {  	_ =	swait.ge [sflag:s22], s20  }
0x9f: {  	s4 =	ssub.s32 $0x0, s20;
	[sflag:s22] =	ssyncset.done $0x0  }
0xa0: {  	[sflag:s22] =	ssyncadd.s32 s4;
	_ =	sdelay $0x1  }
0xa1: {  	s23 =	simm.s32 $0x1B8B  }
0xa2: {  	_ =	swait.ge [sflag:s23], $0x1  }
0xa3: {  	[sflag:s23] =	ssyncset.done $0x0  }
0xa4: {  	s25 =	simm.s32 $0x1B8E;
	s24 =	sld [smem:$0x3FFE];
	[sflag:s23] =	ssyncadd.s32 $0xFFFFFFFF  }
0xa5: {  	s26 =	simm.s32 $execute0_lowered;
	[smem:$0x3FD2] =	sst s25  }
0xa6: {  	s5 =	sshll.u32 s26, $0x1;
	_ =	strace $0x80000046;
	[dreg:$0x1] =	wrdreg $0xFFFFFFFF  }
0xa7: {  	s28 =	simm.s32 $_size_execute0_lowered;
	s3 =	sadd.s32 s3, s5;
	[dreg:$0x0] =	wrdreg $0x0  }
0xa8: {  	s5 =	sshll.u32 s28, $0x1;
	[dreg:$0x2] =	wrdreg s3  }
0xa9: {  	[dreg:$0x3] =	wrdreg s5  }
0xaa: {  	[dreg:$0x4] =	wrdreg $0xC0  }
0xab: {  	_ =	task [dreg:s7], $0x5FFFF  }
0xac: {  	[dreg:$0x1] =	wrdreg $0xFFFFFFFF  }
0xad: {  	[dreg:$0x0] =	wrdreg $0x60  }
0xae: {  	[dreg:$0x2] =	wrdreg s2  }
0xaf: {  	[dreg:$0x3] =	wrdreg s24  }
0xb0: {  	[dreg:$0x4] =	wrdreg $0x9  }
0xb1: {  	_ =	task.clear_ibuf [dreg:s7], $0x5FFFF;
	_ =	strace $0x90000046  }
0xb2: {  	s29 =	simm.s32 $0x9;
	_ =	strace $0x80000048  }
0xb3: {  	_ =	swait.ge [sflag:s29], $0x1  }
0xb4: {  	[sflag:s29] =	ssyncadd.s32 $0xFFFFFFFF  }
0xb5: {  	_ =	strace $0x90000048  }
0xb6: {  	_ =	sfence  }
0xb7: {  	s30 =	sld [smem:$0x0];
	_ =	sdelay $0x2  }
0xb8: {  	s31 =	sshll.u32 s1, $0xD;
	s1 =	sshrl.u32 s1, $0x2  }
0xb9: {  	s3 =	sand.u32 $0x4000, s31;
	s1 =	sadd.s32 s1, s30  }
0xba: {  	s0 =	sor.u32 s3, s0;
	s1 =	sshll.u32 s1, $0x11  }
0xbb: {  	s0 =	sor.u32 s1, s0  }
0xbc: {  	s0 =	sadd.s32 $0x8F2B, s0  }
0xbd: {  	[sflag:s0] =	ssyncadd.remote.s32 $0x1  }
0xbe: {  	_ =	sfence.sel $0xFFFF  }
0xbf: {  	[dreg:$0x0] =	wrdreg $0xFFFFFFFF;
	(pc) =	sbr.abs _section_cstart, $3  }
0xc0: {  	[dreg:$0x1] =	wrdreg $0xFFFFFFFF  }
0xc1: {  	_ =	task.clear_ibuf [dreg:s7], $0x2FFFF;
	_ =	strace $0x9FFFFFFF  }
0xc2: {  	(tm) =	ssettm $0x7FFFFFFF  }
0xc3: {  	_ =	shalt  }
tec
execute0_lowered:
.L_overlay_start_1:
0x0: {  	(tag) =	ssettag $0x1  }
0x1: {  	v0 =	vlaneseq.u32  }
0x2: {  	v1 =	vmul.u32 $0x10, v0  }
0x3: {  	v2 =	vimm.f32 $0.0e+00;
	v3 =	vimm.f32 $1.000000000e+00  }
0x4: {  	v4 =	vor.u32 $0x1, v1;
	v21 =	vor.u32 $0x102, v1;
	v22 =	vor.u32 $0x103, v1  }
0x5: {  	v23 =	vor.u32 $0x104, v1;
	v24 =	vor.u32 $0x105, v1;
	v25 =	vor.u32 $0x106, v1  }
0x6: {  	v26 =	vor.u32 $0x107, v1;
	v27 =	vor.u32 $0x108, v1;
	[tilespmem:$0x1FEF0] =	vst v4;
	v4 =	vor.u32 $0x2, v1  }
0x7: {  	v28 =	vor.u32 $0x109, v1;
	v29 =	vor.u32 $0x10A, v1;
	[tilespmem:$0x1FF00] =	vst v4;
	v4 =	vor.u32 $0x3, v1  }
0x8: {  	v30 =	vor.u32 $0x10B, v1;
	v31 =	vor.u32 $0x10C, v1;
	[tilespmem:$0x1FF10] =	vst v4;
	v4 =	vor.u32 $0x4, v1  }
0x9: {  	v32 =	vor.u32 $0x10D, v1;
	v33 =	vor.u32 $0x10E, v1;
	[tilespmem:$0x1FF20] =	vst v4;
	v4 =	vor.u32 $0x5, v1  }
0xa: {  	v34 =	vor.u32 $0x10F, v1;
	v35 =	vor.u32 $0x200, v1;
	[tilespmem:$0x1FF30] =	vst v4;
	v4 =	vor.u32 $0x6, v1  }
0xb: {  	v36 =	vor.u32 $0x201, v1;
	v37 =	vor.u32 $0x202, v1;
	[tilespmem:$0x1FF40] =	vst v4;
	v4 =	vor.u32 $0x7, v1  }
0xc: {  	s0 =	rddreg [dreg:$0x0];
	v38 =	vor.u32 $0x203, v1;
	v39 =	vor.u32 $0x204, v1;
	[tilespmem:$0x1FF50] =	vst v4;
	v4 =	vor.u32 $0x8, v1  }
0xd: {  	s4 =	rddreg [dreg:$0x1];
	v40 =	vor.u32 $0x205, v1;
	v41 =	vor.u32 $0x206, v1;
	[tilespmem:$0x1FF60] =	vst v4;
	v4 =	vor.u32 $0x9, v1  }
0xe: {  	s1 =	rddreg [dreg:$0x2];
	s5 =	srdreg.scid;
	s3 =	simm.s32 $0x0;
	v42 =	vor.u32 $0x207, v1;
	v43 =	vor.u32 $0x208, v1;
	[tilespmem:$0x1FF70] =	vst v4;
	v4 =	vor.u32 $0xA, v1  }
0xf: {  	s2 =	stileid.u32;
	s11 =	simm.s32 $0x1;
	s12 =	simm.s32 $0x10000;
	v44 =	vor.u32 $0x209, v1;
	v45 =	vor.u32 $0x20A, v1;
	[tilespmem:$0x1FF80] =	vst v4;
	v4 =	vor.u32 $0xB, v1  }
0x10: {  	s13 =	simm.s32 $0x2;
	s14 =	simm.s32 $0x11000;
	s15 =	simm.s32 $0x3;
	v46 =	vor.u32 $0x20B, v1;
	v47 =	vor.u32 $0x20C, v1;
	[tilespmem:$0x1FF90] =	vst v4;
	v4 =	vor.u32 $0xC, v1  }
0x11: {  	s16 =	simm.s32 $0x0;
	s5 =	sand.u32 $0x1, s5;
	[smem:$0x7FF] =	sst s3;
	v48 =	vor.u32 $0x20D, v1;
	v49 =	vor.u32 $0x20E, v1;
	[tilespmem:$0x1FFA0] =	vst v4;
	v4 =	vor.u32 $0xD, v1  }
0x12: {  	s6 =	sshll.u32 s2, $0x9;
	s7 =	sshll.u32 s5, $0x8;
	s5 =	ssub.s32 $0x2, s5;
	v50 =	vor.u32 $0x20F, v1;
	v51 =	vor.u32 $0x300, v1;
	[tilespmem:$0x1FFB0] =	vst v4;
	v4 =	vor.u32 $0xE, v1  }
.Ltmp0:
0x13: {  	s6 =	sor.u32 s7, s6;
	s8 =	sshrl.u32 s5, $0x1;
	v52 =	vor.u32 $0x301, v1;
	v53 =	vor.u32 $0x302, v1;
	[tilespmem:$0x1FFC0] =	vst v4;
	v4 =	vor.u32 $0xF, v1;
	(pc) =	sbr.rel .LBB2_1-.Ltmp0, $4  }
0x14: {  	v54 =	vor.u32 $0x303, v1;
	v55 =	vor.u32 $0x304, v1;
	s7 =	sshrl.u32 s6, $0x3;
	s6 =	sshll.u32 s6, $0x9;
	s10 =	ssub.s32 s5, s8;
	[tilespmem:$0x1FFD0] =	vst v4;
	v4 =	vor.u32 $0x100, v1  }
0x15: {  	v56 =	vor.u32 $0x305, v1;
	v57 =	vor.u32 $0x306, v1;
	s9 =	sadd.s32 s7, s4;
	s4 =	sadd.s32 s0, s6;
	s6 =	sor.u32 $0x2, s7;
	[tilespmem:$0x1FFE0] =	vst v4;
	v4 =	vor.u32 $0x101, v1  }
0x16: {  	v58 =	vor.u32 $0x307, v1;
	v59 =	vor.u32 $0x308, v1;
	v60 =	vor.u32 $0x309, v1;
	s7 =	sor.u32 $0x3, s7;
	s5 =	sadd.s32 $0x1000, s4;
	s8 =	sadd.s32 $0x600, s9;
	[tilespmem:$0x1FFF0] =	vst v4  }
0x17: {  	v61 =	vor.u32 $0x30A, v1;
	v62 =	vor.u32 $0x30B, v1;
	v63 =	vor.u32 $0x30C, v1;
	s9 =	smax.u32 s10, $0x1;
	s10 =	simm.s32 $0x8000;
	_ =	strace $0x80000047  }
.LBB2_8:
0x18: {  	v5 =	vld [tilespmem:$0x1FEF0];
	_ =	sdelay $0x5  }
0x19: {  	v4 =	vld.idx.msk [tilespmem:v1+s12+$0x0], $0xffff;
	_ =	sdelay $0x1  }
0x1a: {  	v5 =	vld.idx.msk [tilespmem:v5+s12+$0x0], $0xffff  }
0x1b: {  	v6 =	vld [tilespmem:$0x1FF00];
	_ =	sdelay $0x1  }
0x1c: {  	v7 =	vld [tilespmem:$0x1FF10];
	v4 =	vadd.f32 $0.0e+00, v4;
	_ =	sdelay $0x1  }
0x1d: {  	v4 =	vadd.f32 v5, v4;
	v5 =	vld [tilespmem:$0x1FF20];
	_ =	sdelay $0x3  }
0x1e: {  	v6 =	vld.idx.msk [tilespmem:v6+s12+$0x0], $0xffff;
	_ =	sdelay $0x1  }
0x1f: {  	v7 =	vld.idx.msk [tilespmem:v7+s12+$0x0], $0xffff;
	_ =	sdelay $0x1  }
0x20: {  	v5 =	vld.idx.msk [tilespmem:v5+s12+$0x0], $0xffff  }
0x21: {  	v13 =	vld [tilespmem:$0x1FF30];
	v4 =	vadd.f32 v6, v4;
	_ =	sdelay $0x1  }
0x22: {  	v14 =	vld [tilespmem:$0x1FF40];
	v4 =	vadd.f32 v7, v4;
	_ =	sdelay $0x1  }
0x23: {  	v4 =	vadd.f32 v5, v4;
	v5 =	vld [tilespmem:$0x1FF50];
	_ =	sdelay $0x3  }
0x24: {  	v6 =	vld.idx.msk [tilespmem:v13+s12+$0x0], $0xffff;
	_ =	sdelay $0x1  }
0x25: {  	v7 =	vld.idx.msk [tilespmem:v14+s12+$0x0], $0xffff;
	_ =	sdelay $0x1  }
0x26: {  	v5 =	vld.idx.msk [tilespmem:v5+s12+$0x0], $0xffff  }
0x27: {  	v15 =	vld [tilespmem:$0x1FF60];
	v4 =	vadd.f32 v6, v4;
	_ =	sdelay $0x1  }
0x28: {  	v16 =	vld [tilespmem:$0x1FF70];
	v4 =	vadd.f32 v7, v4;
	_ =	sdelay $0x1  }
0x29: {  	v4 =	vadd.f32 v5, v4;
	v5 =	vld [tilespmem:$0x1FF80];
	_ =	sdelay $0x3  }
0x2a: {  	v6 =	vld.idx.msk [tilespmem:v15+s12+$0x0], $0xffff;
	_ =	sdelay $0x1  }
0x2b: {  	v7 =	vld.idx.msk [tilespmem:v16+s12+$0x0], $0xffff;
	_ =	sdelay $0x1  }
0x2c: {  	v5 =	vld.idx.msk [tilespmem:v5+s12+$0x0], $0xffff  }
0x2d: {  	v17 =	vld [tilespmem:$0x1FF90];
	v4 =	vadd.f32 v6, v4;
	_ =	sdelay $0x1  }
0x2e: {  	v18 =	vld [tilespmem:$0x1FFA0];
	v4 =	vadd.f32 v7, v4;
	_ =	sdelay $0x1  }
0x2f: {  	v4 =	vadd.f32 v5, v4;
	v5 =	vld [tilespmem:$0x1FFB0];
	_ =	sdelay $0x1  }
0x30: {  	v19 =	vld [tilespmem:$0x1FFC0]  }
0x31: {  	v9 =	vld [tilespmem:$0x1FFD0]  }
0x32: {  	v6 =	vld.idx.msk [tilespmem:v17+s12+$0x0], $0xffff;
	_ =	sdelay $0x1  }
0x33: {  	v7 =	vld.idx.msk [tilespmem:v18+s12+$0x0], $0xffff;
	_ =	sdelay $0x1  }
0x34: {  	v5 =	vld.idx.msk [tilespmem:v5+s12+$0x0], $0xffff  }
0x35: {  	v4 =	vadd.f32 v6, v4  }
0x36: {  	v6 =	vld.idx.msk [tilespmem:v19+s12+$0x0], $0xffff  }
0x37: {  	v4 =	vadd.f32 v7, v4  }
0x38: {  	v7 =	vld.idx.msk [tilespmem:v9+s12+$0x0], $0xffff  }
0x39: {  	v4 =	vadd.f32 v5, v4;
	_ =	sdelay $0x1  }
0x3a: {  	v4 =	vadd.f32 v6, v4;
	_ =	sdelay $0x1  }
0x3b: {  	v4 =	vadd.f32 v7, v4;
	_ =	sdelay $0x1  }
0x3c: {  	[tilespmem:$0x11000] =	vst v4;
	v4 =	vld [tilespmem:$0x1FFE0];
	_ =	sdelay $0x1  }
0x3d: {  	v5 =	vld [tilespmem:$0x1FFF0];
	_ =	sdelay $0x5  }
0x3e: {  	v4 =	vld.idx.msk [tilespmem:v4+s12+$0x0], $0xffff;
	_ =	sdelay $0x1  }
0x3f: {  	v5 =	vld.idx.msk [tilespmem:v5+s12+$0x0], $0xffff;
	_ =	sdelay $0x1  }
0x40: {  	v10 =	vld.idx.msk [tilespmem:v21+s12+$0x0], $0xffff  }
0x41: {  	v4 =	vadd.f32 $0.0e+00, v4  }
0x42: {  	v11 =	vld.idx.msk [tilespmem:v22+s12+$0x0], $0xffff  }
0x43: {  	v4 =	vadd.f32 v5, v4  }
0x44: {  	v5 =	vld.idx.msk [tilespmem:v23+s12+$0x0], $0xffff  }
0x45: {  	v4 =	vadd.f32 v10, v4  }
0x46: {  	v12 =	vld.idx.msk [tilespmem:v24+s12+$0x0], $0xffff  }
0x47: {  	v4 =	vadd.f32 v11, v4  }
0x48: {  	v13 =	vld.idx.msk [tilespmem:v25+s12+$0x0], $0xffff  }
0x49: {  	v4 =	vadd.f32 v5, v4  }
0x4a: {  	v5 =	vld.idx.msk [tilespmem:v26+s12+$0x0], $0xffff  }
0x4b: {  	v4 =	vadd.f32 v12, v4  }
0x4c: {  	v14 =	vld.idx.msk [tilespmem:v27+s12+$0x0], $0xffff  }
0x4d: {  	v4 =	vadd.f32 v13, v4  }
0x4e: {  	v15 =	vld.idx.msk [tilespmem:v28+s12+$0x0], $0xffff  }
0x4f: {  	v4 =	vadd.f32 v5, v4  }
0x50: {  	v5 =	vld.idx.msk [tilespmem:v29+s12+$0x0], $0xffff  }
0x51: {  	v4 =	vadd.f32 v14, v4  }
0x52: {  	v16 =	vld.idx.msk [tilespmem:v30+s12+$0x0], $0xffff  }
0x53: {  	v4 =	vadd.f32 v15, v4  }
0x54: {  	v17 =	vld.idx.msk [tilespmem:v31+s12+$0x0], $0xffff  }
0x55: {  	v4 =	vadd.f32 v5, v4  }
0x56: {  	v5 =	vld.idx.msk [tilespmem:v32+s12+$0x0], $0xffff  }
0x57: {  	v4 =	vadd.f32 v16, v4  }
0x58: {  	v18 =	vld.idx.msk [tilespmem:v33+s12+$0x0], $0xffff  }
0x59: {  	v4 =	vadd.f32 v17, v4  }
0x5a: {  	v19 =	vld.idx.msk [tilespmem:v34+s12+$0x0], $0xffff  }
0x5b: {  	v4 =	vadd.f32 v5, v4;
	_ =	sdelay $0x1  }
0x5c: {  	v4 =	vadd.f32 v18, v4;
	_ =	sdelay $0x1  }
0x5d: {  	v4 =	vadd.f32 v19, v4;
	_ =	sdelay $0x1  }
0x5e: {  	[tilespmem:$0x11010] =	vst v4  }
0x5f: {  	v4 =	vld.idx.msk [tilespmem:v35+s12+$0x0], $0xffff;
	_ =	sdelay $0x1  }
0x60: {  	v5 =	vld.idx.msk [tilespmem:v36+s12+$0x0], $0xffff;
	_ =	sdelay $0x1  }
0x61: {  	v9 =	vld.idx.msk [tilespmem:v37+s12+$0x0], $0xffff  }
0x62: {  	v4 =	vadd.f32 $0.0e+00, v4  }
0x63: {  	v10 =	vld.idx.msk [tilespmem:v38+s12+$0x0], $0xffff  }
0x64: {  	v4 =	vadd.f32 v5, v4  }
0x65: {  	v5 =	vld.idx.msk [tilespmem:v39+s12+$0x0], $0xffff  }
0x66: {  	v4 =	vadd.f32 v9, v4  }
0x67: {  	v11 =	vld.idx.msk [tilespmem:v40+s12+$0x0], $0xffff  }
0x68: {  	v4 =	vadd.f32 v10, v4  }
0x69: {  	v12 =	vld.idx.msk [tilespmem:v41+s12+$0x0], $0xffff  }
0x6a: {  	v4 =	vadd.f32 v5, v4  }
0x6b: {  	v5 =	vld.idx.msk [tilespmem:v42+s12+$0x0], $0xffff  }
0x6c: {  	v4 =	vadd.f32 v11, v4  }
0x6d: {  	v13 =	vld.idx.msk [tilespmem:v43+s12+$0x0], $0xffff  }
0x6e: {  	v4 =	vadd.f32 v12, v4  }
0x6f: {  	v14 =	vld.idx.msk [tilespmem:v44+s12+$0x0], $0xffff  }
0x70: {  	v4 =	vadd.f32 v5, v4  }
0x71: {  	v5 =	vld.idx.msk [tilespmem:v45+s12+$0x0], $0xffff  }
0x72: {  	v4 =	vadd.f32 v13, v4  }
0x73: {  	v15 =	vld.idx.msk [tilespmem:v46+s12+$0x0], $0xffff  }
0x74: {  	v4 =	vadd.f32 v14, v4  }
0x75: {  	v16 =	vld.idx.msk [tilespmem:v47+s12+$0x0], $0xffff  }
0x76: {  	v4 =	vadd.f32 v5, v4  }
0x77: {  	v5 =	vld.idx.msk [tilespmem:v48+s12+$0x0], $0xffff  }
0x78: {  	v4 =	vadd.f32 v15, v4  }
0x79: {  	v17 =	vld.idx.msk [tilespmem:v49+s12+$0x0], $0xffff  }
0x7a: {  	v4 =	vadd.f32 v16, v4  }
0x7b: {  	v18 =	vld.idx.msk [tilespmem:v50+s12+$0x0], $0xffff  }
0x7c: {  	v4 =	vadd.f32 v5, v4;
	_ =	sdelay $0x1  }
0x7d: {  	v4 =	vadd.f32 v17, v4;
	_ =	sdelay $0x1  }
0x7e: {  	v4 =	vadd.f32 v18, v4;
	_ =	sdelay $0x1  }
0x7f: {  	[tilespmem:$0x11020] =	vst v4  }
0x80: {  	v4 =	vld.idx.msk [tilespmem:v51+s12+$0x0], $0xffff;
	_ =	sdelay $0x1  }
0x81: {  	v5 =	vld.idx.msk [tilespmem:v52+s12+$0x0], $0xffff;
	_ =	sdelay $0x1  }
0x82: {  	v19 =	vld.idx.msk [tilespmem:v53+s12+$0x0], $0xffff  }
0x83: {  	v4 =	vadd.f32 $0.0e+00, v4  }
0x84: {  	v9 =	vld.idx.msk [tilespmem:v54+s12+$0x0], $0xffff  }
0x85: {  	v4 =	vadd.f32 v5, v4  }
0x86: {  	v5 =	vld.idx.msk [tilespmem:v55+s12+$0x0], $0xffff  }
0x87: {  	v4 =	vadd.f32 v19, v4  }
0x88: {  	v10 =	vld.idx.msk [tilespmem:v56+s12+$0x0], $0xffff  }
0x89: {  	v4 =	vadd.f32 v9, v4  }
0x8a: {  	v11 =	vld.idx.msk [tilespmem:v57+s12+$0x0], $0xffff  }
0x8b: {  	v4 =	vadd.f32 v5, v4  }
0x8c: {  	v5 =	vld.idx.msk [tilespmem:v58+s12+$0x0], $0xffff  }
0x8d: {  	v4 =	vadd.f32 v10, v4  }
0x8e: {  	v12 =	vld.idx.msk [tilespmem:v59+s12+$0x0], $0xffff  }
0x8f: {  	v4 =	vadd.f32 v11, v4  }
0x90: {  	v13 =	vld.idx.msk [tilespmem:v60+s12+$0x0], $0xffff  }
0x91: {  	v4 =	vadd.f32 v5, v4  }
0x92: {  	v5 =	vld.idx.msk [tilespmem:v61+s12+$0x0], $0xffff  }
0x93: {  	v14 =	vor.u32 $0x30D, v1;
	v4 =	vadd.f32 v12, v4  }
0x94: {  	v8 =	vld.idx.msk [tilespmem:v62+s12+$0x0], $0xffff  }
0x95: {  	v15 =	vor.u32 $0x30E, v1;
	v4 =	vadd.f32 v13, v4  }
0x96: {  	v9 =	vld.idx.msk [tilespmem:v63+s12+$0x0], $0xffff  }
0x97: {  	v4 =	vadd.f32 v5, v4;
	v5 =	vor.u32 $0x30F, v1  }
0x98: {  	v6 =	vld.idx.msk [tilespmem:v14+s12+$0x0], $0xffff  }
0x99: {  	v4 =	vadd.f32 v8, v4  }
0x9a: {  	v7 =	vld.idx.msk [tilespmem:v15+s12+$0x0], $0xffff  }
0x9b: {  	v4 =	vadd.f32 v9, v4  }
0x9c: {  	v5 =	vld.idx.msk [tilespmem:v5+s12+$0x0], $0xffff  }
0x9d: {  	v4 =	vadd.f32 v6, v4;
	_ =	sdelay $0x1  }
0x9e: {  	v16 =	vor.u32 $0x400, v1;
	v4 =	vadd.f32 v7, v4;
	_ =	sdelay $0x1  }
0x9f: {  	v4 =	vadd.f32 v5, v4;
	v5 =	vor.u32 $0x401, v1;
	_ =	sdelay $0x1  }
0xa0: {  	[tilespmem:$0x11030] =	vst v4;
	v4 =	vor.u32 $0x402, v1  }
0xa1: {  	v6 =	vld.idx.msk [tilespmem:v16+s12+$0x0], $0xffff  }
0xa2: {  	v17 =	vor.u32 $0x403, v1  }
0xa3: {  	v5 =	vld.idx.msk [tilespmem:v5+s12+$0x0], $0xffff  }
0xa4: {  	v18 =	vor.u32 $0x404, v1  }
0xa5: {  	v4 =	vld.idx.msk [tilespmem:v4+s12+$0x0], $0xffff  }
0xa6: {  	v19 =	vor.u32 $0x405, v1;
	v6 =	vadd.f32 $0.0e+00, v6  }
0xa7: {  	v7 =	vld.idx.msk [tilespmem:v17+s12+$0x0], $0xffff  }
0xa8: {  	v12 =	vor.u32 $0x406, v1;
	v5 =	vadd.f32 v5, v6  }
0xa9: {  	v8 =	vld.idx.msk [tilespmem:v18+s12+$0x0], $0xffff  }
0xaa: {  	v4 =	vadd.f32 v4, v5;
	v5 =	vor.u32 $0x407, v1  }
0xab: {  	v9 =	vld.idx.msk [tilespmem:v19+s12+$0x0], $0xffff  }
0xac: {  	v13 =	vor.u32 $0x408, v1;
	v4 =	vadd.f32 v7, v4  }
0xad: {  	v6 =	vld.idx.msk [tilespmem:v12+s12+$0x0], $0xffff  }
0xae: {  	v14 =	vor.u32 $0x409, v1;
	v4 =	vadd.f32 v8, v4  }
0xaf: {  	v5 =	vld.idx.msk [tilespmem:v5+s12+$0x0], $0xffff  }
0xb0: {  	v15 =	vor.u32 $0x40A, v1;
	v4 =	vadd.f32 v9, v4  }
0xb1: {  	v7 =	vld.idx.msk [tilespmem:v13+s12+$0x0], $0xffff  }
0xb2: {  	v16 =	vor.u32 $0x40B, v1;
	v4 =	vadd.f32 v6, v4  }
0xb3: {  	v8 =	vld.idx.msk [tilespmem:v14+s12+$0x0], $0xffff  }
0xb4: {  	v4 =	vadd.f32 v5, v4;
	v5 =	vor.u32 $0x40C, v1  }
0xb5: {  	v9 =	vld.idx.msk [tilespmem:v15+s12+$0x0], $0xffff  }
0xb6: {  	v17 =	vor.u32 $0x40D, v1;
	v4 =	vadd.f32 v7, v4  }
0xb7: {  	v6 =	vld.idx.msk [tilespmem:v16+s12+$0x0], $0xffff  }
0xb8: {  	v18 =	vor.u32 $0x40E, v1;
	v4 =	vadd.f32 v8, v4  }
0xb9: {  	v5 =	vld.idx.msk [tilespmem:v5+s12+$0x0], $0xffff  }
0xba: {  	v19 =	vor.u32 $0x40F, v1;
	v4 =	vadd.f32 v9, v4  }
0xbb: {  	v7 =	vld.idx.msk [tilespmem:v17+s12+$0x0], $0xffff  }
0xbc: {  	v4 =	vadd.f32 v6, v4  }
0xbd: {  	v10 =	vld.idx.msk [tilespmem:v18+s12+$0x0], $0xffff  }
0xbe: {  	v4 =	vadd.f32 v5, v4  }
0xbf: {  	v5 =	vld.idx.msk [tilespmem:v19+s12+$0x0], $0xffff  }
0xc0: {  	v4 =	vadd.f32 v7, v4;
	_ =	sdelay $0x1  }
0xc1: {  	v11 =	vor.u32 $0x500, v1;
	v4 =	vadd.f32 v10, v4;
	_ =	sdelay $0x1  }
0xc2: {  	v4 =	vadd.f32 v5, v4;
	v5 =	vor.u32 $0x501, v1;
	_ =	sdelay $0x1  }
0xc3: {  	[tilespmem:$0x11040] =	vst v4;
	v4 =	vor.u32 $0x502, v1  }
0xc4: {  	v6 =	vld.idx.msk [tilespmem:v11+s12+$0x0], $0xffff  }
0xc5: {  	v12 =	vor.u32 $0x503, v1  }
0xc6: {  	v5 =	vld.idx.msk [tilespmem:v5+s12+$0x0], $0xffff  }
0xc7: {  	v13 =	vor.u32 $0x504, v1  }
0xc8: {  	v4 =	vld.idx.msk [tilespmem:v4+s12+$0x0], $0xffff  }
0xc9: {  	v14 =	vor.u32 $0x505, v1;
	v6 =	vadd.f32 $0.0e+00, v6  }
0xca: {  	v7 =	vld.idx.msk [tilespmem:v12+s12+$0x0], $0xffff  }
0xcb: {  	v15 =	vor.u32 $0x506, v1;
	v5 =	vadd.f32 v5, v6  }
0xcc: {  	v8 =	vld.idx.msk [tilespmem:v13+s12+$0x0], $0xffff  }
0xcd: {  	v4 =	vadd.f32 v4, v5;
	v5 =	vor.u32 $0x507, v1  }
0xce: {  	v9 =	vld.idx.msk [tilespmem:v14+s12+$0x0], $0xffff  }
0xcf: {  	v16 =	vor.u32 $0x508, v1;
	v4 =	vadd.f32 v7, v4  }
0xd0: {  	v6 =	vld.idx.msk [tilespmem:v15+s12+$0x0], $0xffff  }
0xd1: {  	v17 =	vor.u32 $0x509, v1;
	v4 =	vadd.f32 v8, v4  }
0xd2: {  	v5 =	vld.idx.msk [tilespmem:v5+s12+$0x0], $0xffff  }
0xd3: {  	v18 =	vor.u32 $0x50A, v1;
	v4 =	vadd.f32 v9, v4  }
0xd4: {  	v7 =	vld.idx.msk [tilespmem:v16+s12+$0x0], $0xffff  }
0xd5: {  	v19 =	vor.u32 $0x50B, v1;
	v4 =	vadd.f32 v6, v4  }
0xd6: {  	v8 =	vld.idx.msk [tilespmem:v17+s12+$0x0], $0xffff  }
0xd7: {  	v4 =	vadd.f32 v5, v4;
	v5 =	vor.u32 $0x50C, v1  }
0xd8: {  	v9 =	vld.idx.msk [tilespmem:v18+s12+$0x0], $0xffff  }
0xd9: {  	v12 =	vor.u32 $0x50D, v1;
	v4 =	vadd.f32 v7, v4  }
0xda: {  	v6 =	vld.idx.msk [tilespmem:v19+s12+$0x0], $0xffff  }
0xdb: {  	v13 =	vor.u32 $0x50E, v1;
	v4 =	vadd.f32 v8, v4  }
0xdc: {  	v5 =	vld.idx.msk [tilespmem:v5+s12+$0x0], $0xffff  }
0xdd: {  	v14 =	vor.u32 $0x50F, v1;
	v4 =	vadd.f32 v9, v4  }
0xde: {  	v7 =	vld.idx.msk [tilespmem:v12+s12+$0x0], $0xffff  }
0xdf: {  	v4 =	vadd.f32 v6, v4  }
0xe0: {  	v15 =	vld.idx.msk [tilespmem:v13+s12+$0x0], $0xffff  }
0xe1: {  	v4 =	vadd.f32 v5, v4  }
0xe2: {  	v5 =	vld.idx.msk [tilespmem:v14+s12+$0x0], $0xffff  }
0xe3: {  	v4 =	vadd.f32 v7, v4;
	_ =	sdelay $0x1  }
0xe4: {  	v16 =	vor.u32 $0x600, v1;
	v4 =	vadd.f32 v15, v4;
	_ =	sdelay $0x1  }
0xe5: {  	v4 =	vadd.f32 v5, v4;
	v5 =	vor.u32 $0x601, v1;
	_ =	sdelay $0x1  }
0xe6: {  	[tilespmem:$0x11050] =	vst v4;
	v4 =	vor.u32 $0x602, v1  }
0xe7: {  	v6 =	vld.idx.msk [tilespmem:v16+s12+$0x0], $0xffff  }
0xe8: {  	v17 =	vor.u32 $0x603, v1  }
0xe9: {  	v5 =	vld.idx.msk [tilespmem:v5+s12+$0x0], $0xffff  }
0xea: {  	v18 =	vor.u32 $0x604, v1  }
0xeb: {  	v4 =	vld.idx.msk [tilespmem:v4+s12+$0x0], $0xffff  }
0xec: {  	v19 =	vor.u32 $0x605, v1;
	v6 =	vadd.f32 $0.0e+00, v6  }
0xed: {  	v7 =	vld.idx.msk [tilespmem:v17+s12+$0x0], $0xffff  }
0xee: {  	v12 =	vor.u32 $0x606, v1;
	v5 =	vadd.f32 v5, v6  }
0xef: {  	v8 =	vld.idx.msk [tilespmem:v18+s12+$0x0], $0xffff  }
0xf0: {  	v4 =	vadd.f32 v4, v5;
	v5 =	vor.u32 $0x607, v1  }
0xf1: {  	v9 =	vld.idx.msk [tilespmem:v19+s12+$0x0], $0xffff  }
0xf2: {  	v13 =	vor.u32 $0x608, v1;
	v4 =	vadd.f32 v7, v4  }
0xf3: {  	v6 =	vld.idx.msk [tilespmem:v12+s12+$0x0], $0xffff  }
0xf4: {  	v14 =	vor.u32 $0x609, v1;
	v4 =	vadd.f32 v8, v4  }
0xf5: {  	v5 =	vld.idx.msk [tilespmem:v5+s12+$0x0], $0xffff  }
0xf6: {  	v15 =	vor.u32 $0x60A, v1;
	v4 =	vadd.f32 v9, v4  }
0xf7: {  	v7 =	vld.idx.msk [tilespmem:v13+s12+$0x0], $0xffff  }
0xf8: {  	v16 =	vor.u32 $0x60B, v1;
	v4 =	vadd.f32 v6, v4  }
0xf9: {  	v8 =	vld.idx.msk [tilespmem:v14+s12+$0x0], $0xffff  }
0xfa: {  	v4 =	vadd.f32 v5, v4;
	v5 =	vor.u32 $0x60C, v1  }
0xfb: {  	v9 =	vld.idx.msk [tilespmem:v15+s12+$0x0], $0xffff  }
0xfc: {  	v17 =	vor.u32 $0x60D, v1;
	v4 =	vadd.f32 v7, v4  }
0xfd: {  	v6 =	vld.idx.msk [tilespmem:v16+s12+$0x0], $0xffff  }
0xfe: {  	v18 =	vor.u32 $0x60E, v1;
	v4 =	vadd.f32 v8, v4  }
0xff: {  	v5 =	vld.idx.msk [tilespmem:v5+s12+$0x0], $0xffff  }
0x100: {  	v19 =	vor.u32 $0x60F, v1;
	v4 =	vadd.f32 v9, v4  }
0x101: {  	v7 =	vld.idx.msk [tilespmem:v17+s12+$0x0], $0xffff  }
0x102: {  	v4 =	vadd.f32 v6, v4  }
0x103: {  	v10 =	vld.idx.msk [tilespmem:v18+s12+$0x0], $0xffff  }
0x104: {  	v4 =	vadd.f32 v5, v4  }
0x105: {  	v5 =	vld.idx.msk [tilespmem:v19+s12+$0x0], $0xffff  }
0x106: {  	v4 =	vadd.f32 v7, v4;
	_ =	sdelay $0x1  }
0x107: {  	v11 =	vor.u32 $0x700, v1;
	v4 =	vadd.f32 v10, v4;
	_ =	sdelay $0x1  }
0x108: {  	v4 =	vadd.f32 v5, v4;
	v5 =	vor.u32 $0x701, v1;
	_ =	sdelay $0x1  }
0x109: {  	[tilespmem:$0x11060] =	vst v4;
	v4 =	vor.u32 $0x702, v1  }
0x10a: {  	v6 =	vld.idx.msk [tilespmem:v11+s12+$0x0], $0xffff  }
0x10b: {  	v12 =	vor.u32 $0x703, v1  }
0x10c: {  	v5 =	vld.idx.msk [tilespmem:v5+s12+$0x0], $0xffff  }
0x10d: {  	v13 =	vor.u32 $0x704, v1  }
0x10e: {  	v4 =	vld.idx.msk [tilespmem:v4+s12+$0x0], $0xffff  }
0x10f: {  	v14 =	vor.u32 $0x705, v1;
	v6 =	vadd.f32 $0.0e+00, v6  }
0x110: {  	v7 =	vld.idx.msk [tilespmem:v12+s12+$0x0], $0xffff  }
0x111: {  	v15 =	vor.u32 $0x706, v1;
	v5 =	vadd.f32 v5, v6  }
0x112: {  	v8 =	vld.idx.msk [tilespmem:v13+s12+$0x0], $0xffff  }
0x113: {  	v4 =	vadd.f32 v4, v5;
	v5 =	vor.u32 $0x707, v1  }
0x114: {  	v9 =	vld.idx.msk [tilespmem:v14+s12+$0x0], $0xffff  }
0x115: {  	v16 =	vor.u32 $0x708, v1;
	v4 =	vadd.f32 v7, v4  }
0x116: {  	v6 =	vld.idx.msk [tilespmem:v15+s12+$0x0], $0xffff  }
0x117: {  	v17 =	vor.u32 $0x709, v1;
	v4 =	vadd.f32 v8, v4  }
0x118: {  	v5 =	vld.idx.msk [tilespmem:v5+s12+$0x0], $0xffff  }
0x119: {  	v18 =	vor.u32 $0x70A, v1;
	v4 =	vadd.f32 v9, v4  }
0x11a: {  	v7 =	vld.idx.msk [tilespmem:v16+s12+$0x0], $0xffff  }
0x11b: {  	v19 =	vor.u32 $0x70B, v1;
	v4 =	vadd.f32 v6, v4  }
0x11c: {  	v8 =	vld.idx.msk [tilespmem:v17+s12+$0x0], $0xffff  }
0x11d: {  	v4 =	vadd.f32 v5, v4;
	v5 =	vor.u32 $0x70C, v1  }
0x11e: {  	v9 =	vld.idx.msk [tilespmem:v18+s12+$0x0], $0xffff  }
0x11f: {  	v12 =	vor.u32 $0x70D, v1;
	v4 =	vadd.f32 v7, v4  }
0x120: {  	v6 =	vld.idx.msk [tilespmem:v19+s12+$0x0], $0xffff  }
0x121: {  	v13 =	vor.u32 $0x70E, v1;
	v4 =	vadd.f32 v8, v4  }
0x122: {  	v5 =	vld.idx.msk [tilespmem:v5+s12+$0x0], $0xffff  }
0x123: {  	v14 =	vor.u32 $0x70F, v1;
	v4 =	vadd.f32 v9, v4  }
0x124: {  	v7 =	vld.idx.msk [tilespmem:v12+s12+$0x0], $0xffff  }
0x125: {  	v4 =	vadd.f32 v6, v4  }
0x126: {  	v15 =	vld.idx.msk [tilespmem:v13+s12+$0x0], $0xffff  }
0x127: {  	v4 =	vadd.f32 v5, v4  }
0x128: {  	v5 =	vld.idx.msk [tilespmem:v14+s12+$0x0], $0xffff  }
0x129: {  	v4 =	vadd.f32 v7, v4;
	_ =	sdelay $0x1  }
0x12a: {  	v16 =	vor.u32 $0x800, v1;
	v4 =	vadd.f32 v15, v4;
	_ =	sdelay $0x1  }
0x12b: {  	v4 =	vadd.f32 v5, v4;
	v5 =	vor.u32 $0x801, v1;
	_ =	sdelay $0x1  }
0x12c: {  	[tilespmem:$0x11070] =	vst v4;
	v4 =	vor.u32 $0x802, v1  }
0x12d: {  	v6 =	vld.idx.msk [tilespmem:v16+s12+$0x0], $0xffff  }
0x12e: {  	v17 =	vor.u32 $0x803, v1  }
0x12f: {  	v5 =	vld.idx.msk [tilespmem:v5+s12+$0x0], $0xffff  }
0x130: {  	v18 =	vor.u32 $0x804, v1  }
0x131: {  	v4 =	vld.idx.msk [tilespmem:v4+s12+$0x0], $0xffff  }
0x132: {  	v19 =	vor.u32 $0x805, v1;
	v6 =	vadd.f32 $0.0e+00, v6  }
0x133: {  	v7 =	vld.idx.msk [tilespmem:v17+s12+$0x0], $0xffff  }
0x134: {  	v12 =	vor.u32 $0x806, v1;
	v5 =	vadd.f32 v5, v6  }
0x135: {  	v8 =	vld.idx.msk [tilespmem:v18+s12+$0x0], $0xffff  }
0x136: {  	v4 =	vadd.f32 v4, v5;
	v5 =	vor.u32 $0x807, v1  }
0x137: {  	v9 =	vld.idx.msk [tilespmem:v19+s12+$0x0], $0xffff  }
0x138: {  	v13 =	vor.u32 $0x808, v1;
	v4 =	vadd.f32 v7, v4  }
0x139: {  	v6 =	vld.idx.msk [tilespmem:v12+s12+$0x0], $0xffff  }
0x13a: {  	v14 =	vor.u32 $0x809, v1;
	v4 =	vadd.f32 v8, v4  }
0x13b: {  	v5 =	vld.idx.msk [tilespmem:v5+s12+$0x0], $0xffff  }
0x13c: {  	v15 =	vor.u32 $0x80A, v1;
	v4 =	vadd.f32 v9, v4  }
0x13d: {  	v7 =	vld.idx.msk [tilespmem:v13+s12+$0x0], $0xffff  }
0x13e: {  	v16 =	vor.u32 $0x80B, v1;
	v4 =	vadd.f32 v6, v4  }
0x13f: {  	v8 =	vld.idx.msk [tilespmem:v14+s12+$0x0], $0xffff  }
0x140: {  	v4 =	vadd.f32 v5, v4;
	v5 =	vor.u32 $0x80C, v1  }
0x141: {  	v9 =	vld.idx.msk [tilespmem:v15+s12+$0x0], $0xffff  }
0x142: {  	v17 =	vor.u32 $0x80D, v1;
	v4 =	vadd.f32 v7, v4  }
0x143: {  	v6 =	vld.idx.msk [tilespmem:v16+s12+$0x0], $0xffff  }
0x144: {  	v18 =	vor.u32 $0x80E, v1;
	v4 =	vadd.f32 v8, v4  }
0x145: {  	v5 =	vld.idx.msk [tilespmem:v5+s12+$0x0], $0xffff  }
0x146: {  	v19 =	vor.u32 $0x80F, v1;
	v4 =	vadd.f32 v9, v4  }
0x147: {  	v7 =	vld.idx.msk [tilespmem:v17+s12+$0x0], $0xffff  }
0x148: {  	v4 =	vadd.f32 v6, v4  }
0x149: {  	v10 =	vld.idx.msk [tilespmem:v18+s12+$0x0], $0xffff  }
0x14a: {  	v4 =	vadd.f32 v5, v4  }
0x14b: {  	v5 =	vld.idx.msk [tilespmem:v19+s12+$0x0], $0xffff  }
0x14c: {  	v4 =	vadd.f32 v7, v4;
	_ =	sdelay $0x1  }
0x14d: {  	v11 =	vor.u32 $0x900, v1;
	v4 =	vadd.f32 v10, v4;
	_ =	sdelay $0x1  }
0x14e: {  	v4 =	vadd.f32 v5, v4;
	v5 =	vor.u32 $0x901, v1;
	_ =	sdelay $0x1  }
0x14f: {  	[tilespmem:$0x11080] =	vst v4;
	v4 =	vor.u32 $0x902, v1  }
0x150: {  	v6 =	vld.idx.msk [tilespmem:v11+s12+$0x0], $0xffff  }
0x151: {  	v12 =	vor.u32 $0x903, v1  }
0x152: {  	v5 =	vld.idx.msk [tilespmem:v5+s12+$0x0], $0xffff  }
0x153: {  	v13 =	vor.u32 $0x904, v1  }
0x154: {  	v4 =	vld.idx.msk [tilespmem:v4+s12+$0x0], $0xffff  }
0x155: {  	v14 =	vor.u32 $0x905, v1;
	v6 =	vadd.f32 $0.0e+00, v6  }
0x156: {  	v7 =	vld.idx.msk [tilespmem:v12+s12+$0x0], $0xffff  }
0x157: {  	v15 =	vor.u32 $0x906, v1;
	v5 =	vadd.f32 v5, v6  }
0x158: {  	v8 =	vld.idx.msk [tilespmem:v13+s12+$0x0], $0xffff  }
0x159: {  	v4 =	vadd.f32 v4, v5;
	v5 =	vor.u32 $0x907, v1  }
0x15a: {  	v9 =	vld.idx.msk [tilespmem:v14+s12+$0x0], $0xffff  }
0x15b: {  	v16 =	vor.u32 $0x908, v1;
	v4 =	vadd.f32 v7, v4  }
0x15c: {  	v6 =	vld.idx.msk [tilespmem:v15+s12+$0x0], $0xffff  }
0x15d: {  	v17 =	vor.u32 $0x909, v1;
	v4 =	vadd.f32 v8, v4  }
0x15e: {  	v5 =	vld.idx.msk [tilespmem:v5+s12+$0x0], $0xffff  }
0x15f: {  	v18 =	vor.u32 $0x90A, v1;
	v4 =	vadd.f32 v9, v4  }
0x160: {  	v7 =	vld.idx.msk [tilespmem:v16+s12+$0x0], $0xffff  }
0x161: {  	v19 =	vor.u32 $0x90B, v1;
	v4 =	vadd.f32 v6, v4  }
0x162: {  	v8 =	vld.idx.msk [tilespmem:v17+s12+$0x0], $0xffff  }
0x163: {  	v4 =	vadd.f32 v5, v4;
	v5 =	vor.u32 $0x90C, v1  }
0x164: {  	v9 =	vld.idx.msk [tilespmem:v18+s12+$0x0], $0xffff  }
0x165: {  	v12 =	vor.u32 $0x90D, v1;
	v4 =	vadd.f32 v7, v4  }
0x166: {  	v6 =	vld.idx.msk [tilespmem:v19+s12+$0x0], $0xffff  }
0x167: {  	v13 =	vor.u32 $0x90E, v1;
	v4 =	vadd.f32 v8, v4  }
0x168: {  	v5 =	vld.idx.msk [tilespmem:v5+s12+$0x0], $0xffff  }
0x169: {  	v14 =	vor.u32 $0x90F, v1;
	v4 =	vadd.f32 v9, v4  }
0x16a: {  	v7 =	vld.idx.msk [tilespmem:v12+s12+$0x0], $0xffff  }
0x16b: {  	v4 =	vadd.f32 v6, v4  }
0x16c: {  	v15 =	vld.idx.msk [tilespmem:v13+s12+$0x0], $0xffff  }
0x16d: {  	v4 =	vadd.f32 v5, v4  }
0x16e: {  	v5 =	vld.idx.msk [tilespmem:v14+s12+$0x0], $0xffff  }
0x16f: {  	v4 =	vadd.f32 v7, v4;
	_ =	sdelay $0x1  }
0x170: {  	v16 =	vor.u32 $0xA00, v1;
	v4 =	vadd.f32 v15, v4;
	_ =	sdelay $0x1  }
0x171: {  	v4 =	vadd.f32 v5, v4;
	v5 =	vor.u32 $0xA01, v1;
	_ =	sdelay $0x1  }
0x172: {  	[tilespmem:$0x11090] =	vst v4;
	v4 =	vor.u32 $0xA02, v1  }
0x173: {  	v6 =	vld.idx.msk [tilespmem:v16+s12+$0x0], $0xffff  }
0x174: {  	v17 =	vor.u32 $0xA03, v1  }
0x175: {  	v5 =	vld.idx.msk [tilespmem:v5+s12+$0x0], $0xffff  }
0x176: {  	v18 =	vor.u32 $0xA04, v1  }
0x177: {  	v4 =	vld.idx.msk [tilespmem:v4+s12+$0x0], $0xffff  }
0x178: {  	v19 =	vor.u32 $0xA05, v1;
	v6 =	vadd.f32 $0.0e+00, v6  }
0x179: {  	v7 =	vld.idx.msk [tilespmem:v17+s12+$0x0], $0xffff  }
0x17a: {  	v12 =	vor.u32 $0xA06, v1;
	v5 =	vadd.f32 v5, v6  }
0x17b: {  	v8 =	vld.idx.msk [tilespmem:v18+s12+$0x0], $0xffff  }
0x17c: {  	v4 =	vadd.f32 v4, v5;
	v5 =	vor.u32 $0xA07, v1  }
0x17d: {  	v9 =	vld.idx.msk [tilespmem:v19+s12+$0x0], $0xffff  }
0x17e: {  	v13 =	vor.u32 $0xA08, v1;
	v4 =	vadd.f32 v7, v4  }
0x17f: {  	v6 =	vld.idx.msk [tilespmem:v12+s12+$0x0], $0xffff  }
0x180: {  	v14 =	vor.u32 $0xA09, v1;
	v4 =	vadd.f32 v8, v4  }
0x181: {  	v5 =	vld.idx.msk [tilespmem:v5+s12+$0x0], $0xffff  }
0x182: {  	v15 =	vor.u32 $0xA0A, v1;
	v4 =	vadd.f32 v9, v4  }
0x183: {  	v7 =	vld.idx.msk [tilespmem:v13+s12+$0x0], $0xffff  }
0x184: {  	v16 =	vor.u32 $0xA0B, v1;
	v4 =	vadd.f32 v6, v4  }
0x185: {  	v8 =	vld.idx.msk [tilespmem:v14+s12+$0x0], $0xffff  }
0x186: {  	v4 =	vadd.f32 v5, v4;
	v5 =	vor.u32 $0xA0C, v1  }
0x187: {  	v9 =	vld.idx.msk [tilespmem:v15+s12+$0x0], $0xffff  }
0x188: {  	v17 =	vor.u32 $0xA0D, v1;
	v4 =	vadd.f32 v7, v4  }
0x189: {  	v6 =	vld.idx.msk [tilespmem:v16+s12+$0x0], $0xffff  }
0x18a: {  	v18 =	vor.u32 $0xA0E, v1;
	v4 =	vadd.f32 v8, v4  }
0x18b: {  	v5 =	vld.idx.msk [tilespmem:v5+s12+$0x0], $0xffff  }
0x18c: {  	v19 =	vor.u32 $0xA0F, v1;
	v4 =	vadd.f32 v9, v4  }
0x18d: {  	v7 =	vld.idx.msk [tilespmem:v17+s12+$0x0], $0xffff  }
0x18e: {  	v4 =	vadd.f32 v6, v4  }
0x18f: {  	v10 =	vld.idx.msk [tilespmem:v18+s12+$0x0], $0xffff  }
0x190: {  	v4 =	vadd.f32 v5, v4  }
0x191: {  	v5 =	vld.idx.msk [tilespmem:v19+s12+$0x0], $0xffff  }
0x192: {  	v4 =	vadd.f32 v7, v4;
	_ =	sdelay $0x1  }
0x193: {  	v11 =	vor.u32 $0xB00, v1;
	v4 =	vadd.f32 v10, v4;
	_ =	sdelay $0x1  }
0x194: {  	v4 =	vadd.f32 v5, v4;
	v5 =	vor.u32 $0xB01, v1;
	_ =	sdelay $0x1  }
0x195: {  	[tilespmem:$0x110A0] =	vst v4;
	v4 =	vor.u32 $0xB02, v1  }
0x196: {  	v6 =	vld.idx.msk [tilespmem:v11+s12+$0x0], $0xffff  }
0x197: {  	v12 =	vor.u32 $0xB03, v1  }
0x198: {  	v5 =	vld.idx.msk [tilespmem:v5+s12+$0x0], $0xffff  }
0x199: {  	v13 =	vor.u32 $0xB04, v1  }
0x19a: {  	v4 =	vld.idx.msk [tilespmem:v4+s12+$0x0], $0xffff  }
0x19b: {  	v14 =	vor.u32 $0xB05, v1;
	v6 =	vadd.f32 $0.0e+00, v6  }
0x19c: {  	v7 =	vld.idx.msk [tilespmem:v12+s12+$0x0], $0xffff  }
0x19d: {  	v15 =	vor.u32 $0xB06, v1;
	v5 =	vadd.f32 v5, v6  }
0x19e: {  	v8 =	vld.idx.msk [tilespmem:v13+s12+$0x0], $0xffff  }
0x19f: {  	v4 =	vadd.f32 v4, v5;
	v5 =	vor.u32 $0xB07, v1  }
0x1a0: {  	v9 =	vld.idx.msk [tilespmem:v14+s12+$0x0], $0xffff  }
0x1a1: {  	v16 =	vor.u32 $0xB08, v1;
	v4 =	vadd.f32 v7, v4  }
0x1a2: {  	v6 =	vld.idx.msk [tilespmem:v15+s12+$0x0], $0xffff  }
0x1a3: {  	v17 =	vor.u32 $0xB09, v1;
	v4 =	vadd.f32 v8, v4  }
0x1a4: {  	v5 =	vld.idx.msk [tilespmem:v5+s12+$0x0], $0xffff  }
0x1a5: {  	v18 =	vor.u32 $0xB0A, v1;
	v4 =	vadd.f32 v9, v4  }
0x1a6: {  	v7 =	vld.idx.msk [tilespmem:v16+s12+$0x0], $0xffff  }
0x1a7: {  	v19 =	vor.u32 $0xB0B, v1;
	v4 =	vadd.f32 v6, v4  }
0x1a8: {  	v8 =	vld.idx.msk [tilespmem:v17+s12+$0x0], $0xffff  }
0x1a9: {  	v4 =	vadd.f32 v5, v4;
	v5 =	vor.u32 $0xB0C, v1  }
0x1aa: {  	v9 =	vld.idx.msk [tilespmem:v18+s12+$0x0], $0xffff  }
0x1ab: {  	v12 =	vor.u32 $0xB0D, v1;
	v4 =	vadd.f32 v7, v4  }
0x1ac: {  	v6 =	vld.idx.msk [tilespmem:v19+s12+$0x0], $0xffff  }
0x1ad: {  	v13 =	vor.u32 $0xB0E, v1;
	v4 =	vadd.f32 v8, v4  }
0x1ae: {  	v5 =	vld.idx.msk [tilespmem:v5+s12+$0x0], $0xffff  }
0x1af: {  	v14 =	vor.u32 $0xB0F, v1;
	v4 =	vadd.f32 v9, v4  }
0x1b0: {  	v7 =	vld.idx.msk [tilespmem:v12+s12+$0x0], $0xffff  }
0x1b1: {  	v4 =	vadd.f32 v6, v4  }
0x1b2: {  	v15 =	vld.idx.msk [tilespmem:v13+s12+$0x0], $0xffff  }
0x1b3: {  	v4 =	vadd.f32 v5, v4  }
0x1b4: {  	v5 =	vld.idx.msk [tilespmem:v14+s12+$0x0], $0xffff  }
0x1b5: {  	v4 =	vadd.f32 v7, v4;
	_ =	sdelay $0x1  }
0x1b6: {  	v16 =	vor.u32 $0xC00, v1;
	v4 =	vadd.f32 v15, v4;
	_ =	sdelay $0x1  }
0x1b7: {  	v4 =	vadd.f32 v5, v4;
	v5 =	vor.u32 $0xC01, v1;
	_ =	sdelay $0x1  }
0x1b8: {  	[tilespmem:$0x110B0] =	vst v4;
	v4 =	vor.u32 $0xC02, v1  }
0x1b9: {  	v6 =	vld.idx.msk [tilespmem:v16+s12+$0x0], $0xffff  }
0x1ba: {  	v17 =	vor.u32 $0xC03, v1  }
0x1bb: {  	v5 =	vld.idx.msk [tilespmem:v5+s12+$0x0], $0xffff  }
0x1bc: {  	v18 =	vor.u32 $0xC04, v1  }
0x1bd: {  	v4 =	vld.idx.msk [tilespmem:v4+s12+$0x0], $0xffff  }
0x1be: {  	v19 =	vor.u32 $0xC05, v1;
	v6 =	vadd.f32 $0.0e+00, v6  }
0x1bf: {  	v7 =	vld.idx.msk [tilespmem:v17+s12+$0x0], $0xffff  }
0x1c0: {  	v12 =	vor.u32 $0xC06, v1;
	v5 =	vadd.f32 v5, v6  }
0x1c1: {  	v8 =	vld.idx.msk [tilespmem:v18+s12+$0x0], $0xffff  }
0x1c2: {  	v4 =	vadd.f32 v4, v5;
	v5 =	vor.u32 $0xC07, v1  }
0x1c3: {  	v9 =	vld.idx.msk [tilespmem:v19+s12+$0x0], $0xffff  }
0x1c4: {  	v13 =	vor.u32 $0xC08, v1;
	v4 =	vadd.f32 v7, v4  }
0x1c5: {  	v6 =	vld.idx.msk [tilespmem:v12+s12+$0x0], $0xffff  }
0x1c6: {  	v14 =	vor.u32 $0xC09, v1;
	v4 =	vadd.f32 v8, v4  }
0x1c7: {  	v5 =	vld.idx.msk [tilespmem:v5+s12+$0x0], $0xffff  }
0x1c8: {  	v15 =	vor.u32 $0xC0A, v1;
	v4 =	vadd.f32 v9, v4  }
0x1c9: {  	v7 =	vld.idx.msk [tilespmem:v13+s12+$0x0], $0xffff  }
0x1ca: {  	v16 =	vor.u32 $0xC0B, v1;
	v4 =	vadd.f32 v6, v4  }
0x1cb: {  	v8 =	vld.idx.msk [tilespmem:v14+s12+$0x0], $0xffff  }
0x1cc: {  	v4 =	vadd.f32 v5, v4;
	v5 =	vor.u32 $0xC0C, v1  }
0x1cd: {  	v9 =	vld.idx.msk [tilespmem:v15+s12+$0x0], $0xffff  }
0x1ce: {  	v17 =	vor.u32 $0xC0D, v1;
	v4 =	vadd.f32 v7, v4  }
0x1cf: {  	v6 =	vld.idx.msk [tilespmem:v16+s12+$0x0], $0xffff  }
0x1d0: {  	v18 =	vor.u32 $0xC0E, v1;
	v4 =	vadd.f32 v8, v4  }
0x1d1: {  	v5 =	vld.idx.msk [tilespmem:v5+s12+$0x0], $0xffff  }
0x1d2: {  	v19 =	vor.u32 $0xC0F, v1;
	v4 =	vadd.f32 v9, v4  }
0x1d3: {  	v7 =	vld.idx.msk [tilespmem:v17+s12+$0x0], $0xffff  }
0x1d4: {  	v4 =	vadd.f32 v6, v4  }
0x1d5: {  	v12 =	vld.idx.msk [tilespmem:v18+s12+$0x0], $0xffff  }
0x1d6: {  	v4 =	vadd.f32 v5, v4  }
0x1d7: {  	v5 =	vld.idx.msk [tilespmem:v19+s12+$0x0], $0xffff  }
0x1d8: {  	v4 =	vadd.f32 v7, v4;
	_ =	sdelay $0x1  }
0x1d9: {  	v13 =	vor.u32 $0xD00, v1;
	v4 =	vadd.f32 v12, v4;
	_ =	sdelay $0x1  }
0x1da: {  	v4 =	vadd.f32 v5, v4;
	v5 =	vor.u32 $0xD01, v1;
	_ =	sdelay $0x1  }
0x1db: {  	[tilespmem:$0x110C0] =	vst v4;
	v4 =	vor.u32 $0xD02, v1  }
0x1dc: {  	v6 =	vld.idx.msk [tilespmem:v13+s12+$0x0], $0xffff  }
0x1dd: {  	v14 =	vor.u32 $0xD03, v1  }
0x1de: {  	v5 =	vld.idx.msk [tilespmem:v5+s12+$0x0], $0xffff  }
0x1df: {  	v15 =	vor.u32 $0xD04, v1  }
0x1e0: {  	v4 =	vld.idx.msk [tilespmem:v4+s12+$0x0], $0xffff  }
0x1e1: {  	v16 =	vor.u32 $0xD05, v1;
	v6 =	vadd.f32 $0.0e+00, v6  }
0x1e2: {  	v7 =	vld.idx.msk [tilespmem:v14+s12+$0x0], $0xffff  }
0x1e3: {  	v17 =	vor.u32 $0xD06, v1;
	v5 =	vadd.f32 v5, v6  }
0x1e4: {  	v8 =	vld.idx.msk [tilespmem:v15+s12+$0x0], $0xffff  }
0x1e5: {  	v4 =	vadd.f32 v4, v5;
	v5 =	vor.u32 $0xD07, v1  }
0x1e6: {  	v9 =	vld.idx.msk [tilespmem:v16+s12+$0x0], $0xffff  }
0x1e7: {  	v18 =	vor.u32 $0xD08, v1;
	v4 =	vadd.f32 v7, v4  }
0x1e8: {  	v6 =	vld.idx.msk [tilespmem:v17+s12+$0x0], $0xffff  }
0x1e9: {  	v19 =	vor.u32 $0xD09, v1;
	v4 =	vadd.f32 v8, v4  }
0x1ea: {  	v5 =	vld.idx.msk [tilespmem:v5+s12+$0x0], $0xffff  }
0x1eb: {  	v12 =	vor.u32 $0xD0A, v1;
	v4 =	vadd.f32 v9, v4  }
0x1ec: {  	v7 =	vld.idx.msk [tilespmem:v18+s12+$0x0], $0xffff  }
0x1ed: {  	v13 =	vor.u32 $0xD0B, v1;
	v4 =	vadd.f32 v6, v4  }
0x1ee: {  	v8 =	vld.idx.msk [tilespmem:v19+s12+$0x0], $0xffff  }
0x1ef: {  	v4 =	vadd.f32 v5, v4;
	v5 =	vor.u32 $0xD0C, v1  }
0x1f0: {  	v9 =	vld.idx.msk [tilespmem:v12+s12+$0x0], $0xffff  }
0x1f1: {  	v14 =	vor.u32 $0xD0D, v1;
	v4 =	vadd.f32 v7, v4  }
0x1f2: {  	v6 =	vld.idx.msk [tilespmem:v13+s12+$0x0], $0xffff  }
0x1f3: {  	v15 =	vor.u32 $0xD0E, v1;
	v4 =	vadd.f32 v8, v4  }
0x1f4: {  	v5 =	vld.idx.msk [tilespmem:v5+s12+$0x0], $0xffff  }
0x1f5: {  	v16 =	vor.u32 $0xD0F, v1;
	v4 =	vadd.f32 v9, v4  }
0x1f6: {  	v7 =	vld.idx.msk [tilespmem:v14+s12+$0x0], $0xffff  }
0x1f7: {  	v4 =	vadd.f32 v6, v4  }
0x1f8: {  	v17 =	vld.idx.msk [tilespmem:v15+s12+$0x0], $0xffff  }
0x1f9: {  	v4 =	vadd.f32 v5, v4  }
0x1fa: {  	v5 =	vld.idx.msk [tilespmem:v16+s12+$0x0], $0xffff  }
0x1fb: {  	v4 =	vadd.f32 v7, v4;
	_ =	sdelay $0x1  }
0x1fc: {  	v18 =	vor.u32 $0xE00, v1;
	v4 =	vadd.f32 v17, v4;
	_ =	sdelay $0x1  }
0x1fd: {  	v4 =	vadd.f32 v5, v4;
	v5 =	vor.u32 $0xE01, v1;
	_ =	sdelay $0x1  }
0x1fe: {  	[tilespmem:$0x110D0] =	vst v4;
	v4 =	vor.u32 $0xE02, v1  }
0x1ff: {  	v6 =	vld.idx.msk [tilespmem:v18+s12+$0x0], $0xffff  }
0x200: {  	v19 =	vor.u32 $0xE03, v1  }
0x201: {  	v5 =	vld.idx.msk [tilespmem:v5+s12+$0x0], $0xffff  }
0x202: {  	v12 =	vor.u32 $0xE04, v1  }
0x203: {  	v4 =	vld.idx.msk [tilespmem:v4+s12+$0x0], $0xffff  }
0x204: {  	v13 =	vor.u32 $0xE05, v1;
	v6 =	vadd.f32 $0.0e+00, v6  }
0x205: {  	v7 =	vld.idx.msk [tilespmem:v19+s12+$0x0], $0xffff  }
0x206: {  	v14 =	vor.u32 $0xE06, v1;
	v5 =	vadd.f32 v5, v6  }
0x207: {  	v8 =	vld.idx.msk [tilespmem:v12+s12+$0x0], $0xffff  }
0x208: {  	v4 =	vadd.f32 v4, v5;
	v5 =	vor.u32 $0xE07, v1  }
0x209: {  	v9 =	vld.idx.msk [tilespmem:v13+s12+$0x0], $0xffff  }
0x20a: {  	v15 =	vor.u32 $0xE08, v1;
	v4 =	vadd.f32 v7, v4  }
0x20b: {  	v6 =	vld.idx.msk [tilespmem:v14+s12+$0x0], $0xffff  }
0x20c: {  	v16 =	vor.u32 $0xE09, v1;
	v4 =	vadd.f32 v8, v4  }
0x20d: {  	v5 =	vld.idx.msk [tilespmem:v5+s12+$0x0], $0xffff  }
0x20e: {  	v17 =	vor.u32 $0xE0A, v1;
	v4 =	vadd.f32 v9, v4  }
0x20f: {  	v7 =	vld.idx.msk [tilespmem:v15+s12+$0x0], $0xffff  }
0x210: {  	v18 =	vor.u32 $0xE0B, v1;
	v4 =	vadd.f32 v6, v4  }
0x211: {  	v8 =	vld.idx.msk [tilespmem:v16+s12+$0x0], $0xffff  }
0x212: {  	v4 =	vadd.f32 v5, v4;
	v5 =	vor.u32 $0xE0C, v1  }
0x213: {  	v9 =	vld.idx.msk [tilespmem:v17+s12+$0x0], $0xffff  }
0x214: {  	v19 =	vor.u32 $0xE0D, v1;
	v4 =	vadd.f32 v7, v4  }
0x215: {  	v6 =	vld.idx.msk [tilespmem:v18+s12+$0x0], $0xffff  }
0x216: {  	v12 =	vor.u32 $0xE0E, v1;
	v4 =	vadd.f32 v8, v4  }
0x217: {  	v5 =	vld.idx.msk [tilespmem:v5+s12+$0x0], $0xffff  }
0x218: {  	v13 =	vor.u32 $0xE0F, v1;
	v4 =	vadd.f32 v9, v4  }
0x219: {  	v7 =	vld.idx.msk [tilespmem:v19+s12+$0x0], $0xffff  }
0x21a: {  	v4 =	vadd.f32 v6, v4  }
0x21b: {  	v14 =	vld.idx.msk [tilespmem:v12+s12+$0x0], $0xffff  }
0x21c: {  	v4 =	vadd.f32 v5, v4  }
0x21d: {  	v5 =	vld.idx.msk [tilespmem:v13+s12+$0x0], $0xffff  }
0x21e: {  	v4 =	vadd.f32 v7, v4;
	_ =	sdelay $0x1  }
0x21f: {  	v15 =	vor.u32 $0xF00, v1;
	v4 =	vadd.f32 v14, v4;
	_ =	sdelay $0x1  }
0x220: {  	v4 =	vadd.f32 v5, v4;
	v5 =	vor.u32 $0xF01, v1;
	_ =	sdelay $0x1  }
0x221: {  	[tilespmem:$0x110E0] =	vst v4;
	v4 =	vor.u32 $0xF02, v1  }
0x222: {  	v6 =	vld.idx.msk [tilespmem:v15+s12+$0x0], $0xffff  }
0x223: {  	v16 =	vor.u32 $0xF03, v1  }
0x224: {  	v5 =	vld.idx.msk [tilespmem:v5+s12+$0x0], $0xffff  }
0x225: {  	v17 =	vor.u32 $0xF04, v1  }
0x226: {  	v4 =	vld.idx.msk [tilespmem:v4+s12+$0x0], $0xffff  }
0x227: {  	v18 =	vor.u32 $0xF05, v1;
	v6 =	vadd.f32 $0.0e+00, v6  }
0x228: {  	v7 =	vld.idx.msk [tilespmem:v16+s12+$0x0], $0xffff  }
0x229: {  	v19 =	vor.u32 $0xF06, v1;
	v5 =	vadd.f32 v5, v6  }
0x22a: {  	v8 =	vld.idx.msk [tilespmem:v17+s12+$0x0], $0xffff  }
0x22b: {  	v4 =	vadd.f32 v4, v5;
	v5 =	vor.u32 $0xF07, v1  }
0x22c: {  	v9 =	vld.idx.msk [tilespmem:v18+s12+$0x0], $0xffff  }
0x22d: {  	v12 =	vor.u32 $0xF08, v1;
	v4 =	vadd.f32 v7, v4  }
0x22e: {  	v6 =	vld.idx.msk [tilespmem:v19+s12+$0x0], $0xffff  }
0x22f: {  	v13 =	vor.u32 $0xF09, v1;
	v4 =	vadd.f32 v8, v4  }
0x230: {  	v5 =	vld.idx.msk [tilespmem:v5+s12+$0x0], $0xffff  }
0x231: {  	v14 =	vor.u32 $0xF0A, v1;
	v4 =	vadd.f32 v9, v4  }
0x232: {  	v7 =	vld.idx.msk [tilespmem:v12+s12+$0x0], $0xffff  }
0x233: {  	v15 =	vor.u32 $0xF0B, v1;
	v4 =	vadd.f32 v6, v4  }
0x234: {  	v8 =	vld.idx.msk [tilespmem:v13+s12+$0x0], $0xffff  }
0x235: {  	v4 =	vadd.f32 v5, v4;
	v5 =	vor.u32 $0xF0C, v1  }
0x236: {  	v9 =	vld.idx.msk [tilespmem:v14+s12+$0x0], $0xffff  }
0x237: {  	v16 =	vor.u32 $0xF0D, v1;
	v4 =	vadd.f32 v7, v4  }
0x238: {  	v6 =	vld.idx.msk [tilespmem:v15+s12+$0x0], $0xffff  }
0x239: {  	v17 =	vor.u32 $0xF0E, v1;
	v4 =	vadd.f32 v8, v4  }
0x23a: {  	v5 =	vld.idx.msk [tilespmem:v5+s12+$0x0], $0xffff  }
0x23b: {  	v18 =	vor.u32 $0xF0F, v1;
	v4 =	vadd.f32 v9, v4  }
0x23c: {  	v7 =	vld.idx.msk [tilespmem:v16+s12+$0x0], $0xffff  }
0x23d: {  	v4 =	vadd.f32 v6, v4  }
0x23e: {  	v19 =	vld.idx.msk [tilespmem:v17+s12+$0x0], $0xffff  }
0x23f: {  	v4 =	vadd.f32 v5, v4  }
0x240: {  	v5 =	vld.idx.msk [tilespmem:v18+s12+$0x0], $0xffff  }
0x241: {  	v4 =	vadd.f32 v7, v4;
	_ =	sdelay $0x1  }
0x242: {  	v4 =	vadd.f32 v19, v4;
	_ =	sdelay $0x1  }
0x243: {  	s16 =	sadd.s32 $0x1, s16;
	v4 =	vadd.f32 v5, v4  }
0x244: {  	p0 =	sne.s32 s16, s9  }
.Ltmp1:
0x245: {  	[tilespmem:$0x110F0] =	vst v4;
	(pc) =	sbr.rel @!p0 .LBB2_9-.Ltmp1, $4  }
0x246: {  	[hbm4b:s8+s3] =	stream.linear.scatter [tilespmem:s14], [sflag:$0x3], $0x100, $0x38;
	[tilespmem:$0x11100] =	vst v63  }
0x247: {  	_ =	swait.ge [sflag:s15], $0x100  }
0x248: {  	[sflag:s15] =	ssyncset.done $0x0  }
0x249: {  	[sflag:s15] =	ssyncadd.s32 $0xFFFFFF00  }
.LBB2_1:
0x24a: {  	[tilespmem:$0x10000] =	vst v2  }
0x24b: {  	[tilespmem:$0x10010] =	vst v2  }
0x24c: {  	[tilespmem:$0x10020] =	vst v2  }
0x24d: {  	[tilespmem:$0x10030] =	vst v2  }
0x24e: {  	[tilespmem:$0x10040] =	vst v2  }
0x24f: {  	[tilespmem:$0x10050] =	vst v2  }
0x250: {  	[tilespmem:$0x10060] =	vst v2  }
0x251: {  	[tilespmem:$0x10070] =	vst v2  }
0x252: {  	[tilespmem:$0x10080] =	vst v2  }
0x253: {  	[tilespmem:$0x10090] =	vst v2  }
0x254: {  	[tilespmem:$0x100A0] =	vst v2  }
0x255: {  	[tilespmem:$0x100B0] =	vst v2  }
0x256: {  	[tilespmem:$0x100C0] =	vst v2  }
0x257: {  	[tilespmem:$0x100D0] =	vst v2  }
0x258: {  	[tilespmem:$0x100E0] =	vst v2  }
0x259: {  	[tilespmem:$0x100F0] =	vst v2  }
0x25a: {  	[tilespmem:$0x10100] =	vst v2  }
0x25b: {  	[tilespmem:$0x10110] =	vst v2  }
0x25c: {  	[tilespmem:$0x10120] =	vst v2  }
0x25d: {  	[tilespmem:$0x10130] =	vst v2  }
0x25e: {  	[tilespmem:$0x10140] =	vst v2  }
0x25f: {  	[tilespmem:$0x10150] =	vst v2  }
0x260: {  	[tilespmem:$0x10160] =	vst v2  }
0x261: {  	[tilespmem:$0x10170] =	vst v2  }
0x262: {  	[tilespmem:$0x10180] =	vst v2  }
0x263: {  	[tilespmem:$0x10190] =	vst v2  }
0x264: {  	[tilespmem:$0x101A0] =	vst v2  }
0x265: {  	[tilespmem:$0x101B0] =	vst v2  }
0x266: {  	[tilespmem:$0x101C0] =	vst v2  }
0x267: {  	[tilespmem:$0x101D0] =	vst v2  }
0x268: {  	[tilespmem:$0x101E0] =	vst v2  }
0x269: {  	[tilespmem:$0x101F0] =	vst v2  }
0x26a: {  	[tilespmem:$0x10200] =	vst v2  }
0x26b: {  	[tilespmem:$0x10210] =	vst v2  }
0x26c: {  	[tilespmem:$0x10220] =	vst v2  }
0x26d: {  	[tilespmem:$0x10230] =	vst v2  }
0x26e: {  	[tilespmem:$0x10240] =	vst v2  }
0x26f: {  	[tilespmem:$0x10250] =	vst v2  }
0x270: {  	[tilespmem:$0x10260] =	vst v2  }
0x271: {  	[tilespmem:$0x10270] =	vst v2  }
0x272: {  	[tilespmem:$0x10280] =	vst v2  }
0x273: {  	[tilespmem:$0x10290] =	vst v2  }
0x274: {  	[tilespmem:$0x102A0] =	vst v2  }
0x275: {  	[tilespmem:$0x102B0] =	vst v2  }
0x276: {  	[tilespmem:$0x102C0] =	vst v2  }
0x277: {  	[tilespmem:$0x102D0] =	vst v2  }
0x278: {  	[tilespmem:$0x102E0] =	vst v2  }
0x279: {  	[tilespmem:$0x102F0] =	vst v2  }
0x27a: {  	[tilespmem:$0x10300] =	vst v2  }
0x27b: {  	[tilespmem:$0x10310] =	vst v2  }
0x27c: {  	[tilespmem:$0x10320] =	vst v2  }
0x27d: {  	[tilespmem:$0x10330] =	vst v2  }
0x27e: {  	[tilespmem:$0x10340] =	vst v2  }
0x27f: {  	[tilespmem:$0x10350] =	vst v2  }
0x280: {  	[tilespmem:$0x10360] =	vst v2  }
0x281: {  	[tilespmem:$0x10370] =	vst v2  }
0x282: {  	[tilespmem:$0x10380] =	vst v2  }
0x283: {  	[tilespmem:$0x10390] =	vst v2  }
0x284: {  	[tilespmem:$0x103A0] =	vst v2  }
0x285: {  	[tilespmem:$0x103B0] =	vst v2  }
0x286: {  	[tilespmem:$0x103C0] =	vst v2  }
0x287: {  	[tilespmem:$0x103D0] =	vst v2  }
0x288: {  	[tilespmem:$0x103E0] =	vst v2  }
0x289: {  	[tilespmem:$0x103F0] =	vst v2  }
0x28a: {  	[tilespmem:$0x10400] =	vst v2  }
0x28b: {  	[tilespmem:$0x10410] =	vst v2  }
0x28c: {  	[tilespmem:$0x10420] =	vst v2  }
0x28d: {  	[tilespmem:$0x10430] =	vst v2  }
0x28e: {  	[tilespmem:$0x10440] =	vst v2  }
0x28f: {  	[tilespmem:$0x10450] =	vst v2  }
0x290: {  	[tilespmem:$0x10460] =	vst v2  }
0x291: {  	[tilespmem:$0x10470] =	vst v2  }
0x292: {  	[tilespmem:$0x10480] =	vst v2  }
0x293: {  	[tilespmem:$0x10490] =	vst v2  }
0x294: {  	[tilespmem:$0x104A0] =	vst v2  }
0x295: {  	[tilespmem:$0x104B0] =	vst v2  }
0x296: {  	[tilespmem:$0x104C0] =	vst v2  }
0x297: {  	[tilespmem:$0x104D0] =	vst v2  }
0x298: {  	[tilespmem:$0x104E0] =	vst v2  }
0x299: {  	[tilespmem:$0x104F0] =	vst v2  }
0x29a: {  	[tilespmem:$0x10500] =	vst v2  }
0x29b: {  	[tilespmem:$0x10510] =	vst v2  }
0x29c: {  	[tilespmem:$0x10520] =	vst v2  }
0x29d: {  	[tilespmem:$0x10530] =	vst v2  }
0x29e: {  	[tilespmem:$0x10540] =	vst v2  }
0x29f: {  	[tilespmem:$0x10550] =	vst v2  }
0x2a0: {  	[tilespmem:$0x10560] =	vst v2  }
0x2a1: {  	[tilespmem:$0x10570] =	vst v2  }
0x2a2: {  	[tilespmem:$0x10580] =	vst v2  }
0x2a3: {  	[tilespmem:$0x10590] =	vst v2  }
0x2a4: {  	[tilespmem:$0x105A0] =	vst v2  }
0x2a5: {  	[tilespmem:$0x105B0] =	vst v2  }
0x2a6: {  	[tilespmem:$0x105C0] =	vst v2  }
0x2a7: {  	[tilespmem:$0x105D0] =	vst v2  }
0x2a8: {  	[tilespmem:$0x105E0] =	vst v2  }
0x2a9: {  	[tilespmem:$0x105F0] =	vst v2  }
0x2aa: {  	[tilespmem:$0x10600] =	vst v2  }
0x2ab: {  	[tilespmem:$0x10610] =	vst v2  }
0x2ac: {  	[tilespmem:$0x10620] =	vst v2  }
0x2ad: {  	[tilespmem:$0x10630] =	vst v2  }
0x2ae: {  	[tilespmem:$0x10640] =	vst v2  }
0x2af: {  	[tilespmem:$0x10650] =	vst v2  }
0x2b0: {  	[tilespmem:$0x10660] =	vst v2  }
0x2b1: {  	[tilespmem:$0x10670] =	vst v2  }
0x2b2: {  	[tilespmem:$0x10680] =	vst v2  }
0x2b3: {  	[tilespmem:$0x10690] =	vst v2  }
0x2b4: {  	[tilespmem:$0x106A0] =	vst v2  }
0x2b5: {  	[tilespmem:$0x106B0] =	vst v2  }
0x2b6: {  	[tilespmem:$0x106C0] =	vst v2  }
0x2b7: {  	[tilespmem:$0x106D0] =	vst v2  }
0x2b8: {  	[tilespmem:$0x106E0] =	vst v2  }
0x2b9: {  	[tilespmem:$0x106F0] =	vst v2  }
0x2ba: {  	[tilespmem:$0x10700] =	vst v2  }
0x2bb: {  	[tilespmem:$0x10710] =	vst v2  }
0x2bc: {  	[tilespmem:$0x10720] =	vst v2  }
0x2bd: {  	[tilespmem:$0x10730] =	vst v2  }
0x2be: {  	[tilespmem:$0x10740] =	vst v2  }
0x2bf: {  	[tilespmem:$0x10750] =	vst v2  }
0x2c0: {  	[tilespmem:$0x10760] =	vst v2  }
0x2c1: {  	[tilespmem:$0x10770] =	vst v2  }
0x2c2: {  	[tilespmem:$0x10780] =	vst v2  }
0x2c3: {  	[tilespmem:$0x10790] =	vst v2  }
0x2c4: {  	[tilespmem:$0x107A0] =	vst v2  }
0x2c5: {  	[tilespmem:$0x107B0] =	vst v2  }
0x2c6: {  	[tilespmem:$0x107C0] =	vst v2  }
0x2c7: {  	[tilespmem:$0x107D0] =	vst v2  }
0x2c8: {  	[tilespmem:$0x107E0] =	vst v2  }
0x2c9: {  	[tilespmem:$0x107F0] =	vst v2  }
0x2ca: {  	[tilespmem:$0x10800] =	vst v2  }
0x2cb: {  	[tilespmem:$0x10810] =	vst v2  }
0x2cc: {  	[tilespmem:$0x10820] =	vst v2  }
0x2cd: {  	[tilespmem:$0x10830] =	vst v2  }
0x2ce: {  	[tilespmem:$0x10840] =	vst v2  }
0x2cf: {  	[tilespmem:$0x10850] =	vst v2  }
0x2d0: {  	[tilespmem:$0x10860] =	vst v2  }
0x2d1: {  	[tilespmem:$0x10870] =	vst v2  }
0x2d2: {  	[tilespmem:$0x10880] =	vst v2  }
0x2d3: {  	[tilespmem:$0x10890] =	vst v2  }
0x2d4: {  	[tilespmem:$0x108A0] =	vst v2  }
0x2d5: {  	[tilespmem:$0x108B0] =	vst v2  }
0x2d6: {  	[tilespmem:$0x108C0] =	vst v2  }
0x2d7: {  	[tilespmem:$0x108D0] =	vst v2  }
0x2d8: {  	[tilespmem:$0x108E0] =	vst v2  }
0x2d9: {  	[tilespmem:$0x108F0] =	vst v2  }
0x2da: {  	[tilespmem:$0x10900] =	vst v2  }
0x2db: {  	[tilespmem:$0x10910] =	vst v2  }
0x2dc: {  	[tilespmem:$0x10920] =	vst v2  }
0x2dd: {  	[tilespmem:$0x10930] =	vst v2  }
0x2de: {  	[tilespmem:$0x10940] =	vst v2  }
0x2df: {  	[tilespmem:$0x10950] =	vst v2  }
0x2e0: {  	[tilespmem:$0x10960] =	vst v2  }
0x2e1: {  	[tilespmem:$0x10970] =	vst v2  }
0x2e2: {  	[tilespmem:$0x10980] =	vst v2  }
0x2e3: {  	[tilespmem:$0x10990] =	vst v2  }
0x2e4: {  	[tilespmem:$0x109A0] =	vst v2  }
0x2e5: {  	[tilespmem:$0x109B0] =	vst v2  }
0x2e6: {  	[tilespmem:$0x109C0] =	vst v2  }
0x2e7: {  	[tilespmem:$0x109D0] =	vst v2  }
0x2e8: {  	[tilespmem:$0x109E0] =	vst v2  }
0x2e9: {  	[tilespmem:$0x109F0] =	vst v2  }
0x2ea: {  	[tilespmem:$0x10A00] =	vst v2  }
0x2eb: {  	[tilespmem:$0x10A10] =	vst v2  }
0x2ec: {  	[tilespmem:$0x10A20] =	vst v2  }
0x2ed: {  	[tilespmem:$0x10A30] =	vst v2  }
0x2ee: {  	[tilespmem:$0x10A40] =	vst v2  }
0x2ef: {  	[tilespmem:$0x10A50] =	vst v2  }
0x2f0: {  	[tilespmem:$0x10A60] =	vst v2  }
0x2f1: {  	[tilespmem:$0x10A70] =	vst v2  }
0x2f2: {  	[tilespmem:$0x10A80] =	vst v2  }
0x2f3: {  	[tilespmem:$0x10A90] =	vst v2  }
0x2f4: {  	[tilespmem:$0x10AA0] =	vst v2  }
0x2f5: {  	[tilespmem:$0x10AB0] =	vst v2  }
0x2f6: {  	[tilespmem:$0x10AC0] =	vst v2  }
0x2f7: {  	[tilespmem:$0x10AD0] =	vst v2  }
0x2f8: {  	[tilespmem:$0x10AE0] =	vst v2  }
0x2f9: {  	[tilespmem:$0x10AF0] =	vst v2  }
0x2fa: {  	[tilespmem:$0x10B00] =	vst v2  }
0x2fb: {  	[tilespmem:$0x10B10] =	vst v2  }
0x2fc: {  	[tilespmem:$0x10B20] =	vst v2  }
0x2fd: {  	[tilespmem:$0x10B30] =	vst v2  }
0x2fe: {  	[tilespmem:$0x10B40] =	vst v2  }
0x2ff: {  	[tilespmem:$0x10B50] =	vst v2  }
0x300: {  	[tilespmem:$0x10B60] =	vst v2  }
0x301: {  	[tilespmem:$0x10B70] =	vst v2  }
0x302: {  	[tilespmem:$0x10B80] =	vst v2  }
0x303: {  	[tilespmem:$0x10B90] =	vst v2  }
0x304: {  	[tilespmem:$0x10BA0] =	vst v2  }
0x305: {  	[tilespmem:$0x10BB0] =	vst v2  }
0x306: {  	[tilespmem:$0x10BC0] =	vst v2  }
0x307: {  	[tilespmem:$0x10BD0] =	vst v2  }
0x308: {  	[tilespmem:$0x10BE0] =	vst v2  }
0x309: {  	[tilespmem:$0x10BF0] =	vst v2  }
0x30a: {  	[tilespmem:$0x10C00] =	vst v2  }
0x30b: {  	[tilespmem:$0x10C10] =	vst v2  }
0x30c: {  	[tilespmem:$0x10C20] =	vst v2  }
0x30d: {  	[tilespmem:$0x10C30] =	vst v2  }
0x30e: {  	[tilespmem:$0x10C40] =	vst v2  }
0x30f: {  	[tilespmem:$0x10C50] =	vst v2  }
0x310: {  	[tilespmem:$0x10C60] =	vst v2  }
0x311: {  	[tilespmem:$0x10C70] =	vst v2  }
0x312: {  	[tilespmem:$0x10C80] =	vst v2  }
0x313: {  	[tilespmem:$0x10C90] =	vst v2  }
0x314: {  	[tilespmem:$0x10CA0] =	vst v2  }
0x315: {  	[tilespmem:$0x10CB0] =	vst v2  }
0x316: {  	[tilespmem:$0x10CC0] =	vst v2  }
0x317: {  	[tilespmem:$0x10CD0] =	vst v2  }
0x318: {  	[tilespmem:$0x10CE0] =	vst v2  }
0x319: {  	[tilespmem:$0x10CF0] =	vst v2  }
0x31a: {  	[tilespmem:$0x10D00] =	vst v2  }
0x31b: {  	[tilespmem:$0x10D10] =	vst v2  }
0x31c: {  	[tilespmem:$0x10D20] =	vst v2  }
0x31d: {  	[tilespmem:$0x10D30] =	vst v2  }
0x31e: {  	[tilespmem:$0x10D40] =	vst v2  }
0x31f: {  	[tilespmem:$0x10D50] =	vst v2  }
0x320: {  	[tilespmem:$0x10D60] =	vst v2  }
0x321: {  	[tilespmem:$0x10D70] =	vst v2  }
0x322: {  	[tilespmem:$0x10D80] =	vst v2  }
0x323: {  	[tilespmem:$0x10D90] =	vst v2  }
0x324: {  	[tilespmem:$0x10DA0] =	vst v2  }
0x325: {  	[tilespmem:$0x10DB0] =	vst v2  }
0x326: {  	[tilespmem:$0x10DC0] =	vst v2  }
0x327: {  	[tilespmem:$0x10DD0] =	vst v2  }
0x328: {  	[tilespmem:$0x10DE0] =	vst v2  }
0x329: {  	[tilespmem:$0x10DF0] =	vst v2  }
0x32a: {  	[tilespmem:$0x10E00] =	vst v2  }
0x32b: {  	[tilespmem:$0x10E10] =	vst v2  }
0x32c: {  	[tilespmem:$0x10E20] =	vst v2  }
0x32d: {  	[tilespmem:$0x10E30] =	vst v2  }
0x32e: {  	[tilespmem:$0x10E40] =	vst v2  }
0x32f: {  	[tilespmem:$0x10E50] =	vst v2  }
0x330: {  	[tilespmem:$0x10E60] =	vst v2  }
0x331: {  	[tilespmem:$0x10E70] =	vst v2  }
0x332: {  	[tilespmem:$0x10E80] =	vst v2  }
0x333: {  	[tilespmem:$0x10E90] =	vst v2  }
0x334: {  	[tilespmem:$0x10EA0] =	vst v2  }
0x335: {  	[tilespmem:$0x10EB0] =	vst v2  }
0x336: {  	[tilespmem:$0x10EC0] =	vst v2  }
0x337: {  	[tilespmem:$0x10ED0] =	vst v2  }
0x338: {  	[tilespmem:$0x10EE0] =	vst v2  }
0x339: {  	[tilespmem:$0x10EF0] =	vst v2  }
0x33a: {  	[tilespmem:$0x10F00] =	vst v2  }
0x33b: {  	[tilespmem:$0x10F10] =	vst v2  }
0x33c: {  	[tilespmem:$0x10F20] =	vst v2  }
0x33d: {  	[tilespmem:$0x10F30] =	vst v2  }
0x33e: {  	[tilespmem:$0x10F40] =	vst v2  }
0x33f: {  	[tilespmem:$0x10F50] =	vst v2  }
0x340: {  	[tilespmem:$0x10F60] =	vst v2  }
0x341: {  	[tilespmem:$0x10F70] =	vst v2  }
0x342: {  	[tilespmem:$0x10F80] =	vst v2  }
0x343: {  	[tilespmem:$0x10F90] =	vst v2  }
0x344: {  	[tilespmem:$0x10FA0] =	vst v2  }
0x345: {  	[tilespmem:$0x10FB0] =	vst v2  }
0x346: {  	[tilespmem:$0x10FC0] =	vst v2  }
0x347: {  	[tilespmem:$0x10FD0] =	vst v2  }
0x348: {  	[tilespmem:$0x10FE0] =	vst v2  }
0x349: {  	[tilespmem:$0x10FF0] =	vst v2  }
0x34a: {  	[tilespmem:s3], [sflag:$0x1] =	stream.linear.gather [hbm4b:s4+s3], $0x8000, $0x38;
	[tilespmem:$0x11100] =	vst v63  }
0x34b: {  	s17 =	simm.s32 $0x0  }
0x34c: {  	[tilespmem:s10], [sflag:$0x2] =	stream.linear.gather [hbm4b:s5+s3], $0x8000, $0x38;
	[tilespmem:$0x11100] =	vst v63  }
.LBB2_2:
0x34d: {  	_ =	swait.ge [sflag:s11], $0x8000;
	s18 =	simm.s32 $0x0  }
0x34e: {  	[sflag:s11] =	ssyncset.done $0x0;
	s19 =	sand.u32 $0x7C00, s18;
	s18 =	sand.u32 $0x380, s18  }
0x34f: {  	[sflag:s11] =	ssyncadd.s32 $0xFFFF8000;
	s18 =	sor.u32 s18, s19  }
0x350: {  	v4 =	vld [tilespmem:s18+$0x70]  }
0x351: {  	v5 =	vld [tilespmem:s18+$0x0]  }
0x352: {  	v6 =	vld [tilespmem:s18+$0x10]  }
0x353: {  	v7 =	vld [tilespmem:s18+$0x20]  }
0x354: {  	v8 =	vld [tilespmem:s18+$0x30]  }
0x355: {  	v9 =	vld [tilespmem:s18+$0x40]  }
0x356: {  	v10 =	vld [tilespmem:s18+$0x50]  }
0x357: {  	v11 =	vld [tilespmem:s18+$0x60];
	v4 =	vmul.f32 $1.003921510e+00, v4  }
0x358: {  	v5 =	vmul.f32 $1.003921510e+00, v5;
	v6 =	vmul.f32 $1.003921510e+00, v6  }
0x359: {  	v7 =	vmul.f32 $1.003921510e+00, v7;
	v8 =	vmul.f32 $1.003921510e+00, v8  }
0x35a: {  	s30 =	simm.s32 $0x4;
	s31 =	simm.s32 $0x400;
	v9 =	vmul.f32 $1.003921510e+00, v9;
	v4 =	vtrunc.f32 v4  }
0x35b: {  	s19 =	sand.u32 $0x7C00, s31;
	s18 =	sand.u32 $0x380, s30;
	v10 =	vmul.f32 $1.003921510e+00, v10;
	v4 =	vcvt.f32.s32 v4  }
0x35c: {  	s18 =	sor.u32 s18, s19;
	v11 =	vmul.f32 $1.003921510e+00, v11;
	v5 =	vtrunc.f32 v5  }
0x35d: {  	v12 =	vld [tilespmem:s18+$0x70];
	v6 =	vtrunc.f32 v6;
	v7 =	vtrunc.f32 v7;
	v4 =	vshll.u32 v4, $0x4  }
0x35e: {  	v8 =	vtrunc.f32 v8;
	v9 =	vtrunc.f32 v9;
	v4 =	vor.u32 v0, v4  }
0x35f: {  	v13 =	vld [tilespmem:s18+$0x10];
	v10 =	vtrunc.f32 v10;
	v7 =	vcvt.f32.s32 v7  }
0x360: {  	v14 =	vld [tilespmem:s18+$0x20];
	v5 =	vcvt.f32.s32 v5;
	v6 =	vcvt.f32.s32 v6  }
0x361: {  	v15 =	vld [tilespmem:s18+$0x30];
	v8 =	vcvt.f32.s32 v8;
	v9 =	vcvt.f32.s32 v9;
	v7 =	vshll.u32 v7, $0x4  }
0x362: {  	v5 =	vshll.u32 v5, $0x4;
	v16 =	vor.u32 v0, v7;
	v7 =	vmul.f32 $1.003921510e+00, v12;
	v12 =	vld [tilespmem:s18+$0x50]  }
0x363: {  	v10 =	vcvt.f32.s32 v10;
	v6 =	vshll.u32 v6, $0x4;
	v5 =	vor.u32 v0, v5;
	[tilespmem:v4+s12+$0x0] =	vst.idx.add.f32.msk $0xffff, v3  }
0x364: {  	v9 =	vshll.u32 v9, $0x4;
	v6 =	vor.u32 v0, v6;
	v4 =	vtrunc.f32 v11;
	v11 =	vld [tilespmem:s18+$0x0]  }
0x365: {  	v8 =	vshll.u32 v8, $0x4;
	v19 =	vor.u32 v0, v9;
	v9 =	vmul.f32 $1.003921510e+00, v13;
	v13 =	vld [tilespmem:s18+$0x60]  }
0x366: {  	v17 =	vld [tilespmem:s18+$0x40];
	v18 =	vor.u32 v0, v8;
	v7 =	vtrunc.f32 v7;
	v4 =	vcvt.f32.s32 v4  }
0x367: {  	v14 =	vmul.f32 $1.003921510e+00, v14;
	v10 =	vshll.u32 v10, $0x4;
	v20 =	vcvt.f32.s32 v7  }
0x368: {  	[tilespmem:v5+s12+$0x0] =	vst.idx.add.f32.msk $0xffff, v3;
	v5 =	vor.u32 v0, v10;
	v10 =	vmul.f32 $1.003921510e+00, v15;
	v4 =	vshll.u32 v4, $0x4  }
0x369: {  	[tilespmem:v6+s12+$0x0] =	vst.idx.add.f32.msk $0xffff, v3;
	v12 =	vmul.f32 $1.003921510e+00, v12;
	v4 =	vor.u32 v0, v4;
	v8 =	vmul.f32 $1.003921510e+00, v11  }
0x36a: {  	[tilespmem:v16+s12+$0x0] =	vst.idx.add.f32.msk $0xffff, v3;
	v6 =	vshll.u32 v20, $0x4;
	v13 =	vmul.f32 $1.003921510e+00, v13;
	v10 =	vtrunc.f32 v10  }
0x36b: {  	[tilespmem:v18+s12+$0x0] =	vst.idx.add.f32.msk $0xffff, v3;
	v6 =	vor.u32 v0, v6;
	v11 =	vmul.f32 $1.003921510e+00, v17;
	v7 =	vtrunc.f32 v8  }
0x36c: {  	s20 =	simm.s32 $0x800;
	s19 =	simm.s32 $0x8;
	s18 =	simm.s32 $0x80;
	[tilespmem:v19+s12+$0x0] =	vst.idx.add.f32.msk $0xffff, v3;
	v8 =	vtrunc.f32 v9;
	v9 =	vtrunc.f32 v14  }
.LBB2_3:
0x36d: {  	s21 =	sand.u32 $0x7C00, s20;
	s22 =	sand.u32 $0x380, s19;
	v11 =	vtrunc.f32 v11;
	v12 =	vtrunc.f32 v12;
	[tilespmem:v5+s12+$0x0] =	vst.idx.add.f32.msk $0xffff, v3  }
0x36e: {  	s18 =	sadd.s32 $0x80, s18;
	v5 =	vcvt.f32.s32 v7;
	s21 =	sor.u32 s22, s21;
	v7 =	vtrunc.f32 v13;
	[tilespmem:v4+s12+$0x0] =	vst.idx.add.f32.msk $0xffff, v3  }
0x36f: {  	v8 =	vcvt.f32.s32 v8;
	v9 =	vcvt.f32.s32 v9;
	p0 =	slt.u32 s18, $0x7F80;
	v4 =	vld [tilespmem:s21+$0x70]  }
0x370: {  	v10 =	vcvt.f32.s32 v10;
	v11 =	vcvt.f32.s32 v11;
	v5 =	vshll.u32 v5, $0x4;
	[tilespmem:v6+s12+$0x0] =	vst.idx.add.f32.msk $0xffff, v3  }
0x371: {  	v12 =	vcvt.f32.s32 v12;
	v8 =	vshll.u32 v8, $0x4;
	v7 =	vcvt.f32.s32 v7;
	v6 =	vld [tilespmem:s21+$0x0]  }
0x372: {  	v9 =	vshll.u32 v9, $0x4;
	v10 =	vshll.u32 v10, $0x4;
	v11 =	vshll.u32 v11, $0x4;
	v13 =	vld [tilespmem:s21+$0x10]  }
0x373: {  	v15 =	vor.u32 v0, v5;
	v5 =	vshll.u32 v12, $0x4;
	v7 =	vshll.u32 v7, $0x4;
	v14 =	vld [tilespmem:s21+$0x20]  }
0x374: {  	v8 =	vor.u32 v0, v8;
	v9 =	vor.u32 v0, v9;
	v10 =	vor.u32 v0, v10;
	v12 =	vld [tilespmem:s21+$0x30]  }
0x375: {  	v18 =	vor.u32 v0, v11;
	v5 =	vor.u32 v0, v5;
	v17 =	vmul.f32 $1.003921510e+00, v4;
	v16 =	vld [tilespmem:s21+$0x40]  }
0x376: {  	v4 =	vor.u32 v0, v7;
	v6 =	vmul.f32 $1.003921510e+00, v6;
	v19 =	vld [tilespmem:s21+$0x50]  }
0x377: {  	v7 =	vtrunc.f32 v17;
	v11 =	vmul.f32 $1.003921510e+00, v13;
	v13 =	vld [tilespmem:s21+$0x60]  }
.Ltmp2:
0x378: {  	v17 =	vcvt.f32.s32 v7;
	v14 =	vmul.f32 $1.003921510e+00, v14;
	[tilespmem:v15+s12+$0x0] =	vst.idx.add.f32.msk $0xffff, v3;
	(pc) =	sbr.rel @p0 .LBB2_3-.Ltmp2, $4  }
0x379: {  	v7 =	vtrunc.f32 v6;
	v15 =	vmul.f32 $1.003921510e+00, v12;
	[tilespmem:v8+s12+$0x0] =	vst.idx.add.f32.msk $0xffff, v3  }
0x37a: {  	v8 =	vtrunc.f32 v11;
	v6 =	vshll.u32 v17, $0x4;
	v11 =	vmul.f32 $1.003921510e+00, v16;
	[tilespmem:v9+s12+$0x0] =	vst.idx.add.f32.msk $0xffff, v3  }
0x37b: {  	v9 =	vtrunc.f32 v14;
	v6 =	vor.u32 v0, v6;
	v12 =	vmul.f32 $1.003921510e+00, v19;
	[tilespmem:v10+s12+$0x0] =	vst.idx.add.f32.msk $0xffff, v3  }
0x37c: {  	s19 =	sadd.s32 $0x4, s19;
	s20 =	sadd.s32 $0x400, s20;
	v10 =	vtrunc.f32 v15;
	v13 =	vmul.f32 $1.003921510e+00, v13;
	[tilespmem:v18+s12+$0x0] =	vst.idx.add.f32.msk $0xffff, v3  }
0x37d: {  	v11 =	vtrunc.f32 v11;
	v7 =	vcvt.f32.s32 v7  }
0x37e: {  	v12 =	vtrunc.f32 v12;
	v8 =	vcvt.f32.s32 v8  }
0x37f: {  	v9 =	vcvt.f32.s32 v9;
	v10 =	vcvt.f32.s32 v10;
	v7 =	vshll.u32 v7, $0x4  }
0x380: {  	v13 =	vtrunc.f32 v13;
	v8 =	vshll.u32 v8, $0x4;
	v7 =	vor.u32 v0, v7  }
0x381: {  	v11 =	vcvt.f32.s32 v11;
	v9 =	vshll.u32 v9, $0x4;
	v8 =	vor.u32 v0, v8  }
0x382: {  	[tilespmem:v5+s12+$0x0] =	vst.idx.add.f32.msk $0xffff, v3;
	v5 =	vcvt.f32.s32 v12;
	v10 =	vshll.u32 v10, $0x4;
	v9 =	vor.u32 v0, v9  }
0x383: {  	[tilespmem:v4+s12+$0x0] =	vst.idx.add.f32.msk $0xffff, v3;
	v4 =	vcvt.f32.s32 v13;
	v11 =	vshll.u32 v11, $0x4;
	v10 =	vor.u32 v0, v10  }
0x384: {  	[tilespmem:v6+s12+$0x0] =	vst.idx.add.f32.msk $0xffff, v3;
	v5 =	vshll.u32 v5, $0x4;
	v6 =	vor.u32 v0, v11  }
0x385: {  	v4 =	vshll.u32 v4, $0x4;
	v5 =	vor.u32 v0, v5;
	[tilespmem:v7+s12+$0x0] =	vst.idx.add.f32.msk $0xffff, v3  }
0x386: {  	v4 =	vor.u32 v0, v4;
	[tilespmem:v8+s12+$0x0] =	vst.idx.add.f32.msk $0xffff, v3  }
0x387: {  	s18 =	sshll.u32 s17, $0x1;
	p0 =	seq.s32 s17, $0xF;
	[tilespmem:v9+s12+$0x0] =	vst.idx.add.f32.msk $0xffff, v3  }
0x388: {  	s19 =	sadd.s32 @!p0 s18, s6;
	[tilespmem:v10+s12+$0x0] =	vst.idx.add.f32.msk $0xffff, v3  }
0x389: {  	s19 =	sshll.u32 @!p0 s19, $0xC;
	[tilespmem:v6+s12+$0x0] =	vst.idx.add.f32.msk $0xffff, v3  }
0x38a: {  	s19 =	sand.u32 @!p0 $0x1FFFE000, s19;
	[tilespmem:v5+s12+$0x0] =	vst.idx.add.f32.msk $0xffff, v3  }
0x38b: {  	s20 =	simm.s32 @!p0 $0x0;
	s19 =	sadd.s32 @!p0 s0, s19;
	[tilespmem:v4+s12+$0x0] =	vst.idx.add.f32.msk $0xffff, v3  }
0x38c: {  	[tilespmem:s20], [sflag:$0x1] =	stream.linear.gather @!p0 [hbm4b:s19+s20], $0x8000, $0x38;
	[tilespmem:$0x11100] =	vst v63  }
0x38d: {  	s28 =	simm.s32 $0x0;
	_ =	swait.ge [sflag:s13], $0x8000  }
0x38e: {  	s29 =	sand.u32 $0x7C00, s28;
	s19 =	sand.u32 $0x380, s28;
	[sflag:s13] =	ssyncset.done $0x0  }
0x38f: {  	s19 =	sor.u32 s19, s29;
	[sflag:s13] =	ssyncadd.s32 $0xFFFF8000  }
0x390: {  	v4 =	vld [tilespmem:s19+$0x8070]  }
0x391: {  	v5 =	vld [tilespmem:s19+$0x8000]  }
0x392: {  	v6 =	vld [tilespmem:s19+$0x8010]  }
0x393: {  	v7 =	vld [tilespmem:s19+$0x8020]  }
0x394: {  	v8 =	vld [tilespmem:s19+$0x8030]  }
0x395: {  	v9 =	vld [tilespmem:s19+$0x8040]  }
0x396: {  	v10 =	vld [tilespmem:s19+$0x8050]  }
0x397: {  	v11 =	vld [tilespmem:s19+$0x8060];
	v4 =	vmul.f32 $1.003921510e+00, v4  }
0x398: {  	v5 =	vmul.f32 $1.003921510e+00, v5;
	v6 =	vmul.f32 $1.003921510e+00, v6  }
0x399: {  	v7 =	vmul.f32 $1.003921510e+00, v7;
	v8 =	vmul.f32 $1.003921510e+00, v8  }
0x39a: {  	s30 =	simm.s32 $0x4;
	s31 =	simm.s32 $0x400;
	v9 =	vmul.f32 $1.003921510e+00, v9;
	v4 =	vtrunc.f32 v4  }
0x39b: {  	s20 =	sand.u32 $0x7C00, s31;
	s19 =	sand.u32 $0x380, s30;
	v10 =	vmul.f32 $1.003921510e+00, v10;
	v4 =	vcvt.f32.s32 v4  }
0x39c: {  	s19 =	sor.u32 s19, s20;
	v11 =	vmul.f32 $1.003921510e+00, v11;
	v5 =	vtrunc.f32 v5  }
0x39d: {  	v12 =	vld [tilespmem:s19+$0x8070];
	v6 =	vtrunc.f32 v6;
	v7 =	vtrunc.f32 v7;
	v4 =	vshll.u32 v4, $0x4  }
0x39e: {  	v8 =	vtrunc.f32 v8;
	v9 =	vtrunc.f32 v9;
	v4 =	vor.u32 v0, v4  }
0x39f: {  	v13 =	vld [tilespmem:s19+$0x8010];
	v10 =	vtrunc.f32 v10;
	v7 =	vcvt.f32.s32 v7  }
0x3a0: {  	v14 =	vld [tilespmem:s19+$0x8020];
	v5 =	vcvt.f32.s32 v5;
	v6 =	vcvt.f32.s32 v6  }
0x3a1: {  	v15 =	vld [tilespmem:s19+$0x8030];
	v8 =	vcvt.f32.s32 v8;
	v9 =	vcvt.f32.s32 v9;
	v7 =	vshll.u32 v7, $0x4  }
0x3a2: {  	v5 =	vshll.u32 v5, $0x4;
	v16 =	vor.u32 v0, v7;
	v7 =	vmul.f32 $1.003921510e+00, v12;
	v12 =	vld [tilespmem:s19+$0x8050]  }
0x3a3: {  	v10 =	vcvt.f32.s32 v10;
	v6 =	vshll.u32 v6, $0x4;
	v5 =	vor.u32 v0, v5;
	[tilespmem:v4+s12+$0x0] =	vst.idx.add.f32.msk $0xffff, v3  }
0x3a4: {  	v9 =	vshll.u32 v9, $0x4;
	v6 =	vor.u32 v0, v6;
	v4 =	vtrunc.f32 v11;
	v11 =	vld [tilespmem:s19+$0x8000]  }
0x3a5: {  	v8 =	vshll.u32 v8, $0x4;
	v19 =	vor.u32 v0, v9;
	v9 =	vmul.f32 $1.003921510e+00, v13;
	v13 =	vld [tilespmem:s19+$0x8060]  }
0x3a6: {  	v17 =	vld [tilespmem:s19+$0x8040];
	v18 =	vor.u32 v0, v8;
	v7 =	vtrunc.f32 v7;
	v4 =	vcvt.f32.s32 v4  }
0x3a7: {  	v14 =	vmul.f32 $1.003921510e+00, v14;
	v10 =	vshll.u32 v10, $0x4;
	v20 =	vcvt.f32.s32 v7  }
0x3a8: {  	[tilespmem:v5+s12+$0x0] =	vst.idx.add.f32.msk $0xffff, v3;
	v5 =	vor.u32 v0, v10;
	v10 =	vmul.f32 $1.003921510e+00, v15;
	v4 =	vshll.u32 v4, $0x4  }
0x3a9: {  	[tilespmem:v6+s12+$0x0] =	vst.idx.add.f32.msk $0xffff, v3;
	v12 =	vmul.f32 $1.003921510e+00, v12;
	v4 =	vor.u32 v0, v4;
	v8 =	vmul.f32 $1.003921510e+00, v11  }
0x3aa: {  	[tilespmem:v16+s12+$0x0] =	vst.idx.add.f32.msk $0xffff, v3;
	v6 =	vshll.u32 v20, $0x4;
	v13 =	vmul.f32 $1.003921510e+00, v13;
	v10 =	vtrunc.f32 v10  }
0x3ab: {  	[tilespmem:v18+s12+$0x0] =	vst.idx.add.f32.msk $0xffff, v3;
	v6 =	vor.u32 v0, v6;
	v11 =	vmul.f32 $1.003921510e+00, v17;
	v7 =	vtrunc.f32 v8  }
0x3ac: {  	s21 =	simm.s32 $0x800;
	s20 =	simm.s32 $0x8;
	s19 =	simm.s32 $0x80;
	[tilespmem:v19+s12+$0x0] =	vst.idx.add.f32.msk $0xffff, v3;
	v8 =	vtrunc.f32 v9;
	v9 =	vtrunc.f32 v14  }
.LBB2_5:
0x3ad: {  	s22 =	sand.u32 $0x7C00, s21;
	s23 =	sand.u32 $0x380, s20;
	v11 =	vtrunc.f32 v11;
	v12 =	vtrunc.f32 v12;
	[tilespmem:v5+s12+$0x0] =	vst.idx.add.f32.msk $0xffff, v3  }
0x3ae: {  	s19 =	sadd.s32 $0x80, s19;
	v5 =	vcvt.f32.s32 v7;
	s22 =	sor.u32 s23, s22;
	v7 =	vtrunc.f32 v13;
	[tilespmem:v4+s12+$0x0] =	vst.idx.add.f32.msk $0xffff, v3  }
0x3af: {  	v8 =	vcvt.f32.s32 v8;
	v9 =	vcvt.f32.s32 v9;
	p1 =	slt.u32 s19, $0x7F80;
	v4 =	vld [tilespmem:s22+$0x8070]  }
0x3b0: {  	v10 =	vcvt.f32.s32 v10;
	v11 =	vcvt.f32.s32 v11;
	v5 =	vshll.u32 v5, $0x4;
	[tilespmem:v6+s12+$0x0] =	vst.idx.add.f32.msk $0xffff, v3  }
0x3b1: {  	v12 =	vcvt.f32.s32 v12;
	v8 =	vshll.u32 v8, $0x4;
	v7 =	vcvt.f32.s32 v7;
	v6 =	vld [tilespmem:s22+$0x8000]  }
0x3b2: {  	v9 =	vshll.u32 v9, $0x4;
	v10 =	vshll.u32 v10, $0x4;
	v11 =	vshll.u32 v11, $0x4;
	v13 =	vld [tilespmem:s22+$0x8010]  }
0x3b3: {  	v15 =	vor.u32 v0, v5;
	v5 =	vshll.u32 v12, $0x4;
	v7 =	vshll.u32 v7, $0x4;
	v14 =	vld [tilespmem:s22+$0x8020]  }
0x3b4: {  	v8 =	vor.u32 v0, v8;
	v9 =	vor.u32 v0, v9;
	v10 =	vor.u32 v0, v10;
	v12 =	vld [tilespmem:s22+$0x8030]  }
0x3b5: {  	v18 =	vor.u32 v0, v11;
	v5 =	vor.u32 v0, v5;
	v17 =	vmul.f32 $1.003921510e+00, v4;
	v16 =	vld [tilespmem:s22+$0x8040]  }
0x3b6: {  	v4 =	vor.u32 v0, v7;
	v6 =	vmul.f32 $1.003921510e+00, v6;
	v19 =	vld [tilespmem:s22+$0x8050]  }
0x3b7: {  	v7 =	vtrunc.f32 v17;
	v11 =	vmul.f32 $1.003921510e+00, v13;
	v13 =	vld [tilespmem:s22+$0x8060]  }
.Ltmp3:
0x3b8: {  	v17 =	vcvt.f32.s32 v7;
	v14 =	vmul.f32 $1.003921510e+00, v14;
	[tilespmem:v15+s12+$0x0] =	vst.idx.add.f32.msk $0xffff, v3;
	(pc) =	sbr.rel @p1 .LBB2_5-.Ltmp3, $4  }
0x3b9: {  	v7 =	vtrunc.f32 v6;
	v15 =	vmul.f32 $1.003921510e+00, v12;
	[tilespmem:v8+s12+$0x0] =	vst.idx.add.f32.msk $0xffff, v3  }
0x3ba: {  	v8 =	vtrunc.f32 v11;
	v6 =	vshll.u32 v17, $0x4;
	v11 =	vmul.f32 $1.003921510e+00, v16;
	[tilespmem:v9+s12+$0x0] =	vst.idx.add.f32.msk $0xffff, v3  }
0x3bb: {  	v9 =	vtrunc.f32 v14;
	v6 =	vor.u32 v0, v6;
	v12 =	vmul.f32 $1.003921510e+00, v19;
	[tilespmem:v10+s12+$0x0] =	vst.idx.add.f32.msk $0xffff, v3  }
0x3bc: {  	s20 =	sadd.s32 $0x4, s20;
	s21 =	sadd.s32 $0x400, s21;
	v10 =	vtrunc.f32 v15;
	v13 =	vmul.f32 $1.003921510e+00, v13;
	[tilespmem:v18+s12+$0x0] =	vst.idx.add.f32.msk $0xffff, v3  }
0x3bd: {  	v11 =	vtrunc.f32 v11;
	v7 =	vcvt.f32.s32 v7  }
0x3be: {  	v12 =	vtrunc.f32 v12;
	v8 =	vcvt.f32.s32 v8  }
0x3bf: {  	v9 =	vcvt.f32.s32 v9;
	v10 =	vcvt.f32.s32 v10;
	v7 =	vshll.u32 v7, $0x4  }
0x3c0: {  	v13 =	vtrunc.f32 v13;
	v8 =	vshll.u32 v8, $0x4;
	v7 =	vor.u32 v0, v7  }
0x3c1: {  	v11 =	vcvt.f32.s32 v11;
	v9 =	vshll.u32 v9, $0x4;
	v8 =	vor.u32 v0, v8  }
0x3c2: {  	[tilespmem:v5+s12+$0x0] =	vst.idx.add.f32.msk $0xffff, v3;
	v5 =	vcvt.f32.s32 v12;
	v10 =	vshll.u32 v10, $0x4;
	v9 =	vor.u32 v0, v9  }
0x3c3: {  	[tilespmem:v4+s12+$0x0] =	vst.idx.add.f32.msk $0xffff, v3;
	v4 =	vcvt.f32.s32 v13;
	v11 =	vshll.u32 v11, $0x4;
	v10 =	vor.u32 v0, v10  }
0x3c4: {  	[tilespmem:v6+s12+$0x0] =	vst.idx.add.f32.msk $0xffff, v3;
	v5 =	vshll.u32 v5, $0x4;
	v19 =	vor.u32 v0, v11  }
0x3c5: {  	v4 =	vshll.u32 v4, $0x4;
	v5 =	vor.u32 v0, v5;
	[tilespmem:v7+s12+$0x0] =	vst.idx.add.f32.msk $0xffff, v3  }
0x3c6: {  	v4 =	vor.u32 v0, v4;
	[tilespmem:v8+s12+$0x0] =	vst.idx.add.f32.msk $0xffff, v3  }
.Ltmp4:
0x3c7: {  	[tilespmem:v9+s12+$0x0] =	vst.idx.add.f32.msk $0xffff, v3;
	(pc) =	sbr.rel @p0 .LBB2_8-.Ltmp4, $4  }
0x3c8: {  	[tilespmem:v10+s12+$0x0] =	vst.idx.add.f32.msk $0xffff, v3  }
0x3c9: {  	[tilespmem:v19+s12+$0x0] =	vst.idx.add.f32.msk $0xffff, v3  }
0x3ca: {  	[tilespmem:v5+s12+$0x0] =	vst.idx.add.f32.msk $0xffff, v3  }
0x3cb: {  	[tilespmem:v4+s12+$0x0] =	vst.idx.add.f32.msk $0xffff, v3  }
.Ltmp5:
0x3cc: {  	(pc) =	sbr.rel .LBB2_2-.Ltmp5, $4  }
0x3cd: {  	s18 =	sadd.s32 s18, s7  }
0x3ce: {  	s18 =	sshll.u32 s18, $0xC  }
0x3cf: {  	s17 =	sadd.s32 $0x1, s17;
	s18 =	sadd.s32 s0, s18  }
0x3d0: {  	[tilespmem:s10], [sflag:$0x2] =	stream.linear.gather [hbm4b:s18+s3], $0x8000, $0x38;
	[tilespmem:$0x11100] =	vst v63  }
.LBB2_9:
0x3d1: {  	_ =	sfence.sel $0x180000  }
0x3d2: {  	[bflag:$0x0] =	sbarrier.arrive $0xFFFF  }
0x3d3: {  	p0 =	sne.s32 s2, $0x0;
	_ =	strace $0x90000047  }
0x3d4: {  	s0 =	sadd.s32 @!p0 $0x100000, s1;
	[bflag:$0x2] =	sbarrier.arrive $0xFFFF  }
0x3d5: {  	[sflag:s0] =	ssyncadd.tile.s32 @!p0 $0x1;
	_ =	shalt  }
.Lfunc_end2:
_tile_overlayer_lowered:
.L_overlay_start_2:
0x3d6: {  	(tag) =	ssettag $0x2  }
0x3d7: {  	s0 =	rddreg [dreg:$0x0];
	s2 =	stileid.u32  }
0x3d8: {  	s1 =	rddreg [dreg:$0x1];
	p0 =	sne.s32 s2, $0x0  }
0x3d9: {  	s3 =	rddreg [dreg:$0x2];
	[bflag:$0x3] =	sbarrier.arrive $0xFFFF;
	s2 =	simm.s32 @!p0 $0x1C03  }
0x3da: {  	[timem:s3], [sflag:s2] =	dma.local @!p0 [hbm:s0], s1  }
0x3db: {  	s0 =	simm.s32 @!p0 $0x3  }
0x3dc: {  	_ =	swait.ge @!p0 [sflag:s0], s1  }
0x3dd: {  	s1 =	ssub.s32 @!p0 $0x0, s1;
	[sflag:s0] =	ssyncset.done @!p0 $0x0  }
0x3de: {  	[sflag:s0] =	ssyncadd.s32 @!p0 s1  }
0x3df: {  	[bflag:$0x3] =	sbarrier.arrive $0xFFFF  }
0x3e0: {  	_ =	shalt  }

</sc_bundles>
